<compile_context>
chip_gen: v7x
topology: tpu7x:2x2x1
jax: 0.10.2.dev20260603
libtpu: 0.0.44.dev20260713+nightly
codegen_flags: <defaults>
</compile_context>

<pallas_src>
import functools

import numpy as np
import jax
import jax.numpy as jnp
from jax import lax
from jax.experimental import pallas as pl
from jax.experimental.pallas import tpu as pltpu
from jax.experimental.pallas import tpu_sc as plsc

EMB = 64
SEQ_LEN = 200
CHUNK = SEQ_LEN
HALF = CHUNK // 2
NBUF = 4
LANES = 16
VPR = EMB // LANES


def _pos_enc(length, depth):
    half = depth / 2
    positions = np.arange(length)[:, np.newaxis]
    depths = np.arange(half)[np.newaxis, :] / half
    angle_rates = 1 / 10000 ** depths
    angle_rads = positions * angle_rates
    return np.concatenate(
        [np.sin(angle_rads), np.cos(angle_rads)], axis=-1
    ).astype(np.float32)


_POS = _pos_enc(SEQ_LEN, EMB)


def kernel(x, table):
    B, S = x.shape
    V, D = table.shape
    assert S == SEQ_LEN and D == EMB

    info = plsc.get_sparse_core_info()
    NW = info.num_cores * info.num_subcores
    NC = info.num_cores

    n_rows = B * S
    rows_per_w = n_rows // NW
    n_chunks = rows_per_w // CHUNK

    x_idx = x.reshape(NW, rows_per_w // HALF, HALF).astype(jnp.int32)

    mesh = plsc.VectorSubcoreMesh(core_axis_name="c", subcore_axis_name="s")

    @functools.partial(
        pl.kernel,
        mesh=mesh,
        out_type=jax.ShapeDtypeStruct((n_rows, D), jnp.float32),
        compiler_params=pltpu.CompilerParams(use_tc_tiling_on_sc=False),
        scratch_types=[
            pltpu.VMEM((rows_per_w // HALF, HALF), jnp.int32),
            pltpu.VMEM((NBUF, CHUNK, D), jnp.float32),
            pltpu.VMEM((NBUF, CHUNK, D), jnp.float32),
            pltpu.VMEM((CHUNK, D), jnp.float32),
            pltpu.SemaphoreType.DMA((NBUF,)),
            pltpu.SemaphoreType.DMA((NBUF,)),
        ],
    )
    def k(x_hbm, table_hbm, pos_hbm, out_hbm,
          idx_v, gbuf, obuf, pos_v, gsem, ssem):
        wid = lax.axis_index("s") * NC + lax.axis_index("c")
        base_row = wid * rows_per_w

        pltpu.sync_copy(pos_hbm, pos_v)
        pltpu.sync_copy(x_hbm.at[wid], idx_v)

        def start_gather(c, b):
            pltpu.async_copy(table_hbm.at[idx_v.at[2 * c]],
                             gbuf.at[b, pl.ds(0, HALF)], gsem.at[b])
            pltpu.async_copy(table_hbm.at[idx_v.at[2 * c + 1]],
                             gbuf.at[b, pl.ds(HALF, HALF)], gsem.at[b])

        def wait_gather(b):
            pltpu.make_async_copy(table_hbm.at[idx_v.at[0]],
                                  gbuf.at[b, pl.ds(0, HALF)],
                                  gsem.at[b]).wait()
            pltpu.make_async_copy(table_hbm.at[idx_v.at[0]],
                                  gbuf.at[b, pl.ds(HALF, HALF)],
                                  gsem.at[b]).wait()

        def wait_scatter(b):
            pltpu.make_async_copy(obuf.at[b],
                                  out_hbm.at[pl.ds(0, CHUNK)],
                                  ssem.at[b]).wait()

        for b in range(NBUF):
            start_gather(b, b)

        def outer(i, carry):
            for b in range(NBUF):
                c = i * NBUF + b
                wait_gather(b)

                @pl.when(c >= NBUF)
                def _():
                    wait_scatter(b)

                def row_body(r, rc):
                    for j in range(VPR):
                        sl = pl.ds(j * LANES, LANES)
                        obuf[b, r, sl] = gbuf[b, r, sl] * 8.0 + pos_v[r, sl]
                    return rc

                lax.fori_loop(0, CHUNK, row_body, 0, unroll=4)

                @pl.when(c + NBUF < n_chunks)
                def _():
                    start_gather(c + NBUF, b)

                pltpu.async_copy(
                    obuf.at[b],
                    out_hbm.at[pl.ds(base_row + c * CHUNK, CHUNK)],
                    ssem.at[b])
            return carry

        lax.fori_loop(0, n_chunks // NBUF, outer, 0)

        for b in range(NBUF):
            wait_scatter(b)

    out = k(x_idx, table, jnp.asarray(_POS))
    return out.reshape(B, S, D)

# --- scband reference (transcript-rebuilt; emitter-appended) ---
"""Pipeline reference for scband-positional-embedding-48601849921936 (READ-ONLY COPY).

The authoritative reference and input builder live on the scoring server;
editing this copy changes nothing except your own understanding.
"""

import jax, jax.numpy as jnp
import numpy as np

VOCAB = 1000000
EMB_DIM = 64
BATCH = 1024
SEQ = 200

def positional_encoding(length, depth):
    half = depth / 2
    positions = np.arange(length)[:, np.newaxis]
    depths = np.arange(half)[np.newaxis, :] / half
    angle_rates = 1 / 10000 ** depths
    angle_rads = positions * angle_rates
    sin = np.sin(angle_rads)
    cos = np.cos(angle_rads)
    pos = np.concatenate([sin, cos], axis=-1)
    return jnp.asarray(pos, dtype=jnp.float32)

POS_ENC = positional_encoding(2048, EMB_DIM)

def setup_inputs(seed: int = 0) -> dict:
    key = jax.random.key(seed)
    k1, k2 = jax.random.split(key)
    x = jax.random.randint(k1, (BATCH, SEQ), 0, VOCAB, dtype=jnp.int64 if jax.config.jax_enable_x64 else jnp.int32)
    # Keras Embedding default init: uniform(-0.05, 0.05)
    table = jax.random.uniform(k2, (VOCAB, EMB_DIM), dtype=jnp.float32, minval=-0.05, maxval=0.05)
    return {"x": x, "table": table}

def reference(x, table):
    length = x.shape[1]
    emb = jnp.take(table, x, axis=0)
    emb = emb * jnp.sqrt(jnp.asarray(EMB_DIM, dtype=jnp.float32))
    emb = emb + POS_ENC[jnp.newaxis, :length, :]
    return emb

if __name__ == "__main__":
    import jax
    _d = setup_inputs()
    print(jax.jit(kernel)(*tuple(_d.values())))

</pallas_src>

<mosaic_0001>
#map = affine_map<(d0, d1) -> (0, 0, 0)>
#map1 = affine_map<(d0, d1) -> (0, 0)>
module attributes {stable_mosaic.version = 14 : i64} {
  func.func @k(%arg0: i32, %arg1: i32, %arg2: memref<32x64x100xi32, #tpu.memory_space<hbm>>, %arg3: memref<1000000x64xf32, #tpu.memory_space<hbm>>, %arg4: memref<200x64xf32, #tpu.memory_space<hbm>>, %arg5: memref<204800x64xf32, #tpu.memory_space<hbm>>, %arg6: memref<64x100xi32, #tpu.memory_space<vmem>>, %arg7: memref<4x200x64xf32, #tpu.memory_space<vmem>>, %arg8: memref<4x200x64xf32, #tpu.memory_space<vmem>>, %arg9: memref<200x64xf32, #tpu.memory_space<vmem>>, %arg10: memref<4x!tpu.dma_semaphore, #tpu.memory_space<semaphore_mem>>, %arg11: memref<4x!tpu.dma_semaphore, #tpu.memory_space<semaphore_mem>>) attributes {dimension_semantics = [#tpu.dimension_semantics<core_parallel>, #tpu.dimension_semantics<subcore_parallel>], iteration_bounds = array<i64: 2, 16>, scalar_prefetch = 0 : i64, scratch_operands = 6 : i64, tpu.core_type = #tpu.core_type<sc_vector_subcore>, window_params = [{transform_indices = #map}, {transform_indices = #map1}, {transform_indices = #map1}, {transform_indices = #map1}]} {
    %mul3A = arith.constant 2 : i32
    %mul3A_0 = arith.muli %arg1, %mul3A : i32
    %add3A = arith.addi %mul3A_0, %arg0 : i32
    %mul3A_1 = arith.constant 6400 : i32
    %mul3A_2 = arith.muli %add3A, %mul3A_1 : i32
    "tpu.region"() ({
      %run_scoped3A = tpu.sem_alloc : memref<!tpu.dma_semaphore, #tpu.memory_space<semaphore_mem>>
      tpu.enqueue_dma source(%arg4 : memref<200x64xf32, #tpu.memory_space<hbm>>) target(%arg9 : memref<200x64xf32, #tpu.memory_space<vmem>>) target_semaphore(%run_scoped3A : memref<!tpu.dma_semaphore, #tpu.memory_space<semaphore_mem>>)
      tpu.wait_dma2 semaphore(%run_scoped3A : memref<!tpu.dma_semaphore, #tpu.memory_space<semaphore_mem>>) src(%arg4 : memref<200x64xf32, #tpu.memory_space<hbm>>) dst(%arg9 : memref<200x64xf32, #tpu.memory_space<vmem>>)
      tpu.yield
    }) : () -> ()
    "tpu.region"() ({
      %run_scoped3A = tpu.sem_alloc : memref<!tpu.dma_semaphore, #tpu.memory_space<semaphore_mem>>
      %dma_start3A_198 = arith.constant 0 : i32
      %dma_start3A_199 = arith.constant 0 : i32
      %dma_start3A_200 = tpu.memref_slice %arg2[%add3A, %dma_start3A_198, %dma_start3A_199] : memref<32x64x100xi32, #tpu.memory_space<hbm>> -> memref<1x64x100xi32, #tpu.memory_space<hbm>>
      %dma_start3A_201 = tpu.memref_squeeze %dma_start3A_200 : memref<1x64x100xi32, #tpu.memory_space<hbm>> -> memref<64x100xi32, #tpu.memory_space<hbm>>
      %dma_start3A_202 = arith.constant 0 : i32
      %dma_start3A_203 = arith.constant 0 : i32
      %dma_start3A_204 = tpu.memref_slice %arg2[%add3A, %dma_start3A_202, %dma_start3A_203] : memref<32x64x100xi32, #tpu.memory_space<hbm>> -> memref<1x64x100xi32, #tpu.memory_space<hbm>>
      %dma_start3A_205 = tpu.memref_squeeze %dma_start3A_204 : memref<1x64x100xi32, #tpu.memory_space<hbm>> -> memref<64x100xi32, #tpu.memory_space<hbm>>
      tpu.enqueue_dma source(%dma_start3A_205 : memref<64x100xi32, #tpu.memory_space<hbm>>) target(%arg6 : memref<64x100xi32, #tpu.memory_space<vmem>>) target_semaphore(%run_scoped3A : memref<!tpu.dma_semaphore, #tpu.memory_space<semaphore_mem>>)
      %dma_wait3A_206 = arith.constant 0 : i32
      %dma_wait3A_207 = arith.constant 0 : i32
      %dma_wait3A_208 = tpu.memref_slice %arg2[%add3A, %dma_wait3A_206, %dma_wait3A_207] : memref<32x64x100xi32, #tpu.memory_space<hbm>> -> memref<1x64x100xi32, #tpu.memory_space<hbm>>
      %dma_wait3A_209 = tpu.memref_squeeze %dma_wait3A_208 : memref<1x64x100xi32, #tpu.memory_space<hbm>> -> memref<64x100xi32, #tpu.memory_space<hbm>>
      %dma_wait3A_210 = arith.constant 0 : i32
      %dma_wait3A_211 = arith.constant 0 : i32
      %dma_wait3A_212 = tpu.memref_slice %arg2[%add3A, %dma_wait3A_210, %dma_wait3A_211] : memref<32x64x100xi32, #tpu.memory_space<hbm>> -> memref<1x64x100xi32, #tpu.memory_space<hbm>>
      %dma_wait3A_213 = tpu.memref_squeeze %dma_wait3A_212 : memref<1x64x100xi32, #tpu.memory_space<hbm>> -> memref<64x100xi32, #tpu.memory_space<hbm>>
      tpu.wait_dma2 semaphore(%run_scoped3A : memref<!tpu.dma_semaphore, #tpu.memory_space<semaphore_mem>>) src(%dma_wait3A_213 : memref<64x100xi32, #tpu.memory_space<hbm>>) dst(%arg6 : memref<64x100xi32, #tpu.memory_space<vmem>>)
      tpu.yield
    }) : () -> ()
    %dma_start3A = arith.constant 0 : i32
    %dma_start3A_3 = arith.constant 0 : i32
    %dma_start3A_4 = arith.constant 0 : i32
    %dma_start3A_5 = arith.constant 0 : i32
    %dma_start3A_6 = arith.constant 0 : i32
    %dma_start3A_7 = tpu.memref_slice %arg7[%dma_start3A_3, %dma_start3A_5, %dma_start3A_6] : memref<4x200x64xf32, #tpu.memory_space<vmem>> -> memref<1x100x64xf32, #tpu.memory_space<vmem>>
    %dma_start3A_8 = tpu.memref_squeeze %dma_start3A_7 : memref<1x100x64xf32, #tpu.memory_space<vmem>> -> memref<100x64xf32, #tpu.memory_space<vmem>>
    %dma_start3A_9 = arith.constant 0 : i32
    %dma_start3A_10 = tpu.memref_slice %arg6[%dma_start3A, %dma_start3A_9] : memref<64x100xi32, #tpu.memory_space<vmem>> -> memref<1x100xi32, #tpu.memory_space<vmem>>
    %dma_start3A_11 = tpu.memref_squeeze %dma_start3A_10 : memref<1x100xi32, #tpu.memory_space<vmem>> -> memref<100xi32, #tpu.memory_space<vmem>>
    %dma_start3A_12 = arith.constant 0 : i32
    %dma_start3A_13 = arith.constant 0 : i32
    %dma_start3A_14 = tpu.memref_slice %arg3[%dma_start3A_12, %dma_start3A_13] : memref<1000000x64xf32, #tpu.memory_space<hbm>> -> memref<1000000x64xf32, #tpu.memory_space<hbm>>
    %dma_start3A_15 = tpu.memref_slice %arg10[%dma_start3A_4] : memref<4x!tpu.dma_semaphore, #tpu.memory_space<semaphore_mem>> -> memref<1x!tpu.dma_semaphore, #tpu.memory_space<semaphore_mem>>
    %dma_start3A_16 = tpu.memref_squeeze %dma_start3A_15 : memref<1x!tpu.dma_semaphore, #tpu.memory_space<semaphore_mem>> -> memref<!tpu.dma_semaphore, #tpu.memory_space<semaphore_mem>>
    tpu.enqueue_indirect_dma source(%dma_start3A_14 : memref<1000000x64xf32, #tpu.memory_space<hbm>>) target(%dma_start3A_8 : memref<100x64xf32, #tpu.memory_space<vmem>>) offsets(%dma_start3A_11 : memref<100xi32, #tpu.memory_space<vmem>>) semaphore(%dma_start3A_16 : memref<!tpu.dma_semaphore, #tpu.memory_space<semaphore_mem>>)
    %dma_start3A_17 = arith.constant 1 : i32
    %dma_start3A_18 = arith.constant 0 : i32
    %dma_start3A_19 = arith.constant 0 : i32
    %dma_start3A_20 = arith.constant 100 : i32
    %dma_start3A_21 = arith.constant 0 : i32
    %dma_start3A_22 = tpu.memref_slice %arg7[%dma_start3A_18, %dma_start3A_20, %dma_start3A_21] : memref<4x200x64xf32, #tpu.memory_space<vmem>> -> memref<1x100x64xf32, #tpu.memory_space<vmem>>
    %dma_start3A_23 = tpu.memref_squeeze %dma_start3A_22 : memref<1x100x64xf32, #tpu.memory_space<vmem>> -> memref<100x64xf32, #tpu.memory_space<vmem>>
    %dma_start3A_24 = arith.constant 0 : i32
    %dma_start3A_25 = tpu.memref_slice %arg6[%dma_start3A_17, %dma_start3A_24] : memref<64x100xi32, #tpu.memory_space<vmem>> -> memref<1x100xi32, #tpu.memory_space<vmem>>
    %dma_start3A_26 = tpu.memref_squeeze %dma_start3A_25 : memref<1x100xi32, #tpu.memory_space<vmem>> -> memref<100xi32, #tpu.memory_space<vmem>>
    %dma_start3A_27 = arith.constant 0 : i32
    %dma_start3A_28 = arith.constant 0 : i32
    %dma_start3A_29 = tpu.memref_slice %arg3[%dma_start3A_27, %dma_start3A_28] : memref<1000000x64xf32, #tpu.memory_space<hbm>> -> memref<1000000x64xf32, #tpu.memory_space<hbm>>
    %dma_start3A_30 = tpu.memref_slice %arg10[%dma_start3A_19] : memref<4x!tpu.dma_semaphore, #tpu.memory_space<semaphore_mem>> -> memref<1x!tpu.dma_semaphore, #tpu.memory_space<semaphore_mem>>
    %dma_start3A_31 = tpu.memref_squeeze %dma_start3A_30 : memref<1x!tpu.dma_semaphore, #tpu.memory_space<semaphore_mem>> -> memref<!tpu.dma_semaphore, #tpu.memory_space<semaphore_mem>>
    tpu.enqueue_indirect_dma source(%dma_start3A_29 : memref<1000000x64xf32, #tpu.memory_space<hbm>>) target(%dma_start3A_23 : memref<100x64xf32, #tpu.memory_space<vmem>>) offsets(%dma_start3A_26 : memref<100xi32, #tpu.memory_space<vmem>>) semaphore(%dma_start3A_31 : memref<!tpu.dma_semaphore, #tpu.memory_space<semaphore_mem>>)
    %dma_start3A_32 = arith.constant 2 : i32
    %dma_start3A_33 = arith.constant 1 : i32
    %dma_start3A_34 = arith.constant 1 : i32
    %dma_start3A_35 = arith.constant 0 : i32
    %dma_start3A_36 = arith.constant 0 : i32
    %dma_start3A_37 = tpu.memref_slice %arg7[%dma_start3A_33, %dma_start3A_35, %dma_start3A_36] : memref<4x200x64xf32, #tpu.memory_space<vmem>> -> memref<1x100x64xf32, #tpu.memory_space<vmem>>
    %dma_start3A_38 = tpu.memref_squeeze %dma_start3A_37 : memref<1x100x64xf32, #tpu.memory_space<vmem>> -> memref<100x64xf32, #tpu.memory_space<vmem>>
    %dma_start3A_39 = arith.constant 0 : i32
    %dma_start3A_40 = tpu.memref_slice %arg6[%dma_start3A_32, %dma_start3A_39] : memref<64x100xi32, #tpu.memory_space<vmem>> -> memref<1x100xi32, #tpu.memory_space<vmem>>
    %dma_start3A_41 = tpu.memref_squeeze %dma_start3A_40 : memref<1x100xi32, #tpu.memory_space<vmem>> -> memref<100xi32, #tpu.memory_space<vmem>>
    %dma_start3A_42 = arith.constant 0 : i32
    %dma_start3A_43 = arith.constant 0 : i32
    %dma_start3A_44 = tpu.memref_slice %arg3[%dma_start3A_42, %dma_start3A_43] : memref<1000000x64xf32, #tpu.memory_space<hbm>> -> memref<1000000x64xf32, #tpu.memory_space<hbm>>
    %dma_start3A_45 = tpu.memref_slice %arg10[%dma_start3A_34] : memref<4x!tpu.dma_semaphore, #tpu.memory_space<semaphore_mem>> -> memref<1x!tpu.dma_semaphore, #tpu.memory_space<semaphore_mem>>
    %dma_start3A_46 = tpu.memref_squeeze %dma_start3A_45 : memref<1x!tpu.dma_semaphore, #tpu.memory_space<semaphore_mem>> -> memref<!tpu.dma_semaphore, #tpu.memory_space<semaphore_mem>>
    tpu.enqueue_indirect_dma source(%dma_start3A_44 : memref<1000000x64xf32, #tpu.memory_space<hbm>>) target(%dma_start3A_38 : memref<100x64xf32, #tpu.memory_space<vmem>>) offsets(%dma_start3A_41 : memref<100xi32, #tpu.memory_space<vmem>>) semaphore(%dma_start3A_46 : memref<!tpu.dma_semaphore, #tpu.memory_space<semaphore_mem>>)
    %dma_start3A_47 = arith.constant 3 : i32
    %dma_start3A_48 = arith.constant 1 : i32
    %dma_start3A_49 = arith.constant 1 : i32
    %dma_start3A_50 = arith.constant 100 : i32
    %dma_start3A_51 = arith.constant 0 : i32
    %dma_start3A_52 = tpu.memref_slice %arg7[%dma_start3A_48, %dma_start3A_50, %dma_start3A_51] : memref<4x200x64xf32, #tpu.memory_space<vmem>> -> memref<1x100x64xf32, #tpu.memory_space<vmem>>
    %dma_start3A_53 = tpu.memref_squeeze %dma_start3A_52 : memref<1x100x64xf32, #tpu.memory_space<vmem>> -> memref<100x64xf32, #tpu.memory_space<vmem>>
    %dma_start3A_54 = arith.constant 0 : i32
    %dma_start3A_55 = tpu.memref_slice %arg6[%dma_start3A_47, %dma_start3A_54] : memref<64x100xi32, #tpu.memory_space<vmem>> -> memref<1x100xi32, #tpu.memory_space<vmem>>
    %dma_start3A_56 = tpu.memref_squeeze %dma_start3A_55 : memref<1x100xi32, #tpu.memory_space<vmem>> -> memref<100xi32, #tpu.memory_space<vmem>>
    %dma_start3A_57 = arith.constant 0 : i32
    %dma_start3A_58 = arith.constant 0 : i32
    %dma_start3A_59 = tpu.memref_slice %arg3[%dma_start3A_57, %dma_start3A_58] : memref<1000000x64xf32, #tpu.memory_space<hbm>> -> memref<1000000x64xf32, #tpu.memory_space<hbm>>
    %dma_start3A_60 = tpu.memref_slice %arg10[%dma_start3A_49] : memref<4x!tpu.dma_semaphore, #tpu.memory_space<semaphore_mem>> -> memref<1x!tpu.dma_semaphore, #tpu.memory_space<semaphore_mem>>
    %dma_start3A_61 = tpu.memref_squeeze %dma_start3A_60 : memref<1x!tpu.dma_semaphore, #tpu.memory_space<semaphore_mem>> -> memref<!tpu.dma_semaphore, #tpu.memory_space<semaphore_mem>>
    tpu.enqueue_indirect_dma source(%dma_start3A_59 : memref<1000000x64xf32, #tpu.memory_space<hbm>>) target(%dma_start3A_53 : memref<100x64xf32, #tpu.memory_space<vmem>>) offsets(%dma_start3A_56 : memref<100xi32, #tpu.memory_space<vmem>>) semaphore(%dma_start3A_61 : memref<!tpu.dma_semaphore, #tpu.memory_space<semaphore_mem>>)
    %dma_start3A_62 = arith.constant 4 : i32
    %dma_start3A_63 = arith.constant 2 : i32
    %dma_start3A_64 = arith.constant 2 : i32
    %dma_start3A_65 = arith.constant 0 : i32
    %dma_start3A_66 = arith.constant 0 : i32
    %dma_start3A_67 = tpu.memref_slice %arg7[%dma_start3A_63, %dma_start3A_65, %dma_start3A_66] : memref<4x200x64xf32, #tpu.memory_space<vmem>> -> memref<1x100x64xf32, #tpu.memory_space<vmem>>
    %dma_start3A_68 = tpu.memref_squeeze %dma_start3A_67 : memref<1x100x64xf32, #tpu.memory_space<vmem>> -> memref<100x64xf32, #tpu.memory_space<vmem>>
    %dma_start3A_69 = arith.constant 0 : i32
    %dma_start3A_70 = tpu.memref_slice %arg6[%dma_start3A_62, %dma_start3A_69] : memref<64x100xi32, #tpu.memory_space<vmem>> -> memref<1x100xi32, #tpu.memory_space<vmem>>
    %dma_start3A_71 = tpu.memref_squeeze %dma_start3A_70 : memref<1x100xi32, #tpu.memory_space<vmem>> -> memref<100xi32, #tpu.memory_space<vmem>>
    %dma_start3A_72 = arith.constant 0 : i32
    %dma_start3A_73 = arith.constant 0 : i32
    %dma_start3A_74 = tpu.memref_slice %arg3[%dma_start3A_72, %dma_start3A_73] : memref<1000000x64xf32, #tpu.memory_space<hbm>> -> memref<1000000x64xf32, #tpu.memory_space<hbm>>
    %dma_start3A_75 = tpu.memref_slice %arg10[%dma_start3A_64] : memref<4x!tpu.dma_semaphore, #tpu.memory_space<semaphore_mem>> -> memref<1x!tpu.dma_semaphore, #tpu.memory_space<semaphore_mem>>
    %dma_start3A_76 = tpu.memref_squeeze %dma_start3A_75 : memref<1x!tpu.dma_semaphore, #tpu.memory_space<semaphore_mem>> -> memref<!tpu.dma_semaphore, #tpu.memory_space<semaphore_mem>>
    tpu.enqueue_indirect_dma source(%dma_start3A_74 : memref<1000000x64xf32, #tpu.memory_space<hbm>>) target(%dma_start3A_68 : memref<100x64xf32, #tpu.memory_space<vmem>>) offsets(%dma_start3A_71 : memref<100xi32, #tpu.memory_space<vmem>>) semaphore(%dma_start3A_76 : memref<!tpu.dma_semaphore, #tpu.memory_space<semaphore_mem>>)
    %dma_start3A_77 = arith.constant 5 : i32
    %dma_start3A_78 = arith.constant 2 : i32
    %dma_start3A_79 = arith.constant 2 : i32
    %dma_start3A_80 = arith.constant 100 : i32
    %dma_start3A_81 = arith.constant 0 : i32
    %dma_start3A_82 = tpu.memref_slice %arg7[%dma_start3A_78, %dma_start3A_80, %dma_start3A_81] : memref<4x200x64xf32, #tpu.memory_space<vmem>> -> memref<1x100x64xf32, #tpu.memory_space<vmem>>
    %dma_start3A_83 = tpu.memref_squeeze %dma_start3A_82 : memref<1x100x64xf32, #tpu.memory_space<vmem>> -> memref<100x64xf32, #tpu.memory_space<vmem>>
    %dma_start3A_84 = arith.constant 0 : i32
    %dma_start3A_85 = tpu.memref_slice %arg6[%dma_start3A_77, %dma_start3A_84] : memref<64x100xi32, #tpu.memory_space<vmem>> -> memref<1x100xi32, #tpu.memory_space<vmem>>
    %dma_start3A_86 = tpu.memref_squeeze %dma_start3A_85 : memref<1x100xi32, #tpu.memory_space<vmem>> -> memref<100xi32, #tpu.memory_space<vmem>>
    %dma_start3A_87 = arith.constant 0 : i32
    %dma_start3A_88 = arith.constant 0 : i32
    %dma_start3A_89 = tpu.memref_slice %arg3[%dma_start3A_87, %dma_start3A_88] : memref<1000000x64xf32, #tpu.memory_space<hbm>> -> memref<1000000x64xf32, #tpu.memory_space<hbm>>
    %dma_start3A_90 = tpu.memref_slice %arg10[%dma_start3A_79] : memref<4x!tpu.dma_semaphore, #tpu.memory_space<semaphore_mem>> -> memref<1x!tpu.dma_semaphore, #tpu.memory_space<semaphore_mem>>
    %dma_start3A_91 = tpu.memref_squeeze %dma_start3A_90 : memref<1x!tpu.dma_semaphore, #tpu.memory_space<semaphore_mem>> -> memref<!tpu.dma_semaphore, #tpu.memory_space<semaphore_mem>>
    tpu.enqueue_indirect_dma source(%dma_start3A_89 : memref<1000000x64xf32, #tpu.memory_space<hbm>>) target(%dma_start3A_83 : memref<100x64xf32, #tpu.memory_space<vmem>>) offsets(%dma_start3A_86 : memref<100xi32, #tpu.memory_space<vmem>>) semaphore(%dma_start3A_91 : memref<!tpu.dma_semaphore, #tpu.memory_space<semaphore_mem>>)
    %dma_start3A_92 = arith.constant 6 : i32
    %dma_start3A_93 = arith.constant 3 : i32
    %dma_start3A_94 = arith.constant 3 : i32
    %dma_start3A_95 = arith.constant 0 : i32
    %dma_start3A_96 = arith.constant 0 : i32
    %dma_start3A_97 = tpu.memref_slice %arg7[%dma_start3A_93, %dma_start3A_95, %dma_start3A_96] : memref<4x200x64xf32, #tpu.memory_space<vmem>> -> memref<1x100x64xf32, #tpu.memory_space<vmem>>
    %dma_start3A_98 = tpu.memref_squeeze %dma_start3A_97 : memref<1x100x64xf32, #tpu.memory_space<vmem>> -> memref<100x64xf32, #tpu.memory_space<vmem>>
    %dma_start3A_99 = arith.constant 0 : i32
    %dma_start3A_100 = tpu.memref_slice %arg6[%dma_start3A_92, %dma_start3A_99] : memref<64x100xi32, #tpu.memory_space<vmem>> -> memref<1x100xi32, #tpu.memory_space<vmem>>
    %dma_start3A_101 = tpu.memref_squeeze %dma_start3A_100 : memref<1x100xi32, #tpu.memory_space<vmem>> -> memref<100xi32, #tpu.memory_space<vmem>>
    %dma_start3A_102 = arith.constant 0 : i32
    %dma_start3A_103 = arith.constant 0 : i32
    %dma_start3A_104 = tpu.memref_slice %arg3[%dma_start3A_102, %dma_start3A_103] : memref<1000000x64xf32, #tpu.memory_space<hbm>> -> memref<1000000x64xf32, #tpu.memory_space<hbm>>
    %dma_start3A_105 = tpu.memref_slice %arg10[%dma_start3A_94] : memref<4x!tpu.dma_semaphore, #tpu.memory_space<semaphore_mem>> -> memref<1x!tpu.dma_semaphore, #tpu.memory_space<semaphore_mem>>
    %dma_start3A_106 = tpu.memref_squeeze %dma_start3A_105 : memref<1x!tpu.dma_semaphore, #tpu.memory_space<semaphore_mem>> -> memref<!tpu.dma_semaphore, #tpu.memory_space<semaphore_mem>>
    tpu.enqueue_indirect_dma source(%dma_start3A_104 : memref<1000000x64xf32, #tpu.memory_space<hbm>>) target(%dma_start3A_98 : memref<100x64xf32, #tpu.memory_space<vmem>>) offsets(%dma_start3A_101 : memref<100xi32, #tpu.memory_space<vmem>>) semaphore(%dma_start3A_106 : memref<!tpu.dma_semaphore, #tpu.memory_space<semaphore_mem>>)
    %dma_start3A_107 = arith.constant 7 : i32
    %dma_start3A_108 = arith.constant 3 : i32
    %dma_start3A_109 = arith.constant 3 : i32
    %dma_start3A_110 = arith.constant 100 : i32
    %dma_start3A_111 = arith.constant 0 : i32
    %dma_start3A_112 = tpu.memref_slice %arg7[%dma_start3A_108, %dma_start3A_110, %dma_start3A_111] : memref<4x200x64xf32, #tpu.memory_space<vmem>> -> memref<1x100x64xf32, #tpu.memory_space<vmem>>
    %dma_start3A_113 = tpu.memref_squeeze %dma_start3A_112 : memref<1x100x64xf32, #tpu.memory_space<vmem>> -> memref<100x64xf32, #tpu.memory_space<vmem>>
    %dma_start3A_114 = arith.constant 0 : i32
    %dma_start3A_115 = tpu.memref_slice %arg6[%dma_start3A_107, %dma_start3A_114] : memref<64x100xi32, #tpu.memory_space<vmem>> -> memref<1x100xi32, #tpu.memory_space<vmem>>
    %dma_start3A_116 = tpu.memref_squeeze %dma_start3A_115 : memref<1x100xi32, #tpu.memory_space<vmem>> -> memref<100xi32, #tpu.memory_space<vmem>>
    %dma_start3A_117 = arith.constant 0 : i32
    %dma_start3A_118 = arith.constant 0 : i32
    %dma_start3A_119 = tpu.memref_slice %arg3[%dma_start3A_117, %dma_start3A_118] : memref<1000000x64xf32, #tpu.memory_space<hbm>> -> memref<1000000x64xf32, #tpu.memory_space<hbm>>
    %dma_start3A_120 = tpu.memref_slice %arg10[%dma_start3A_109] : memref<4x!tpu.dma_semaphore, #tpu.memory_space<semaphore_mem>> -> memref<1x!tpu.dma_semaphore, #tpu.memory_space<semaphore_mem>>
    %dma_start3A_121 = tpu.memref_squeeze %dma_start3A_120 : memref<1x!tpu.dma_semaphore, #tpu.memory_space<semaphore_mem>> -> memref<!tpu.dma_semaphore, #tpu.memory_space<semaphore_mem>>
    tpu.enqueue_indirect_dma source(%dma_start3A_119 : memref<1000000x64xf32, #tpu.memory_space<hbm>>) target(%dma_start3A_113 : memref<100x64xf32, #tpu.memory_space<vmem>>) offsets(%dma_start3A_116 : memref<100xi32, #tpu.memory_space<vmem>>) semaphore(%dma_start3A_121 : memref<!tpu.dma_semaphore, #tpu.memory_space<semaphore_mem>>)
    %scan3A = arith.constant 0 : i32
    %scan3A_122 = arith.constant 0 : i32
    %scan3A_123 = arith.constant 8 : i32
    %scan3A_124 = arith.addi %scan3A_122, %scan3A_123 : i32
    %scan3A_125 = arith.constant 1 : i32
    scf.for %scan3A_198 = %scan3A_122 to %scan3A_124 step %scan3A_125  : i32 {
      %mul3A_199 = arith.constant 4 : i32
      %mul3A_200 = arith.muli %scan3A_198, %mul3A_199 : i32
      %add3A_201 = arith.constant 0 : i32
      %add3A_202 = arith.addi %mul3A_200, %add3A_201 : i32
      %dma_wait3A_203 = arith.constant 0 : i32
      %dma_wait3A_204 = arith.constant 0 : i32
      %dma_wait3A_205 = arith.constant 0 : i32
      %dma_wait3A_206 = arith.constant 0 : i32
      %dma_wait3A_207 = arith.constant 0 : i32
      %dma_wait3A_208 = tpu.memref_slice %arg7[%dma_wait3A_204, %dma_wait3A_206, %dma_wait3A_207] : memref<4x200x64xf32, #tpu.memory_space<vmem>> -> memref<1x100x64xf32, #tpu.memory_space<vmem>>
      %dma_wait3A_209 = tpu.memref_squeeze %dma_wait3A_208 : memref<1x100x64xf32, #tpu.memory_space<vmem>> -> memref<100x64xf32, #tpu.memory_space<vmem>>
      %dma_wait3A_210 = arith.constant 0 : i32
      %dma_wait3A_211 = tpu.memref_slice %arg6[%dma_wait3A_203, %dma_wait3A_210] : memref<64x100xi32, #tpu.memory_space<vmem>> -> memref<1x100xi32, #tpu.memory_space<vmem>>
      %dma_wait3A_212 = tpu.memref_squeeze %dma_wait3A_211 : memref<1x100xi32, #tpu.memory_space<vmem>> -> memref<100xi32, #tpu.memory_space<vmem>>
      %dma_wait3A_213 = arith.constant 0 : i32
      %dma_wait3A_214 = arith.constant 0 : i32
      %dma_wait3A_215 = tpu.memref_slice %arg3[%dma_wait3A_213, %dma_wait3A_214] : memref<1000000x64xf32, #tpu.memory_space<hbm>> -> memref<1000000x64xf32, #tpu.memory_space<hbm>>
      %dma_wait3A_216 = tpu.memref_slice %arg10[%dma_wait3A_205] : memref<4x!tpu.dma_semaphore, #tpu.memory_space<semaphore_mem>> -> memref<1x!tpu.dma_semaphore, #tpu.memory_space<semaphore_mem>>
      %dma_wait3A_217 = tpu.memref_squeeze %dma_wait3A_216 : memref<1x!tpu.dma_semaphore, #tpu.memory_space<semaphore_mem>> -> memref<!tpu.dma_semaphore, #tpu.memory_space<semaphore_mem>>
      tpu.wait_indirect_dma semaphore(%dma_wait3A_217 : memref<!tpu.dma_semaphore, #tpu.memory_space<semaphore_mem>>) src(%dma_wait3A_215 : memref<1000000x64xf32, #tpu.memory_space<hbm>>) dst(%dma_wait3A_209 : memref<100x64xf32, #tpu.memory_space<vmem>>)
      %dma_wait3A_218 = arith.constant 0 : i32
      %dma_wait3A_219 = arith.constant 0 : i32
      %dma_wait3A_220 = arith.constant 0 : i32
      %dma_wait3A_221 = arith.constant 100 : i32
      %dma_wait3A_222 = arith.constant 0 : i32
      %dma_wait3A_223 = tpu.memref_slice %arg7[%dma_wait3A_219, %dma_wait3A_221, %dma_wait3A_222] : memref<4x200x64xf32, #tpu.memory_space<vmem>> -> memref<1x100x64xf32, #tpu.memory_space<vmem>>
      %dma_wait3A_224 = tpu.memref_squeeze %dma_wait3A_223 : memref<1x100x64xf32, #tpu.memory_space<vmem>> -> memref<100x64xf32, #tpu.memory_space<vmem>>
      %dma_wait3A_225 = arith.constant 0 : i32
      %dma_wait3A_226 = tpu.memref_slice %arg6[%dma_wait3A_218, %dma_wait3A_225] : memref<64x100xi32, #tpu.memory_space<vmem>> -> memref<1x100xi32, #tpu.memory_space<vmem>>
      %dma_wait3A_227 = tpu.memref_squeeze %dma_wait3A_226 : memref<1x100xi32, #tpu.memory_space<vmem>> -> memref<100xi32, #tpu.memory_space<vmem>>
      %dma_wait3A_228 = arith.constant 0 : i32
      %dma_wait3A_229 = arith.constant 0 : i32
      %dma_wait3A_230 = tpu.memref_slice %arg3[%dma_wait3A_228, %dma_wait3A_229] : memref<1000000x64xf32, #tpu.memory_space<hbm>> -> memref<1000000x64xf32, #tpu.memory_space<hbm>>
      %dma_wait3A_231 = tpu.memref_slice %arg10[%dma_wait3A_220] : memref<4x!tpu.dma_semaphore, #tpu.memory_space<semaphore_mem>> -> memref<1x!tpu.dma_semaphore, #tpu.memory_space<semaphore_mem>>
      %dma_wait3A_232 = tpu.memref_squeeze %dma_wait3A_231 : memref<1x!tpu.dma_semaphore, #tpu.memory_space<semaphore_mem>> -> memref<!tpu.dma_semaphore, #tpu.memory_space<semaphore_mem>>
      tpu.wait_indirect_dma semaphore(%dma_wait3A_232 : memref<!tpu.dma_semaphore, #tpu.memory_space<semaphore_mem>>) src(%dma_wait3A_230 : memref<1000000x64xf32, #tpu.memory_space<hbm>>) dst(%dma_wait3A_224 : memref<100x64xf32, #tpu.memory_space<vmem>>)
      %ge3A = arith.constant 4 : i32
      %ge3A_233 = arith.cmpi sge, %add3A_202, %ge3A : i32
      %convert_element_type3A = arith.extui %ge3A_233 : i1 to i32
      %cond3A = arith.constant 0 : i32
      %cond3A_234 = arith.cmpi ne, %convert_element_type3A, %cond3A : i32
      scf.if %cond3A_234 {
        %dma_wait3A_479 = arith.constant 0 : i32
        %dma_wait3A_480 = arith.constant 0 : i32
        %dma_wait3A_481 = arith.constant 0 : i32
        %dma_wait3A_482 = arith.constant 0 : i32
        %dma_wait3A_483 = tpu.memref_slice %arg8[%dma_wait3A_479, %dma_wait3A_481, %dma_wait3A_482] : memref<4x200x64xf32, #tpu.memory_space<vmem>> -> memref<1x200x64xf32, #tpu.memory_space<vmem>>
        %dma_wait3A_484 = tpu.memref_squeeze %dma_wait3A_483 : memref<1x200x64xf32, #tpu.memory_space<vmem>> -> memref<200x64xf32, #tpu.memory_space<vmem>>
        %dma_wait3A_485 = arith.constant 0 : i32
        %dma_wait3A_486 = arith.constant 0 : i32
        %dma_wait3A_487 = tpu.memref_slice %arg5[%dma_wait3A_485, %dma_wait3A_486] : memref<204800x64xf32, #tpu.memory_space<hbm>> -> memref<200x64xf32, #tpu.memory_space<hbm>>
        %dma_wait3A_488 = tpu.memref_slice %arg11[%dma_wait3A_480] : memref<4x!tpu.dma_semaphore, #tpu.memory_space<semaphore_mem>> -> memref<1x!tpu.dma_semaphore, #tpu.memory_space<semaphore_mem>>
        %dma_wait3A_489 = tpu.memref_squeeze %dma_wait3A_488 : memref<1x!tpu.dma_semaphore, #tpu.memory_space<semaphore_mem>> -> memref<!tpu.dma_semaphore, #tpu.memory_space<semaphore_mem>>
        %dma_wait3A_490 = arith.constant 0 : i32
        %dma_wait3A_491 = arith.constant 0 : i32
        %dma_wait3A_492 = tpu.memref_slice %arg5[%dma_wait3A_490, %dma_wait3A_491] : memref<204800x64xf32, #tpu.memory_space<hbm>> -> memref<200x64xf32, #tpu.memory_space<hbm>>
        %dma_wait3A_493 = arith.constant 0 : i32
        %dma_wait3A_494 = arith.constant 0 : i32
        %dma_wait3A_495 = tpu.memref_slice %arg8[%dma_wait3A_479, %dma_wait3A_493, %dma_wait3A_494] : memref<4x200x64xf32, #tpu.memory_space<vmem>> -> memref<1x200x64xf32, #tpu.memory_space<vmem>>
        %dma_wait3A_496 = tpu.memref_squeeze %dma_wait3A_495 : memref<1x200x64xf32, #tpu.memory_space<vmem>> -> memref<200x64xf32, #tpu.memory_space<vmem>>
        tpu.wait_dma2 semaphore(%dma_wait3A_489 : memref<!tpu.dma_semaphore, #tpu.memory_space<semaphore_mem>>) src(%dma_wait3A_496 : memref<200x64xf32, #tpu.memory_space<vmem>>) dst(%dma_wait3A_492 : memref<200x64xf32, #tpu.memory_space<hbm>>)
      } else {
      }
      %scan3A_235 = arith.constant 0 : i32
      %scan3A_236 = arith.constant 0 : i32
      %scan3A_237 = arith.constant 200 : i32
      %scan3A_238 = arith.addi %scan3A_236, %scan3A_237 : i32
      %scan3A_239 = arith.constant 4 : i32
      scf.for %scan3A_479 = %scan3A_236 to %scan3A_238 step %scan3A_239  : i32 {
        %get3A = arith.constant 0 : i32
        %get3A_480 = arith.index_cast %get3A : i32 to index
        %get3A_481 = arith.index_cast %scan3A_479 : i32 to index
        %get3A_482 = arith.constant 0 : index
        %get3A_483 = tpu.vector_load %arg7[%get3A_480, %get3A_481, %get3A_482] {strides = array<i32>} : memref<4x200x64xf32, #tpu.memory_space<vmem>>, vector<1x1x16xf32>,
        %get3A_484 = vector.shape_cast %get3A_483 : vector<1x1x16xf32> to vector<16xf32>
        %mul3A_485 = arith.constant 8.000000e+00 : f32
        %mul3A_486 = vector.broadcast %mul3A_485 : f32 to vector<16xf32>
        %mul3A_487 = arith.mulf %get3A_484, %mul3A_486 : vector<16xf32>
        %get3A_488 = arith.index_cast %scan3A_479 : i32 to index
        %get3A_489 = arith.constant 0 : index
        %get3A_490 = tpu.vector_load %arg9[%get3A_488, %get3A_489] {strides = array<i32>} : memref<200x64xf32, #tpu.memory_space<vmem>>, vector<1x16xf32>,
        %get3A_491 = vector.shape_cast %get3A_490 : vector<1x16xf32> to vector<16xf32>
        %add3A_492 = arith.addf %mul3A_487, %get3A_491 : vector<16xf32>
        %swap3A = arith.constant 0 : i32
        %swap3A_493 = arith.index_cast %swap3A : i32 to index
        %swap3A_494 = arith.index_cast %scan3A_479 : i32 to index
        %swap3A_495 = arith.constant 0 : index
        %swap3A_496 = tpu.vector_load %arg8[%swap3A_493, %swap3A_494, %swap3A_495] {strides = array<i32>} : memref<4x200x64xf32, #tpu.memory_space<vmem>>, vector<1x1x16xf32>,
        %swap3A_497 = vector.shape_cast %swap3A_496 : vector<1x1x16xf32> to vector<16xf32>
        %swap3A_498 = vector.shape_cast %add3A_492 : vector<16xf32> to vector<1x1x16xf32>
        tpu.vector_store %arg8[%swap3A_493, %swap3A_494, %swap3A_495], %swap3A_498 {strides = array<i32>} : memref<4x200x64xf32, #tpu.memory_space<vmem>>, vector<1x1x16xf32>,
        %get3A_499 = arith.constant 0 : i32
        %get3A_500 = arith.index_cast %get3A_499 : i32 to index
        %get3A_501 = arith.index_cast %scan3A_479 : i32 to index
        %get3A_502 = arith.constant 16 : index
        %get3A_503 = tpu.vector_load %arg7[%get3A_500, %get3A_501, %get3A_502] {strides = array<i32>} : memref<4x200x64xf32, #tpu.memory_space<vmem>>, vector<1x1x16xf32>,
        %get3A_504 = vector.shape_cast %get3A_503 : vector<1x1x16xf32> to vector<16xf32>
        %mul3A_505 = arith.constant 8.000000e+00 : f32
        %mul3A_506 = vector.broadcast %mul3A_505 : f32 to vector<16xf32>
        %mul3A_507 = arith.mulf %get3A_504, %mul3A_506 : vector<16xf32>
        %get3A_508 = arith.index_cast %scan3A_479 : i32 to index
        %get3A_509 = arith.constant 16 : index
        %get3A_510 = tpu.vector_load %arg9[%get3A_508, %get3A_509] {strides = array<i32>} : memref<200x64xf32, #tpu.memory_space<vmem>>, vector<1x16xf32>,
        %get3A_511 = vector.shape_cast %get3A_510 : vector<1x16xf32> to vector<16xf32>
        %add3A_512 = arith.addf %mul3A_507, %get3A_511 : vector<16xf32>
        %swap3A_513 = arith.constant 0 : i32
        %swap3A_514 = arith.index_cast %swap3A_513 : i32 to index
        %swap3A_515 = arith.index_cast %scan3A_479 : i32 to index
        %swap3A_516 = arith.constant 16 : index
        %swap3A_517 = tpu.vector_load %arg8[%swap3A_514, %swap3A_515, %swap3A_516] {strides = array<i32>} : memref<4x200x64xf32, #tpu.memory_space<vmem>>, vector<1x1x16xf32>,
        %swap3A_518 = vector.shape_cast %swap3A_517 : vector<1x1x16xf32> to vector<16xf32>
        %swap3A_519 = vector.shape_cast %add3A_512 : vector<16xf32> to vector<1x1x16xf32>
        tpu.vector_store %arg8[%swap3A_514, %swap3A_515, %swap3A_516], %swap3A_519 {strides = array<i32>} : memref<4x200x64xf32, #tpu.memory_space<vmem>>, vector<1x1x16xf32>,
        %get3A_520 = arith.constant 0 : i32
        %get3A_521 = arith.index_cast %get3A_520 : i32 to index
        %get3A_522 = arith.index_cast %scan3A_479 : i32 to index
        %get3A_523 = arith.constant 32 : index
        %get3A_524 = tpu.vector_load %arg7[%get3A_521, %get3A_522, %get3A_523] {strides = array<i32>} : memref<4x200x64xf32, #tpu.memory_space<vmem>>, vector<1x1x16xf32>,
        %get3A_525 = vector.shape_cast %get3A_524 : vector<1x1x16xf32> to vector<16xf32>
        %mul3A_526 = arith.constant 8.000000e+00 : f32
        %mul3A_527 = vector.broadcast %mul3A_526 : f32 to vector<16xf32>
        %mul3A_528 = arith.mulf %get3A_525, %mul3A_527 : vector<16xf32>
        %get3A_529 = arith.index_cast %scan3A_479 : i32 to index
        %get3A_530 = arith.constant 32 : index
        %get3A_531 = tpu.vector_load %arg9[%get3A_529, %get3A_530] {strides = array<i32>} : memref<200x64xf32, #tpu.memory_space<vmem>>, vector<1x16xf32>,
        %get3A_532 = vector.shape_cast %get3A_531 : vector<1x16xf32> to vector<16xf32>
        %add3A_533 = arith.addf %mul3A_528, %get3A_532 : vector<16xf32>
        %swap3A_534 = arith.constant 0 : i32
        %swap3A_535 = arith.index_cast %swap3A_534 : i32 to index
        %swap3A_536 = arith.index_cast %scan3A_479 : i32 to index
        %swap3A_537 = arith.constant 32 : index
        %swap3A_538 = tpu.vector_load %arg8[%swap3A_535, %swap3A_536, %swap3A_537] {strides = array<i32>} : memref<4x200x64xf32, #tpu.memory_space<vmem>>, vector<1x1x16xf32>,
        %swap3A_539 = vector.shape_cast %swap3A_538 : vector<1x1x16xf32> to vector<16xf32>
        %swap3A_540 = vector.shape_cast %add3A_533 : vector<16xf32> to vector<1x1x16xf32>
        tpu.vector_store %arg8[%swap3A_535, %swap3A_536, %swap3A_537], %swap3A_540 {strides = array<i32>} : memref<4x200x64xf32, #tpu.memory_space<vmem>>, vector<1x1x16xf32>,
        %get3A_541 = arith.constant 0 : i32
        %get3A_542 = arith.index_cast %get3A_541 : i32 to index
        %get3A_543 = arith.index_cast %scan3A_479 : i32 to index
        %get3A_544 = arith.constant 48 : index
        %get3A_545 = tpu.vector_load %arg7[%get3A_542, %get3A_543, %get3A_544] {strides = array<i32>} : memref<4x200x64xf32, #tpu.memory_space<vmem>>, vector<1x1x16xf32>,
        %get3A_546 = vector.shape_cast %get3A_545 : vector<1x1x16xf32> to vector<16xf32>
        %mul3A_547 = arith.constant 8.000000e+00 : f32
        %mul3A_548 = vector.broadcast %mul3A_547 : f32 to vector<16xf32>
        %mul3A_549 = arith.mulf %get3A_546, %mul3A_548 : vector<16xf32>
        %get3A_550 = arith.index_cast %scan3A_479 : i32 to index
        %get3A_551 = arith.constant 48 : index
        %get3A_552 = tpu.vector_load %arg9[%get3A_550, %get3A_551] {strides = array<i32>} : memref<200x64xf32, #tpu.memory_space<vmem>>, vector<1x16xf32>,
        %get3A_553 = vector.shape_cast %get3A_552 : vector<1x16xf32> to vector<16xf32>
        %add3A_554 = arith.addf %mul3A_549, %get3A_553 : vector<16xf32>
        %swap3A_555 = arith.constant 0 : i32
        %swap3A_556 = arith.index_cast %swap3A_555 : i32 to index
        %swap3A_557 = arith.index_cast %scan3A_479 : i32 to index
        %swap3A_558 = arith.constant 48 : index
        %swap3A_559 = tpu.vector_load %arg8[%swap3A_556, %swap3A_557, %swap3A_558] {strides = array<i32>} : memref<4x200x64xf32, #tpu.memory_space<vmem>>, vector<1x1x16xf32>,
        %swap3A_560 = vector.shape_cast %swap3A_559 : vector<1x1x16xf32> to vector<16xf32>
        %swap3A_561 = vector.shape_cast %add3A_554 : vector<16xf32> to vector<1x1x16xf32>
        tpu.vector_store %arg8[%swap3A_556, %swap3A_557, %swap3A_558], %swap3A_561 {strides = array<i32>} : memref<4x200x64xf32, #tpu.memory_space<vmem>>, vector<1x1x16xf32>,
        %scan3A_562 = arith.constant 1 : i32
        %scan3A_563 = arith.addi %scan3A_479, %scan3A_562 : i32
        %get3A_564 = arith.constant 0 : i32
        %get3A_565 = arith.index_cast %get3A_564 : i32 to index
        %get3A_566 = arith.index_cast %scan3A_563 : i32 to index
        %get3A_567 = arith.constant 0 : index
        %get3A_568 = tpu.vector_load %arg7[%get3A_565, %get3A_566, %get3A_567] {strides = array<i32>} : memref<4x200x64xf32, #tpu.memory_space<vmem>>, vector<1x1x16xf32>,
        %get3A_569 = vector.shape_cast %get3A_568 : vector<1x1x16xf32> to vector<16xf32>
        %mul3A_570 = arith.constant 8.000000e+00 : f32
        %mul3A_571 = vector.broadcast %mul3A_570 : f32 to vector<16xf32>
        %mul3A_572 = arith.mulf %get3A_569, %mul3A_571 : vector<16xf32>
        %get3A_573 = arith.index_cast %scan3A_563 : i32 to index
        %get3A_574 = arith.constant 0 : index
        %get3A_575 = tpu.vector_load %arg9[%get3A_573, %get3A_574] {strides = array<i32>} : memref<200x64xf32, #tpu.memory_space<vmem>>, vector<1x16xf32>,
        %get3A_576 = vector.shape_cast %get3A_575 : vector<1x16xf32> to vector<16xf32>
        %add3A_577 = arith.addf %mul3A_572, %get3A_576 : vector<16xf32>
        %swap3A_578 = arith.constant 0 : i32
        %swap3A_579 = arith.index_cast %swap3A_578 : i32 to index
        %swap3A_580 = arith.index_cast %scan3A_563 : i32 to index
        %swap3A_581 = arith.constant 0 : index
        %swap3A_582 = tpu.vector_load %arg8[%swap3A_579, %swap3A_580, %swap3A_581] {strides = array<i32>} : memref<4x200x64xf32, #tpu.memory_space<vmem>>, vector<1x1x16xf32>,
        %swap3A_583 = vector.shape_cast %swap3A_582 : vector<1x1x16xf32> to vector<16xf32>
        %swap3A_584 = vector.shape_cast %add3A_577 : vector<16xf32> to vector<1x1x16xf32>
        tpu.vector_store %arg8[%swap3A_579, %swap3A_580, %swap3A_581], %swap3A_584 {strides = array<i32>} : memref<4x200x64xf32, #tpu.memory_space<vmem>>, vector<1x1x16xf32>,
        %get3A_585 = arith.constant 0 : i32
        %get3A_586 = arith.index_cast %get3A_585 : i32 to index
        %get3A_587 = arith.index_cast %scan3A_563 : i32 to index
        %get3A_588 = arith.constant 16 : index
        %get3A_589 = tpu.vector_load %arg7[%get3A_586, %get3A_587, %get3A_588] {strides = array<i32>} : memref<4x200x64xf32, #tpu.memory_space<vmem>>, vector<1x1x16xf32>,
        %get3A_590 = vector.shape_cast %get3A_589 : vector<1x1x16xf32> to vector<16xf32>
        %mul3A_591 = arith.constant 8.000000e+00 : f32
        %mul3A_592 = vector.broadcast %mul3A_591 : f32 to vector<16xf32>
        %mul3A_593 = arith.mulf %get3A_590, %mul3A_592 : vector<16xf32>
        %get3A_594 = arith.index_cast %scan3A_563 : i32 to index
        %get3A_595 = arith.constant 16 : index
        %get3A_596 = tpu.vector_load %arg9[%get3A_594, %get3A_595] {strides = array<i32>} : memref<200x64xf32, #tpu.memory_space<vmem>>, vector<1x16xf32>,
        %get3A_597 = vector.shape_cast %get3A_596 : vector<1x16xf32> to vector<16xf32>
        %add3A_598 = arith.addf %mul3A_593, %get3A_597 : vector<16xf32>
        %swap3A_599 = arith.constant 0 : i32
        %swap3A_600 = arith.index_cast %swap3A_599 : i32 to index
        %swap3A_601 = arith.index_cast %scan3A_563 : i32 to index
        %swap3A_602 = arith.constant 16 : index
        %swap3A_603 = tpu.vector_load %arg8[%swap3A_600, %swap3A_601, %swap3A_602] {strides = array<i32>} : memref<4x200x64xf32, #tpu.memory_space<vmem>>, vector<1x1x16xf32>,
        %swap3A_604 = vector.shape_cast %swap3A_603 : vector<1x1x16xf32> to vector<16xf32>
        %swap3A_605 = vector.shape_cast %add3A_598 : vector<16xf32> to vector<1x1x16xf32>
        tpu.vector_store %arg8[%swap3A_600, %swap3A_601, %swap3A_602], %swap3A_605 {strides = array<i32>} : memref<4x200x64xf32, #tpu.memory_space<vmem>>, vector<1x1x16xf32>,
        %get3A_606 = arith.constant 0 : i32
        %get3A_607 = arith.index_cast %get3A_606 : i32 to index
        %get3A_608 = arith.index_cast %scan3A_563 : i32 to index
        %get3A_609 = arith.constant 32 : index
        %get3A_610 = tpu.vector_load %arg7[%get3A_607, %get3A_608, %get3A_609] {strides = array<i32>} : memref<4x200x64xf32, #tpu.memory_space<vmem>>, vector<1x1x16xf32>,
        %get3A_611 = vector.shape_cast %get3A_610 : vector<1x1x16xf32> to vector<16xf32>
        %mul3A_612 = arith.constant 8.000000e+00 : f32
        %mul3A_613 = vector.broadcast %mul3A_612 : f32 to vector<16xf32>
        %mul3A_614 = arith.mulf %get3A_611, %mul3A_613 : vector<16xf32>
        %get3A_615 = arith.index_cast %scan3A_563 : i32 to index
        %get3A_616 = arith.constant 32 : index
        %get3A_617 = tpu.vector_load %arg9[%get3A_615, %get3A_616] {strides = array<i32>} : memref<200x64xf32, #tpu.memory_space<vmem>>, vector<1x16xf32>,
        %get3A_618 = vector.shape_cast %get3A_617 : vector<1x16xf32> to vector<16xf32>
        %add3A_619 = arith.addf %mul3A_614, %get3A_618 : vector<16xf32>
        %swap3A_620 = arith.constant 0 : i32
        %swap3A_621 = arith.index_cast %swap3A_620 : i32 to index
        %swap3A_622 = arith.index_cast %scan3A_563 : i32 to index
        %swap3A_623 = arith.constant 32 : index
        %swap3A_624 = tpu.vector_load %arg8[%swap3A_621, %swap3A_622, %swap3A_623] {strides = array<i32>} : memref<4x200x64xf32, #tpu.memory_space<vmem>>, vector<1x1x16xf32>,
        %swap3A_625 = vector.shape_cast %swap3A_624 : vector<1x1x16xf32> to vector<16xf32>
        %swap3A_626 = vector.shape_cast %add3A_619 : vector<16xf32> to vector<1x1x16xf32>
        tpu.vector_store %arg8[%swap3A_621, %swap3A_622, %swap3A_623], %swap3A_626 {strides = array<i32>} : memref<4x200x64xf32, #tpu.memory_space<vmem>>, vector<1x1x16xf32>,
        %get3A_627 = arith.constant 0 : i32
        %get3A_628 = arith.index_cast %get3A_627 : i32 to index
        %get3A_629 = arith.index_cast %scan3A_563 : i32 to index
        %get3A_630 = arith.constant 48 : index
        %get3A_631 = tpu.vector_load %arg7[%get3A_628, %get3A_629, %get3A_630] {strides = array<i32>} : memref<4x200x64xf32, #tpu.memory_space<vmem>>, vector<1x1x16xf32>,
        %get3A_632 = vector.shape_cast %get3A_631 : vector<1x1x16xf32> to vector<16xf32>
        %mul3A_633 = arith.constant 8.000000e+00 : f32
        %mul3A_634 = vector.broadcast %mul3A_633 : f32 to vector<16xf32>
        %mul3A_635 = arith.mulf %get3A_632, %mul3A_634 : vector<16xf32>
        %get3A_636 = arith.index_cast %scan3A_563 : i32 to index
        %get3A_637 = arith.constant 48 : index
        %get3A_638 = tpu.vector_load %arg9[%get3A_636, %get3A_637] {strides = array<i32>} : memref<200x64xf32, #tpu.memory_space<vmem>>, vector<1x16xf32>,
        %get3A_639 = vector.shape_cast %get3A_638 : vector<1x16xf32> to vector<16xf32>
        %add3A_640 = arith.addf %mul3A_635, %get3A_639 : vector<16xf32>
        %swap3A_641 = arith.constant 0 : i32
        %swap3A_642 = arith.index_cast %swap3A_641 : i32 to index
        %swap3A_643 = arith.index_cast %scan3A_563 : i32 to index
        %swap3A_644 = arith.constant 48 : index
        %swap3A_645 = tpu.vector_load %arg8[%swap3A_642, %swap3A_643, %swap3A_644] {strides = array<i32>} : memref<4x200x64xf32, #tpu.memory_space<vmem>>, vector<1x1x16xf32>,
        %swap3A_646 = vector.shape_cast %swap3A_645 : vector<1x1x16xf32> to vector<16xf32>
        %swap3A_647 = vector.shape_cast %add3A_640 : vector<16xf32> to vector<1x1x16xf32>
        tpu.vector_store %arg8[%swap3A_642, %swap3A_643, %swap3A_644], %swap3A_647 {strides = array<i32>} : memref<4x200x64xf32, #tpu.memory_space<vmem>>, vector<1x1x16xf32>,
        %scan3A_648 = arith.constant 2 : i32
        %scan3A_649 = arith.addi %scan3A_479, %scan3A_648 : i32
        %get3A_650 = arith.constant 0 : i32
        %get3A_651 = arith.index_cast %get3A_650 : i32 to index
        %get3A_652 = arith.index_cast %scan3A_649 : i32 to index
        %get3A_653 = arith.constant 0 : index
        %get3A_654 = tpu.vector_load %arg7[%get3A_651, %get3A_652, %get3A_653] {strides = array<i32>} : memref<4x200x64xf32, #tpu.memory_space<vmem>>, vector<1x1x16xf32>,
        %get3A_655 = vector.shape_cast %get3A_654 : vector<1x1x16xf32> to vector<16xf32>
        %mul3A_656 = arith.constant 8.000000e+00 : f32
        %mul3A_657 = vector.broadcast %mul3A_656 : f32 to vector<16xf32>
        %mul3A_658 = arith.mulf %get3A_655, %mul3A_657 : vector<16xf32>
        %get3A_659 = arith.index_cast %scan3A_649 : i32 to index
        %get3A_660 = arith.constant 0 : index
        %get3A_661 = tpu.vector_load %arg9[%get3A_659, %get3A_660] {strides = array<i32>} : memref<200x64xf32, #tpu.memory_space<vmem>>, vector<1x16xf32>,
        %get3A_662 = vector.shape_cast %get3A_661 : vector<1x16xf32> to vector<16xf32>
        %add3A_663 = arith.addf %mul3A_658, %get3A_662 : vector<16xf32>
        %swap3A_664 = arith.constant 0 : i32
        %swap3A_665 = arith.index_cast %swap3A_664 : i32 to index
        %swap3A_666 = arith.index_cast %scan3A_649 : i32 to index
        %swap3A_667 = arith.constant 0 : index
        %swap3A_668 = tpu.vector_load %arg8[%swap3A_665, %swap3A_666, %swap3A_667] {strides = array<i32>} : memref<4x200x64xf32, #tpu.memory_space<vmem>>, vector<1x1x16xf32>,
        %swap3A_669 = vector.shape_cast %swap3A_668 : vector<1x1x16xf32> to vector<16xf32>
        %swap3A_670 = vector.shape_cast %add3A_663 : vector<16xf32> to vector<1x1x16xf32>
        tpu.vector_store %arg8[%swap3A_665, %swap3A_666, %swap3A_667], %swap3A_670 {strides = array<i32>} : memref<4x200x64xf32, #tpu.memory_space<vmem>>, vector<1x1x16xf32>,
        %get3A_671 = arith.constant 0 : i32
        %get3A_672 = arith.index_cast %get3A_671 : i32 to index
        %get3A_673 = arith.index_cast %scan3A_649 : i32 to index
        %get3A_674 = arith.constant 16 : index
        %get3A_675 = tpu.vector_load %arg7[%get3A_672, %get3A_673, %get3A_674] {strides = array<i32>} : memref<4x200x64xf32, #tpu.memory_space<vmem>>, vector<1x1x16xf32>,
        %get3A_676 = vector.shape_cast %get3A_675 : vector<1x1x16xf32> to vector<16xf32>
        %mul3A_677 = arith.constant 8.000000e+00 : f32
        %mul3A_678 = vector.broadcast %mul3A_677 : f32 to vector<16xf32>
        %mul3A_679 = arith.mulf %get3A_676, %mul3A_678 : vector<16xf32>
        %get3A_680 = arith.index_cast %scan3A_649 : i32 to index
        %get3A_681 = arith.constant 16 : index
        %get3A_682 = tpu.vector_load %arg9[%get3A_680, %get3A_681] {strides = array<i32>} : memref<200x64xf32, #tpu.memory_space<vmem>>, vector<1x16xf32>,
        %get3A_683 = vector.shape_cast %get3A_682 : vector<1x16xf32> to vector<16xf32>
        %add3A_684 = arith.addf %mul3A_679, %get3A_683 : vector<16xf32>
        %swap3A_685 = arith.constant 0 : i32
        %swap3A_686 = arith.index_cast %swap3A_685 : i32 to index
        %swap3A_687 = arith.index_cast %scan3A_649 : i32 to index
        %swap3A_688 = arith.constant 16 : index
        %swap3A_689 = tpu.vector_load %arg8[%swap3A_686, %swap3A_687, %swap3A_688] {strides = array<i32>} : memref<4x200x64xf32, #tpu.memory_space<vmem>>, vector<1x1x16xf32>,
        %swap3A_690 = vector.shape_cast %swap3A_689 : vector<1x1x16xf32> to vector<16xf32>
        %swap3A_691 = vector.shape_cast %add3A_684 : vector<16xf32> to vector<1x1x16xf32>
        tpu.vector_store %arg8[%swap3A_686, %swap3A_687, %swap3A_688], %swap3A_691 {strides = array<i32>} : memref<4x200x64xf32, #tpu.memory_space<vmem>>, vector<1x1x16xf32>,
        %get3A_692 = arith.constant 0 : i32
        %get3A_693 = arith.index_cast %get3A_692 : i32 to index
        %get3A_694 = arith.index_cast %scan3A_649 : i32 to index
        %get3A_695 = arith.constant 32 : index
        %get3A_696 = tpu.vector_load %arg7[%get3A_693, %get3A_694, %get3A_695] {strides = array<i32>} : memref<4x200x64xf32, #tpu.memory_space<vmem>>, vector<1x1x16xf32>,
        %get3A_697 = vector.shape_cast %get3A_696 : vector<1x1x16xf32> to vector<16xf32>
        %mul3A_698 = arith.constant 8.000000e+00 : f32
        %mul3A_699 = vector.broadcast %mul3A_698 : f32 to vector<16xf32>
        %mul3A_700 = arith.mulf %get3A_697, %mul3A_699 : vector<16xf32>
        %get3A_701 = arith.index_cast %scan3A_649 : i32 to index
        %get3A_702 = arith.constant 32 : index
        %get3A_703 = tpu.vector_load %arg9[%get3A_701, %get3A_702] {strides = array<i32>} : memref<200x64xf32, #tpu.memory_space<vmem>>, vector<1x16xf32>,
        %get3A_704 = vector.shape_cast %get3A_703 : vector<1x16xf32> to vector<16xf32>
        %add3A_705 = arith.addf %mul3A_700, %get3A_704 : vector<16xf32>
        %swap3A_706 = arith.constant 0 : i32
        %swap3A_707 = arith.index_cast %swap3A_706 : i32 to index
        %swap3A_708 = arith.index_cast %scan3A_649 : i32 to index
        %swap3A_709 = arith.constant 32 : index
        %swap3A_710 = tpu.vector_load %arg8[%swap3A_707, %swap3A_708, %swap3A_709] {strides = array<i32>} : memref<4x200x64xf32, #tpu.memory_space<vmem>>, vector<1x1x16xf32>,
        %swap3A_711 = vector.shape_cast %swap3A_710 : vector<1x1x16xf32> to vector<16xf32>
        %swap3A_712 = vector.shape_cast %add3A_705 : vector<16xf32> to vector<1x1x16xf32>
        tpu.vector_store %arg8[%swap3A_707, %swap3A_708, %swap3A_709], %swap3A_712 {strides = array<i32>} : memref<4x200x64xf32, #tpu.memory_space<vmem>>, vector<1x1x16xf32>,
        %get3A_713 = arith.constant 0 : i32
        %get3A_714 = arith.index_cast %get3A_713 : i32 to index
        %get3A_715 = arith.index_cast %scan3A_649 : i32 to index
        %get3A_716 = arith.constant 48 : index
        %get3A_717 = tpu.vector_load %arg7[%get3A_714, %get3A_715, %get3A_716] {strides = array<i32>} : memref<4x200x64xf32, #tpu.memory_space<vmem>>, vector<1x1x16xf32>,
        %get3A_718 = vector.shape_cast %get3A_717 : vector<1x1x16xf32> to vector<16xf32>
        %mul3A_719 = arith.constant 8.000000e+00 : f32
        %mul3A_720 = vector.broadcast %mul3A_719 : f32 to vector<16xf32>
        %mul3A_721 = arith.mulf %get3A_718, %mul3A_720 : vector<16xf32>
        %get3A_722 = arith.index_cast %scan3A_649 : i32 to index
        %get3A_723 = arith.constant 48 : index
        %get3A_724 = tpu.vector_load %arg9[%get3A_722, %get3A_723] {strides = array<i32>} : memref<200x64xf32, #tpu.memory_space<vmem>>, vector<1x16xf32>,
        %get3A_725 = vector.shape_cast %get3A_724 : vector<1x16xf32> to vector<16xf32>
        %add3A_726 = arith.addf %mul3A_721, %get3A_725 : vector<16xf32>
        %swap3A_727 = arith.constant 0 : i32
        %swap3A_728 = arith.index_cast %swap3A_727 : i32 to index
        %swap3A_729 = arith.index_cast %scan3A_649 : i32 to index
        %swap3A_730 = arith.constant 48 : index
        %swap3A_731 = tpu.vector_load %arg8[%swap3A_728, %swap3A_729, %swap3A_730] {strides = array<i32>} : memref<4x200x64xf32, #tpu.memory_space<vmem>>, vector<1x1x16xf32>,
        %swap3A_732 = vector.shape_cast %swap3A_731 : vector<1x1x16xf32> to vector<16xf32>
        %swap3A_733 = vector.shape_cast %add3A_726 : vector<16xf32> to vector<1x1x16xf32>
        tpu.vector_store %arg8[%swap3A_728, %swap3A_729, %swap3A_730], %swap3A_733 {strides = array<i32>} : memref<4x200x64xf32, #tpu.memory_space<vmem>>, vector<1x1x16xf32>,
        %scan3A_734 = arith.constant 3 : i32
        %scan3A_735 = arith.addi %scan3A_479, %scan3A_734 : i32
        %get3A_736 = arith.constant 0 : i32
        %get3A_737 = arith.index_cast %get3A_736 : i32 to index
        %get3A_738 = arith.index_cast %scan3A_735 : i32 to index
        %get3A_739 = arith.constant 0 : index
        %get3A_740 = tpu.vector_load %arg7[%get3A_737, %get3A_738, %get3A_739] {strides = array<i32>} : memref<4x200x64xf32, #tpu.memory_space<vmem>>, vector<1x1x16xf32>,
        %get3A_741 = vector.shape_cast %get3A_740 : vector<1x1x16xf32> to vector<16xf32>
        %mul3A_742 = arith.constant 8.000000e+00 : f32
        %mul3A_743 = vector.broadcast %mul3A_742 : f32 to vector<16xf32>
        %mul3A_744 = arith.mulf %get3A_741, %mul3A_743 : vector<16xf32>
        %get3A_745 = arith.index_cast %scan3A_735 : i32 to index
        %get3A_746 = arith.constant 0 : index
        %get3A_747 = tpu.vector_load %arg9[%get3A_745, %get3A_746] {strides = array<i32>} : memref<200x64xf32, #tpu.memory_space<vmem>>, vector<1x16xf32>,
        %get3A_748 = vector.shape_cast %get3A_747 : vector<1x16xf32> to vector<16xf32>
        %add3A_749 = arith.addf %mul3A_744, %get3A_748 : vector<16xf32>
        %swap3A_750 = arith.constant 0 : i32
        %swap3A_751 = arith.index_cast %swap3A_750 : i32 to index
        %swap3A_752 = arith.index_cast %scan3A_735 : i32 to index
        %swap3A_753 = arith.constant 0 : index
        %swap3A_754 = tpu.vector_load %arg8[%swap3A_751, %swap3A_752, %swap3A_753] {strides = array<i32>} : memref<4x200x64xf32, #tpu.memory_space<vmem>>, vector<1x1x16xf32>,
        %swap3A_755 = vector.shape_cast %swap3A_754 : vector<1x1x16xf32> to vector<16xf32>
        %swap3A_756 = vector.shape_cast %add3A_749 : vector<16xf32> to vector<1x1x16xf32>
        tpu.vector_store %arg8[%swap3A_751, %swap3A_752, %swap3A_753], %swap3A_756 {strides = array<i32>} : memref<4x200x64xf32, #tpu.memory_space<vmem>>, vector<1x1x16xf32>,
        %get3A_757 = arith.constant 0 : i32
        %get3A_758 = arith.index_cast %get3A_757 : i32 to index
        %get3A_759 = arith.index_cast %scan3A_735 : i32 to index
        %get3A_760 = arith.constant 16 : index
        %get3A_761 = tpu.vector_load %arg7[%get3A_758, %get3A_759, %get3A_760] {strides = array<i32>} : memref<4x200x64xf32, #tpu.memory_space<vmem>>, vector<1x1x16xf32>,
        %get3A_762 = vector.shape_cast %get3A_761 : vector<1x1x16xf32> to vector<16xf32>
        %mul3A_763 = arith.constant 8.000000e+00 : f32
        %mul3A_764 = vector.broadcast %mul3A_763 : f32 to vector<16xf32>
        %mul3A_765 = arith.mulf %get3A_762, %mul3A_764 : vector<16xf32>
        %get3A_766 = arith.index_cast %scan3A_735 : i32 to index
        %get3A_767 = arith.constant 16 : index
        %get3A_768 = tpu.vector_load %arg9[%get3A_766, %get3A_767] {strides = array<i32>} : memref<200x64xf32, #tpu.memory_space<vmem>>, vector<1x16xf32>,
        %get3A_769 = vector.shape_cast %get3A_768 : vector<1x16xf32> to vector<16xf32>
        %add3A_770 = arith.addf %mul3A_765, %get3A_769 : vector<16xf32>
        %swap3A_771 = arith.constant 0 : i32
        %swap3A_772 = arith.index_cast %swap3A_771 : i32 to index
        %swap3A_773 = arith.index_cast %scan3A_735 : i32 to index
        %swap3A_774 = arith.constant 16 : index
        %swap3A_775 = tpu.vector_load %arg8[%swap3A_772, %swap3A_773, %swap3A_774] {strides = array<i32>} : memref<4x200x64xf32, #tpu.memory_space<vmem>>, vector<1x1x16xf32>,
        %swap3A_776 = vector.shape_cast %swap3A_775 : vector<1x1x16xf32> to vector<16xf32>
        %swap3A_777 = vector.shape_cast %add3A_770 : vector<16xf32> to vector<1x1x16xf32>
        tpu.vector_store %arg8[%swap3A_772, %swap3A_773, %swap3A_774], %swap3A_777 {strides = array<i32>} : memref<4x200x64xf32, #tpu.memory_space<vmem>>, vector<1x1x16xf32>,
        %get3A_778 = arith.constant 0 : i32
        %get3A_779 = arith.index_cast %get3A_778 : i32 to index
        %get3A_780 = arith.index_cast %scan3A_735 : i32 to index
        %get3A_781 = arith.constant 32 : index
        %get3A_782 = tpu.vector_load %arg7[%get3A_779, %get3A_780, %get3A_781] {strides = array<i32>} : memref<4x200x64xf32, #tpu.memory_space<vmem>>, vector<1x1x16xf32>,
        %get3A_783 = vector.shape_cast %get3A_782 : vector<1x1x16xf32> to vector<16xf32>
        %mul3A_784 = arith.constant 8.000000e+00 : f32
        %mul3A_785 = vector.broadcast %mul3A_784 : f32 to vector<16xf32>
        %mul3A_786 = arith.mulf %get3A_783, %mul3A_785 : vector<16xf32>
        %get3A_787 = arith.index_cast %scan3A_735 : i32 to index
        %get3A_788 = arith.constant 32 : index
        %get3A_789 = tpu.vector_load %arg9[%get3A_787, %get3A_788] {strides = array<i32>} : memref<200x64xf32, #tpu.memory_space<vmem>>, vector<1x16xf32>,
        %get3A_790 = vector.shape_cast %get3A_789 : vector<1x16xf32> to vector<16xf32>
        %add3A_791 = arith.addf %mul3A_786, %get3A_790 : vector<16xf32>
        %swap3A_792 = arith.constant 0 : i32
        %swap3A_793 = arith.index_cast %swap3A_792 : i32 to index
        %swap3A_794 = arith.index_cast %scan3A_735 : i32 to index
        %swap3A_795 = arith.constant 32 : index
        %swap3A_796 = tpu.vector_load %arg8[%swap3A_793, %swap3A_794, %swap3A_795] {strides = array<i32>} : memref<4x200x64xf32, #tpu.memory_space<vmem>>, vector<1x1x16xf32>,
        %swap3A_797 = vector.shape_cast %swap3A_796 : vector<1x1x16xf32> to vector<16xf32>
        %swap3A_798 = vector.shape_cast %add3A_791 : vector<16xf32> to vector<1x1x16xf32>
        tpu.vector_store %arg8[%swap3A_793, %swap3A_794, %swap3A_795], %swap3A_798 {strides = array<i32>} : memref<4x200x64xf32, #tpu.memory_space<vmem>>, vector<1x1x16xf32>,
        %get3A_799 = arith.constant 0 : i32
        %get3A_800 = arith.index_cast %get3A_799 : i32 to index
        %get3A_801 = arith.index_cast %scan3A_735 : i32 to index
        %get3A_802 = arith.constant 48 : index
        %get3A_803 = tpu.vector_load %arg7[%get3A_800, %get3A_801, %get3A_802] {strides = array<i32>} : memref<4x200x64xf32, #tpu.memory_space<vmem>>, vector<1x1x16xf32>,
        %get3A_804 = vector.shape_cast %get3A_803 : vector<1x1x16xf32> to vector<16xf32>
        %mul3A_805 = arith.constant 8.000000e+00 : f32
        %mul3A_806 = vector.broadcast %mul3A_805 : f32 to vector<16xf32>
        %mul3A_807 = arith.mulf %get3A_804, %mul3A_806 : vector<16xf32>
        %get3A_808 = arith.index_cast %scan3A_735 : i32 to index
        %get3A_809 = arith.constant 48 : index
        %get3A_810 = tpu.vector_load %arg9[%get3A_808, %get3A_809] {strides = array<i32>} : memref<200x64xf32, #tpu.memory_space<vmem>>, vector<1x16xf32>,
        %get3A_811 = vector.shape_cast %get3A_810 : vector<1x16xf32> to vector<16xf32>
        %add3A_812 = arith.addf %mul3A_807, %get3A_811 : vector<16xf32>
        %swap3A_813 = arith.constant 0 : i32
        %swap3A_814 = arith.index_cast %swap3A_813 : i32 to index
        %swap3A_815 = arith.index_cast %scan3A_735 : i32 to index
        %swap3A_816 = arith.constant 48 : index
        %swap3A_817 = tpu.vector_load %arg8[%swap3A_814, %swap3A_815, %swap3A_816] {strides = array<i32>} : memref<4x200x64xf32, #tpu.memory_space<vmem>>, vector<1x1x16xf32>,
        %swap3A_818 = vector.shape_cast %swap3A_817 : vector<1x1x16xf32> to vector<16xf32>
        %swap3A_819 = vector.shape_cast %add3A_812 : vector<16xf32> to vector<1x1x16xf32>
        tpu.vector_store %arg8[%swap3A_814, %swap3A_815, %swap3A_816], %swap3A_819 {strides = array<i32>} : memref<4x200x64xf32, #tpu.memory_space<vmem>>, vector<1x1x16xf32>,
      }
      %scan3A_240 = arith.constant 200 : i32
      %add3A_241 = arith.constant 4 : i32
      %add3A_242 = arith.addi %add3A_202, %add3A_241 : i32
      %lt3A = arith.constant 32 : i32
      %lt3A_243 = arith.cmpi slt, %add3A_242, %lt3A : i32
      %convert_element_type3A_244 = arith.extui %lt3A_243 : i1 to i32
      %cond3A_245 = arith.constant 0 : i32
      %cond3A_246 = arith.cmpi ne, %convert_element_type3A_244, %cond3A_245 : i32
      scf.if %cond3A_246 {
        %add3A_479 = arith.constant 4 : i32
        %add3A_480 = arith.addi %add3A_202, %add3A_479 : i32
        %mul3A_481 = arith.constant 2 : i32
        %mul3A_482 = arith.muli %mul3A_481, %add3A_480 : i32
        %dma_start3A_483 = arith.constant 0 : i32
        %dma_start3A_484 = arith.constant 0 : i32
        %dma_start3A_485 = arith.constant 0 : i32
        %dma_start3A_486 = arith.constant 0 : i32
        %dma_start3A_487 = tpu.memref_slice %arg7[%dma_start3A_483, %dma_start3A_485, %dma_start3A_486] : memref<4x200x64xf32, #tpu.memory_space<vmem>> -> memref<1x100x64xf32, #tpu.memory_space<vmem>>
        %dma_start3A_488 = tpu.memref_squeeze %dma_start3A_487 : memref<1x100x64xf32, #tpu.memory_space<vmem>> -> memref<100x64xf32, #tpu.memory_space<vmem>>
        %dma_start3A_489 = arith.constant 0 : i32
        %dma_start3A_490 = tpu.memref_slice %arg6[%mul3A_482, %dma_start3A_489] : memref<64x100xi32, #tpu.memory_space<vmem>> -> memref<1x100xi32, #tpu.memory_space<vmem>>
        %dma_start3A_491 = tpu.memref_squeeze %dma_start3A_490 : memref<1x100xi32, #tpu.memory_space<vmem>> -> memref<100xi32, #tpu.memory_space<vmem>>
        %dma_start3A_492 = arith.constant 0 : i32
        %dma_start3A_493 = arith.constant 0 : i32
        %dma_start3A_494 = tpu.memref_slice %arg3[%dma_start3A_492, %dma_start3A_493] : memref<1000000x64xf32, #tpu.memory_space<hbm>> -> memref<1000000x64xf32, #tpu.memory_space<hbm>>
        %dma_start3A_495 = tpu.memref_slice %arg10[%dma_start3A_484] : memref<4x!tpu.dma_semaphore, #tpu.memory_space<semaphore_mem>> -> memref<1x!tpu.dma_semaphore, #tpu.memory_space<semaphore_mem>>
        %dma_start3A_496 = tpu.memref_squeeze %dma_start3A_495 : memref<1x!tpu.dma_semaphore, #tpu.memory_space<semaphore_mem>> -> memref<!tpu.dma_semaphore, #tpu.memory_space<semaphore_mem>>
        tpu.enqueue_indirect_dma source(%dma_start3A_494 : memref<1000000x64xf32, #tpu.memory_space<hbm>>) target(%dma_start3A_488 : memref<100x64xf32, #tpu.memory_space<vmem>>) offsets(%dma_start3A_491 : memref<100xi32, #tpu.memory_space<vmem>>) semaphore(%dma_start3A_496 : memref<!tpu.dma_semaphore, #tpu.memory_space<semaphore_mem>>)
        %mul3A_497 = arith.constant 2 : i32
        %mul3A_498 = arith.muli %mul3A_497, %add3A_480 : i32
        %add3A_499 = arith.constant 1 : i32
        %add3A_500 = arith.addi %mul3A_498, %add3A_499 : i32
        %dma_start3A_501 = arith.constant 0 : i32
        %dma_start3A_502 = arith.constant 0 : i32
        %dma_start3A_503 = arith.constant 100 : i32
        %dma_start3A_504 = arith.constant 0 : i32
        %dma_start3A_505 = tpu.memref_slice %arg7[%dma_start3A_501, %dma_start3A_503, %dma_start3A_504] : memref<4x200x64xf32, #tpu.memory_space<vmem>> -> memref<1x100x64xf32, #tpu.memory_space<vmem>>
        %dma_start3A_506 = tpu.memref_squeeze %dma_start3A_505 : memref<1x100x64xf32, #tpu.memory_space<vmem>> -> memref<100x64xf32, #tpu.memory_space<vmem>>
        %dma_start3A_507 = arith.constant 0 : i32
        %dma_start3A_508 = tpu.memref_slice %arg6[%add3A_500, %dma_start3A_507] : memref<64x100xi32, #tpu.memory_space<vmem>> -> memref<1x100xi32, #tpu.memory_space<vmem>>
        %dma_start3A_509 = tpu.memref_squeeze %dma_start3A_508 : memref<1x100xi32, #tpu.memory_space<vmem>> -> memref<100xi32, #tpu.memory_space<vmem>>
        %dma_start3A_510 = arith.constant 0 : i32
        %dma_start3A_511 = arith.constant 0 : i32
        %dma_start3A_512 = tpu.memref_slice %arg3[%dma_start3A_510, %dma_start3A_511] : memref<1000000x64xf32, #tpu.memory_space<hbm>> -> memref<1000000x64xf32, #tpu.memory_space<hbm>>
        %dma_start3A_513 = tpu.memref_slice %arg10[%dma_start3A_502] : memref<4x!tpu.dma_semaphore, #tpu.memory_space<semaphore_mem>> -> memref<1x!tpu.dma_semaphore, #tpu.memory_space<semaphore_mem>>
        %dma_start3A_514 = tpu.memref_squeeze %dma_start3A_513 : memref<1x!tpu.dma_semaphore, #tpu.memory_space<semaphore_mem>> -> memref<!tpu.dma_semaphore, #tpu.memory_space<semaphore_mem>>
        tpu.enqueue_indirect_dma source(%dma_start3A_512 : memref<1000000x64xf32, #tpu.memory_space<hbm>>) target(%dma_start3A_506 : memref<100x64xf32, #tpu.memory_space<vmem>>) offsets(%dma_start3A_509 : memref<100xi32, #tpu.memory_space<vmem>>) semaphore(%dma_start3A_514 : memref<!tpu.dma_semaphore, #tpu.memory_space<semaphore_mem>>)
      } else {
      }
      %mul3A_247 = arith.constant 200 : i32
      %mul3A_248 = arith.muli %add3A_202, %mul3A_247 : i32
      %add3A_249 = arith.addi %mul3A_2, %mul3A_248 : i32
      %dma_start3A_250 = arith.constant 0 : i32
      %dma_start3A_251 = arith.constant 0 : i32
      %dma_start3A_252 = arith.constant 0 : i32
      %dma_start3A_253 = arith.constant 0 : i32
      %dma_start3A_254 = tpu.memref_slice %arg8[%dma_start3A_250, %dma_start3A_252, %dma_start3A_253] : memref<4x200x64xf32, #tpu.memory_space<vmem>> -> memref<1x200x64xf32, #tpu.memory_space<vmem>>
      %dma_start3A_255 = tpu.memref_squeeze %dma_start3A_254 : memref<1x200x64xf32, #tpu.memory_space<vmem>> -> memref<200x64xf32, #tpu.memory_space<vmem>>
      %dma_start3A_256 = arith.constant 0 : i32
      %dma_start3A_257 = tpu.memref_slice %arg5[%add3A_249, %dma_start3A_256] : memref<204800x64xf32, #tpu.memory_space<hbm>> -> memref<200x64xf32, #tpu.memory_space<hbm>>
      %dma_start3A_258 = tpu.memref_slice %arg11[%dma_start3A_251] : memref<4x!tpu.dma_semaphore, #tpu.memory_space<semaphore_mem>> -> memref<1x!tpu.dma_semaphore, #tpu.memory_space<semaphore_mem>>
      %dma_start3A_259 = tpu.memref_squeeze %dma_start3A_258 : memref<1x!tpu.dma_semaphore, #tpu.memory_space<semaphore_mem>> -> memref<!tpu.dma_semaphore, #tpu.memory_space<semaphore_mem>>
      %dma_start3A_260 = arith.constant 0 : i32
      %dma_start3A_261 = tpu.memref_slice %arg5[%add3A_249, %dma_start3A_260] : memref<204800x64xf32, #tpu.memory_space<hbm>> -> memref<200x64xf32, #tpu.memory_space<hbm>>
      %dma_start3A_262 = arith.constant 0 : i32
      %dma_start3A_263 = arith.constant 0 : i32
      %dma_start3A_264 = tpu.memref_slice %arg8[%dma_start3A_250, %dma_start3A_262, %dma_start3A_263] : memref<4x200x64xf32, #tpu.memory_space<vmem>> -> memref<1x200x64xf32, #tpu.memory_space<vmem>>
      %dma_start3A_265 = tpu.memref_squeeze %dma_start3A_264 : memref<1x200x64xf32, #tpu.memory_space<vmem>> -> memref<200x64xf32, #tpu.memory_space<vmem>>
      tpu.enqueue_dma source(%dma_start3A_265 : memref<200x64xf32, #tpu.memory_space<vmem>>) target(%dma_start3A_261 : memref<200x64xf32, #tpu.memory_space<hbm>>) target_semaphore(%dma_start3A_259 : memref<!tpu.dma_semaphore, #tpu.memory_space<semaphore_mem>>)
      %mul3A_266 = arith.constant 4 : i32
      %mul3A_267 = arith.muli %scan3A_198, %mul3A_266 : i32
      %add3A_268 = arith.constant 1 : i32
      %add3A_269 = arith.addi %mul3A_267, %add3A_268 : i32
      %dma_wait3A_270 = arith.constant 0 : i32
      %dma_wait3A_271 = arith.constant 1 : i32
      %dma_wait3A_272 = arith.constant 1 : i32
      %dma_wait3A_273 = arith.constant 0 : i32
      %dma_wait3A_274 = arith.constant 0 : i32
      %dma_wait3A_275 = tpu.memref_slice %arg7[%dma_wait3A_271, %dma_wait3A_273, %dma_wait3A_274] : memref<4x200x64xf32, #tpu.memory_space<vmem>> -> memref<1x100x64xf32, #tpu.memory_space<vmem>>
      %dma_wait3A_276 = tpu.memref_squeeze %dma_wait3A_275 : memref<1x100x64xf32, #tpu.memory_space<vmem>> -> memref<100x64xf32, #tpu.memory_space<vmem>>
      %dma_wait3A_277 = arith.constant 0 : i32
      %dma_wait3A_278 = tpu.memref_slice %arg6[%dma_wait3A_270, %dma_wait3A_277] : memref<64x100xi32, #tpu.memory_space<vmem>> -> memref<1x100xi32, #tpu.memory_space<vmem>>
      %dma_wait3A_279 = tpu.memref_squeeze %dma_wait3A_278 : memref<1x100xi32, #tpu.memory_space<vmem>> -> memref<100xi32, #tpu.memory_space<vmem>>
      %dma_wait3A_280 = arith.constant 0 : i32
      %dma_wait3A_281 = arith.constant 0 : i32
      %dma_wait3A_282 = tpu.memref_slice %arg3[%dma_wait3A_280, %dma_wait3A_281] : memref<1000000x64xf32, #tpu.memory_space<hbm>> -> memref<1000000x64xf32, #tpu.memory_space<hbm>>
      %dma_wait3A_283 = tpu.memref_slice %arg10[%dma_wait3A_272] : memref<4x!tpu.dma_semaphore, #tpu.memory_space<semaphore_mem>> -> memref<1x!tpu.dma_semaphore, #tpu.memory_space<semaphore_mem>>
      %dma_wait3A_284 = tpu.memref_squeeze %dma_wait3A_283 : memref<1x!tpu.dma_semaphore, #tpu.memory_space<semaphore_mem>> -> memref<!tpu.dma_semaphore, #tpu.memory_space<semaphore_mem>>
      tpu.wait_indirect_dma semaphore(%dma_wait3A_284 : memref<!tpu.dma_semaphore, #tpu.memory_space<semaphore_mem>>) src(%dma_wait3A_282 : memref<1000000x64xf32, #tpu.memory_space<hbm>>) dst(%dma_wait3A_276 : memref<100x64xf32, #tpu.memory_space<vmem>>)
      %dma_wait3A_285 = arith.constant 0 : i32
      %dma_wait3A_286 = arith.constant 1 : i32
      %dma_wait3A_287 = arith.constant 1 : i32
      %dma_wait3A_288 = arith.constant 100 : i32
      %dma_wait3A_289 = arith.constant 0 : i32
      %dma_wait3A_290 = tpu.memref_slice %arg7[%dma_wait3A_286, %dma_wait3A_288, %dma_wait3A_289] : memref<4x200x64xf32, #tpu.memory_space<vmem>> -> memref<1x100x64xf32, #tpu.memory_space<vmem>>
      %dma_wait3A_291 = tpu.memref_squeeze %dma_wait3A_290 : memref<1x100x64xf32, #tpu.memory_space<vmem>> -> memref<100x64xf32, #tpu.memory_space<vmem>>
      %dma_wait3A_292 = arith.constant 0 : i32
      %dma_wait3A_293 = tpu.memref_slice %arg6[%dma_wait3A_285, %dma_wait3A_292] : memref<64x100xi32, #tpu.memory_space<vmem>> -> memref<1x100xi32, #tpu.memory_space<vmem>>
      %dma_wait3A_294 = tpu.memref_squeeze %dma_wait3A_293 : memref<1x100xi32, #tpu.memory_space<vmem>> -> memref<100xi32, #tpu.memory_space<vmem>>
      %dma_wait3A_295 = arith.constant 0 : i32
      %dma_wait3A_296 = arith.constant 0 : i32
      %dma_wait3A_297 = tpu.memref_slice %arg3[%dma_wait3A_295, %dma_wait3A_296] : memref<1000000x64xf32, #tpu.memory_space<hbm>> -> memref<1000000x64xf32, #tpu.memory_space<hbm>>
      %dma_wait3A_298 = tpu.memref_slice %arg10[%dma_wait3A_287] : memref<4x!tpu.dma_semaphore, #tpu.memory_space<semaphore_mem>> -> memref<1x!tpu.dma_semaphore, #tpu.memory_space<semaphore_mem>>
      %dma_wait3A_299 = tpu.memref_squeeze %dma_wait3A_298 : memref<1x!tpu.dma_semaphore, #tpu.memory_space<semaphore_mem>> -> memref<!tpu.dma_semaphore, #tpu.memory_space<semaphore_mem>>
      tpu.wait_indirect_dma semaphore(%dma_wait3A_299 : memref<!tpu.dma_semaphore, #tpu.memory_space<semaphore_mem>>) src(%dma_wait3A_297 : memref<1000000x64xf32, #tpu.memory_space<hbm>>) dst(%dma_wait3A_291 : memref<100x64xf32, #tpu.memory_space<vmem>>)
      %ge3A_300 = arith.constant 4 : i32
      %ge3A_301 = arith.cmpi sge, %add3A_269, %ge3A_300 : i32
      %convert_element_type3A_302 = arith.extui %ge3A_301 : i1 to i32
      %cond3A_303 = arith.constant 0 : i32
      %cond3A_304 = arith.cmpi ne, %convert_element_type3A_302, %cond3A_303 : i32
      scf.if %cond3A_304 {
        %dma_wait3A_479 = arith.constant 1 : i32
        %dma_wait3A_480 = arith.constant 1 : i32
        %dma_wait3A_481 = arith.constant 0 : i32
        %dma_wait3A_482 = arith.constant 0 : i32
        %dma_wait3A_483 = tpu.memref_slice %arg8[%dma_wait3A_479, %dma_wait3A_481, %dma_wait3A_482] : memref<4x200x64xf32, #tpu.memory_space<vmem>> -> memref<1x200x64xf32, #tpu.memory_space<vmem>>
        %dma_wait3A_484 = tpu.memref_squeeze %dma_wait3A_483 : memref<1x200x64xf32, #tpu.memory_space<vmem>> -> memref<200x64xf32, #tpu.memory_space<vmem>>
        %dma_wait3A_485 = arith.constant 0 : i32
        %dma_wait3A_486 = arith.constant 0 : i32
        %dma_wait3A_487 = tpu.memref_slice %arg5[%dma_wait3A_485, %dma_wait3A_486] : memref<204800x64xf32, #tpu.memory_space<hbm>> -> memref<200x64xf32, #tpu.memory_space<hbm>>
        %dma_wait3A_488 = tpu.memref_slice %arg11[%dma_wait3A_480] : memref<4x!tpu.dma_semaphore, #tpu.memory_space<semaphore_mem>> -> memref<1x!tpu.dma_semaphore, #tpu.memory_space<semaphore_mem>>
        %dma_wait3A_489 = tpu.memref_squeeze %dma_wait3A_488 : memref<1x!tpu.dma_semaphore, #tpu.memory_space<semaphore_mem>> -> memref<!tpu.dma_semaphore, #tpu.memory_space<semaphore_mem>>
        %dma_wait3A_490 = arith.constant 0 : i32
        %dma_wait3A_491 = arith.constant 0 : i32
        %dma_wait3A_492 = tpu.memref_slice %arg5[%dma_wait3A_490, %dma_wait3A_491] : memref<204800x64xf32, #tpu.memory_space<hbm>> -> memref<200x64xf32, #tpu.memory_space<hbm>>
        %dma_wait3A_493 = arith.constant 0 : i32
        %dma_wait3A_494 = arith.constant 0 : i32
        %dma_wait3A_495 = tpu.memref_slice %arg8[%dma_wait3A_479, %dma_wait3A_493, %dma_wait3A_494] : memref<4x200x64xf32, #tpu.memory_space<vmem>> -> memref<1x200x64xf32, #tpu.memory_space<vmem>>
        %dma_wait3A_496 = tpu.memref_squeeze %dma_wait3A_495 : memref<1x200x64xf32, #tpu.memory_space<vmem>> -> memref<200x64xf32, #tpu.memory_space<vmem>>
        tpu.wait_dma2 semaphore(%dma_wait3A_489 : memref<!tpu.dma_semaphore, #tpu.memory_space<semaphore_mem>>) src(%dma_wait3A_496 : memref<200x64xf32, #tpu.memory_space<vmem>>) dst(%dma_wait3A_492 : memref<200x64xf32, #tpu.memory_space<hbm>>)
      } else {
      }
      %scan3A_305 = arith.constant 0 : i32
      %scan3A_306 = arith.constant 0 : i32
      %scan3A_307 = arith.constant 200 : i32
      %scan3A_308 = arith.addi %scan3A_306, %scan3A_307 : i32
      %scan3A_309 = arith.constant 4 : i32
      scf.for %scan3A_479 = %scan3A_306 to %scan3A_308 step %scan3A_309  : i32 {
        %get3A = arith.constant 1 : i32
        %get3A_480 = arith.index_cast %get3A : i32 to index
        %get3A_481 = arith.index_cast %scan3A_479 : i32 to index
        %get3A_482 = arith.constant 0 : index
        %get3A_483 = tpu.vector_load %arg7[%get3A_480, %get3A_481, %get3A_482] {strides = array<i32>} : memref<4x200x64xf32, #tpu.memory_space<vmem>>, vector<1x1x16xf32>,
        %get3A_484 = vector.shape_cast %get3A_483 : vector<1x1x16xf32> to vector<16xf32>
        %mul3A_485 = arith.constant 8.000000e+00 : f32
        %mul3A_486 = vector.broadcast %mul3A_485 : f32 to vector<16xf32>
        %mul3A_487 = arith.mulf %get3A_484, %mul3A_486 : vector<16xf32>
        %get3A_488 = arith.index_cast %scan3A_479 : i32 to index
        %get3A_489 = arith.constant 0 : index
        %get3A_490 = tpu.vector_load %arg9[%get3A_488, %get3A_489] {strides = array<i32>} : memref<200x64xf32, #tpu.memory_space<vmem>>, vector<1x16xf32>,
        %get3A_491 = vector.shape_cast %get3A_490 : vector<1x16xf32> to vector<16xf32>
        %add3A_492 = arith.addf %mul3A_487, %get3A_491 : vector<16xf32>
        %swap3A = arith.constant 1 : i32
        %swap3A_493 = arith.index_cast %swap3A : i32 to index
        %swap3A_494 = arith.index_cast %scan3A_479 : i32 to index
        %swap3A_495 = arith.constant 0 : index
        %swap3A_496 = tpu.vector_load %arg8[%swap3A_493, %swap3A_494, %swap3A_495] {strides = array<i32>} : memref<4x200x64xf32, #tpu.memory_space<vmem>>, vector<1x1x16xf32>,
        %swap3A_497 = vector.shape_cast %swap3A_496 : vector<1x1x16xf32> to vector<16xf32>
        %swap3A_498 = vector.shape_cast %add3A_492 : vector<16xf32> to vector<1x1x16xf32>
        tpu.vector_store %arg8[%swap3A_493, %swap3A_494, %swap3A_495], %swap3A_498 {strides = array<i32>} : memref<4x200x64xf32, #tpu.memory_space<vmem>>, vector<1x1x16xf32>,
        %get3A_499 = arith.constant 1 : i32
        %get3A_500 = arith.index_cast %get3A_499 : i32 to index
        %get3A_501 = arith.index_cast %scan3A_479 : i32 to index
        %get3A_502 = arith.constant 16 : index
        %get3A_503 = tpu.vector_load %arg7[%get3A_500, %get3A_501, %get3A_502] {strides = array<i32>} : memref<4x200x64xf32, #tpu.memory_space<vmem>>, vector<1x1x16xf32>,
        %get3A_504 = vector.shape_cast %get3A_503 : vector<1x1x16xf32> to vector<16xf32>
        %mul3A_505 = arith.constant 8.000000e+00 : f32
        %mul3A_506 = vector.broadcast %mul3A_505 : f32 to vector<16xf32>
        %mul3A_507 = arith.mulf %get3A_504, %mul3A_506 : vector<16xf32>
        %get3A_508 = arith.index_cast %scan3A_479 : i32 to index
        %get3A_509 = arith.constant 16 : index
        %get3A_510 = tpu.vector_load %arg9[%get3A_508, %get3A_509] {strides = array<i32>} : memref<200x64xf32, #tpu.memory_space<vmem>>, vector<1x16xf32>,
        %get3A_511 = vector.shape_cast %get3A_510 : vector<1x16xf32> to vector<16xf32>
        %add3A_512 = arith.addf %mul3A_507, %get3A_511 : vector<16xf32>
        %swap3A_513 = arith.constant 1 : i32
        %swap3A_514 = arith.index_cast %swap3A_513 : i32 to index
        %swap3A_515 = arith.index_cast %scan3A_479 : i32 to index
        %swap3A_516 = arith.constant 16 : index
        %swap3A_517 = tpu.vector_load %arg8[%swap3A_514, %swap3A_515, %swap3A_516] {strides = array<i32>} : memref<4x200x64xf32, #tpu.memory_space<vmem>>, vector<1x1x16xf32>,
        %swap3A_518 = vector.shape_cast %swap3A_517 : vector<1x1x16xf32> to vector<16xf32>
        %swap3A_519 = vector.shape_cast %add3A_512 : vector<16xf32> to vector<1x1x16xf32>
        tpu.vector_store %arg8[%swap3A_514, %swap3A_515, %swap3A_516], %swap3A_519 {strides = array<i32>} : memref<4x200x64xf32, #tpu.memory_space<vmem>>, vector<1x1x16xf32>,
        %get3A_520 = arith.constant 1 : i32
        %get3A_521 = arith.index_cast %get3A_520 : i32 to index
        %get3A_522 = arith.index_cast %scan3A_479 : i32 to index
        %get3A_523 = arith.constant 32 : index
        %get3A_524 = tpu.vector_load %arg7[%get3A_521, %get3A_522, %get3A_523] {strides = array<i32>} : memref<4x200x64xf32, #tpu.memory_space<vmem>>, vector<1x1x16xf32>,
        %get3A_525 = vector.shape_cast %get3A_524 : vector<1x1x16xf32> to vector<16xf32>
        %mul3A_526 = arith.constant 8.000000e+00 : f32
        %mul3A_527 = vector.broadcast %mul3A_526 : f32 to vector<16xf32>
        %mul3A_528 = arith.mulf %get3A_525, %mul3A_527 : vector<16xf32>
        %get3A_529 = arith.index_cast %scan3A_479 : i32 to index
        %get3A_530 = arith.constant 32 : index
        %get3A_531 = tpu.vector_load %arg9[%get3A_529, %get3A_530] {strides = array<i32>} : memref<200x64xf32, #tpu.memory_space<vmem>>, vector<1x16xf32>,
        %get3A_532 = vector.shape_cast %get3A_531 : vector<1x16xf32> to vector<16xf32>
        %add3A_533 = arith.addf %mul3A_528, %get3A_532 : vector<16xf32>
        %swap3A_534 = arith.constant 1 : i32
        %swap3A_535 = arith.index_cast %swap3A_534 : i32 to index
        %swap3A_536 = arith.index_cast %scan3A_479 : i32 to index
        %swap3A_537 = arith.constant 32 : index
        %swap3A_538 = tpu.vector_load %arg8[%swap3A_535, %swap3A_536, %swap3A_537] {strides = array<i32>} : memref<4x200x64xf32, #tpu.memory_space<vmem>>, vector<1x1x16xf32>,
        %swap3A_539 = vector.shape_cast %swap3A_538 : vector<1x1x16xf32> to vector<16xf32>
        %swap3A_540 = vector.shape_cast %add3A_533 : vector<16xf32> to vector<1x1x16xf32>
        tpu.vector_store %arg8[%swap3A_535, %swap3A_536, %swap3A_537], %swap3A_540 {strides = array<i32>} : memref<4x200x64xf32, #tpu.memory_space<vmem>>, vector<1x1x16xf32>,
        %get3A_541 = arith.constant 1 : i32
        %get3A_542 = arith.index_cast %get3A_541 : i32 to index
        %get3A_543 = arith.index_cast %scan3A_479 : i32 to index
        %get3A_544 = arith.constant 48 : index
        %get3A_545 = tpu.vector_load %arg7[%get3A_542, %get3A_543, %get3A_544] {strides = array<i32>} : memref<4x200x64xf32, #tpu.memory_space<vmem>>, vector<1x1x16xf32>,
        %get3A_546 = vector.shape_cast %get3A_545 : vector<1x1x16xf32> to vector<16xf32>
        %mul3A_547 = arith.constant 8.000000e+00 : f32
        %mul3A_548 = vector.broadcast %mul3A_547 : f32 to vector<16xf32>
        %mul3A_549 = arith.mulf %get3A_546, %mul3A_548 : vector<16xf32>
        %get3A_550 = arith.index_cast %scan3A_479 : i32 to index
        %get3A_551 = arith.constant 48 : index
        %get3A_552 = tpu.vector_load %arg9[%get3A_550, %get3A_551] {strides = array<i32>} : memref<200x64xf32, #tpu.memory_space<vmem>>, vector<1x16xf32>,
        %get3A_553 = vector.shape_cast %get3A_552 : vector<1x16xf32> to vector<16xf32>
        %add3A_554 = arith.addf %mul3A_549, %get3A_553 : vector<16xf32>
        %swap3A_555 = arith.constant 1 : i32
        %swap3A_556 = arith.index_cast %swap3A_555 : i32 to index
        %swap3A_557 = arith.index_cast %scan3A_479 : i32 to index
        %swap3A_558 = arith.constant 48 : index
        %swap3A_559 = tpu.vector_load %arg8[%swap3A_556, %swap3A_557, %swap3A_558] {strides = array<i32>} : memref<4x200x64xf32, #tpu.memory_space<vmem>>, vector<1x1x16xf32>,
        %swap3A_560 = vector.shape_cast %swap3A_559 : vector<1x1x16xf32> to vector<16xf32>
        %swap3A_561 = vector.shape_cast %add3A_554 : vector<16xf32> to vector<1x1x16xf32>
        tpu.vector_store %arg8[%swap3A_556, %swap3A_557, %swap3A_558], %swap3A_561 {strides = array<i32>} : memref<4x200x64xf32, #tpu.memory_space<vmem>>, vector<1x1x16xf32>,
        %scan3A_562 = arith.constant 1 : i32
        %scan3A_563 = arith.addi %scan3A_479, %scan3A_562 : i32
        %get3A_564 = arith.constant 1 : i32
        %get3A_565 = arith.index_cast %get3A_564 : i32 to index
        %get3A_566 = arith.index_cast %scan3A_563 : i32 to index
        %get3A_567 = arith.constant 0 : index
        %get3A_568 = tpu.vector_load %arg7[%get3A_565, %get3A_566, %get3A_567] {strides = array<i32>} : memref<4x200x64xf32, #tpu.memory_space<vmem>>, vector<1x1x16xf32>,
        %get3A_569 = vector.shape_cast %get3A_568 : vector<1x1x16xf32> to vector<16xf32>
        %mul3A_570 = arith.constant 8.000000e+00 : f32
        %mul3A_571 = vector.broadcast %mul3A_570 : f32 to vector<16xf32>
        %mul3A_572 = arith.mulf %get3A_569, %mul3A_571 : vector<16xf32>
        %get3A_573 = arith.index_cast %scan3A_563 : i32 to index
        %get3A_574 = arith.constant 0 : index
        %get3A_575 = tpu.vector_load %arg9[%get3A_573, %get3A_574] {strides = array<i32>} : memref<200x64xf32, #tpu.memory_space<vmem>>, vector<1x16xf32>,
        %get3A_576 = vector.shape_cast %get3A_575 : vector<1x16xf32> to vector<16xf32>
        %add3A_577 = arith.addf %mul3A_572, %get3A_576 : vector<16xf32>
        %swap3A_578 = arith.constant 1 : i32
        %swap3A_579 = arith.index_cast %swap3A_578 : i32 to index
        %swap3A_580 = arith.index_cast %scan3A_563 : i32 to index
        %swap3A_581 = arith.constant 0 : index
        %swap3A_582 = tpu.vector_load %arg8[%swap3A_579, %swap3A_580, %swap3A_581] {strides = array<i32>} : memref<4x200x64xf32, #tpu.memory_space<vmem>>, vector<1x1x16xf32>,
        %swap3A_583 = vector.shape_cast %swap3A_582 : vector<1x1x16xf32> to vector<16xf32>
        %swap3A_584 = vector.shape_cast %add3A_577 : vector<16xf32> to vector<1x1x16xf32>
        tpu.vector_store %arg8[%swap3A_579, %swap3A_580, %swap3A_581], %swap3A_584 {strides = array<i32>} : memref<4x200x64xf32, #tpu.memory_space<vmem>>, vector<1x1x16xf32>,
        %get3A_585 = arith.constant 1 : i32
        %get3A_586 = arith.index_cast %get3A_585 : i32 to index
        %get3A_587 = arith.index_cast %scan3A_563 : i32 to index
        %get3A_588 = arith.constant 16 : index
        %get3A_589 = tpu.vector_load %arg7[%get3A_586, %get3A_587, %get3A_588] {strides = array<i32>} : memref<4x200x64xf32, #tpu.memory_space<vmem>>, vector<1x1x16xf32>,
        %get3A_590 = vector.shape_cast %get3A_589 : vector<1x1x16xf32> to vector<16xf32>
        %mul3A_591 = arith.constant 8.000000e+00 : f32
        %mul3A_592 = vector.broadcast %mul3A_591 : f32 to vector<16xf32>
        %mul3A_593 = arith.mulf %get3A_590, %mul3A_592 : vector<16xf32>
        %get3A_594 = arith.index_cast %scan3A_563 : i32 to index
        %get3A_595 = arith.constant 16 : index
        %get3A_596 = tpu.vector_load %arg9[%get3A_594, %get3A_595] {strides = array<i32>} : memref<200x64xf32, #tpu.memory_space<vmem>>, vector<1x16xf32>,
        %get3A_597 = vector.shape_cast %get3A_596 : vector<1x16xf32> to vector<16xf32>
        %add3A_598 = arith.addf %mul3A_593, %get3A_597 : vector<16xf32>
        %swap3A_599 = arith.constant 1 : i32
        %swap3A_600 = arith.index_cast %swap3A_599 : i32 to index
        %swap3A_601 = arith.index_cast %scan3A_563 : i32 to index
        %swap3A_602 = arith.constant 16 : index
        %swap3A_603 = tpu.vector_load %arg8[%swap3A_600, %swap3A_601, %swap3A_602] {strides = array<i32>} : memref<4x200x64xf32, #tpu.memory_space<vmem>>, vector<1x1x16xf32>,
        %swap3A_604 = vector.shape_cast %swap3A_603 : vector<1x1x16xf32> to vector<16xf32>
        %swap3A_605 = vector.shape_cast %add3A_598 : vector<16xf32> to vector<1x1x16xf32>
        tpu.vector_store %arg8[%swap3A_600, %swap3A_601, %swap3A_602], %swap3A_605 {strides = array<i32>} : memref<4x200x64xf32, #tpu.memory_space<vmem>>, vector<1x1x16xf32>,
        %get3A_606 = arith.constant 1 : i32
        %get3A_607 = arith.index_cast %get3A_606 : i32 to index
        %get3A_608 = arith.index_cast %scan3A_563 : i32 to index
        %get3A_609 = arith.constant 32 : index
        %get3A_610 = tpu.vector_load %arg7[%get3A_607, %get3A_608, %get3A_609] {strides = array<i32>} : memref<4x200x64xf32, #tpu.memory_space<vmem>>, vector<1x1x16xf32>,
        %get3A_611 = vector.shape_cast %get3A_610 : vector<1x1x16xf32> to vector<16xf32>
        %mul3A_612 = arith.constant 8.000000e+00 : f32
        %mul3A_613 = vector.broadcast %mul3A_612 : f32 to vector<16xf32>
        %mul3A_614 = arith.mulf %get3A_611, %mul3A_613 : vector<16xf32>
        %get3A_615 = arith.index_cast %scan3A_563 : i32 to index
        %get3A_616 = arith.constant 32 : index
        %get3A_617 = tpu.vector_load %arg9[%get3A_615, %get3A_616] {strides = array<i32>} : memref<200x64xf32, #tpu.memory_space<vmem>>, vector<1x16xf32>,
        %get3A_618 = vector.shape_cast %get3A_617 : vector<1x16xf32> to vector<16xf32>
        %add3A_619 = arith.addf %mul3A_614, %get3A_618 : vector<16xf32>
        %swap3A_620 = arith.constant 1 : i32
        %swap3A_621 = arith.index_cast %swap3A_620 : i32 to index
        %swap3A_622 = arith.index_cast %scan3A_563 : i32 to index
        %swap3A_623 = arith.constant 32 : index
        %swap3A_624 = tpu.vector_load %arg8[%swap3A_621, %swap3A_622, %swap3A_623] {strides = array<i32>} : memref<4x200x64xf32, #tpu.memory_space<vmem>>, vector<1x1x16xf32>,
        %swap3A_625 = vector.shape_cast %swap3A_624 : vector<1x1x16xf32> to vector<16xf32>
        %swap3A_626 = vector.shape_cast %add3A_619 : vector<16xf32> to vector<1x1x16xf32>
        tpu.vector_store %arg8[%swap3A_621, %swap3A_622, %swap3A_623], %swap3A_626 {strides = array<i32>} : memref<4x200x64xf32, #tpu.memory_space<vmem>>, vector<1x1x16xf32>,
        %get3A_627 = arith.constant 1 : i32
        %get3A_628 = arith.index_cast %get3A_627 : i32 to index
        %get3A_629 = arith.index_cast %scan3A_563 : i32 to index
        %get3A_630 = arith.constant 48 : index
        %get3A_631 = tpu.vector_load %arg7[%get3A_628, %get3A_629, %get3A_630] {strides = array<i32>} : memref<4x200x64xf32, #tpu.memory_space<vmem>>, vector<1x1x16xf32>,
        %get3A_632 = vector.shape_cast %get3A_631 : vector<1x1x16xf32> to vector<16xf32>
        %mul3A_633 = arith.constant 8.000000e+00 : f32
        %mul3A_634 = vector.broadcast %mul3A_633 : f32 to vector<16xf32>
        %mul3A_635 = arith.mulf %get3A_632, %mul3A_634 : vector<16xf32>
        %get3A_636 = arith.index_cast %scan3A_563 : i32 to index
        %get3A_637 = arith.constant 48 : index
        %get3A_638 = tpu.vector_load %arg9[%get3A_636, %get3A_637] {strides = array<i32>} : memref<200x64xf32, #tpu.memory_space<vmem>>, vector<1x16xf32>,
        %get3A_639 = vector.shape_cast %get3A_638 : vector<1x16xf32> to vector<16xf32>
        %add3A_640 = arith.addf %mul3A_635, %get3A_639 : vector<16xf32>
        %swap3A_641 = arith.constant 1 : i32
        %swap3A_642 = arith.index_cast %swap3A_641 : i32 to index
        %swap3A_643 = arith.index_cast %scan3A_563 : i32 to index
        %swap3A_644 = arith.constant 48 : index
        %swap3A_645 = tpu.vector_load %arg8[%swap3A_642, %swap3A_643, %swap3A_644] {strides = array<i32>} : memref<4x200x64xf32, #tpu.memory_space<vmem>>, vector<1x1x16xf32>,
        %swap3A_646 = vector.shape_cast %swap3A_645 : vector<1x1x16xf32> to vector<16xf32>
        %swap3A_647 = vector.shape_cast %add3A_640 : vector<16xf32> to vector<1x1x16xf32>
        tpu.vector_store %arg8[%swap3A_642, %swap3A_643, %swap3A_644], %swap3A_647 {strides = array<i32>} : memref<4x200x64xf32, #tpu.memory_space<vmem>>, vector<1x1x16xf32>,
        %scan3A_648 = arith.constant 2 : i32
        %scan3A_649 = arith.addi %scan3A_479, %scan3A_648 : i32
        %get3A_650 = arith.constant 1 : i32
        %get3A_651 = arith.index_cast %get3A_650 : i32 to index
        %get3A_652 = arith.index_cast %scan3A_649 : i32 to index
        %get3A_653 = arith.constant 0 : index
        %get3A_654 = tpu.vector_load %arg7[%get3A_651, %get3A_652, %get3A_653] {strides = array<i32>} : memref<4x200x64xf32, #tpu.memory_space<vmem>>, vector<1x1x16xf32>,
        %get3A_655 = vector.shape_cast %get3A_654 : vector<1x1x16xf32> to vector<16xf32>
        %mul3A_656 = arith.constant 8.000000e+00 : f32
        %mul3A_657 = vector.broadcast %mul3A_656 : f32 to vector<16xf32>
        %mul3A_658 = arith.mulf %get3A_655, %mul3A_657 : vector<16xf32>
        %get3A_659 = arith.index_cast %scan3A_649 : i32 to index
        %get3A_660 = arith.constant 0 : index
        %get3A_661 = tpu.vector_load %arg9[%get3A_659, %get3A_660] {strides = array<i32>} : memref<200x64xf32, #tpu.memory_space<vmem>>, vector<1x16xf32>,
        %get3A_662 = vector.shape_cast %get3A_661 : vector<1x16xf32> to vector<16xf32>
        %add3A_663 = arith.addf %mul3A_658, %get3A_662 : vector<16xf32>
        %swap3A_664 = arith.constant 1 : i32
        %swap3A_665 = arith.index_cast %swap3A_664 : i32 to index
        %swap3A_666 = arith.index_cast %scan3A_649 : i32 to index
        %swap3A_667 = arith.constant 0 : index
        %swap3A_668 = tpu.vector_load %arg8[%swap3A_665, %swap3A_666, %swap3A_667] {strides = array<i32>} : memref<4x200x64xf32, #tpu.memory_space<vmem>>, vector<1x1x16xf32>,
        %swap3A_669 = vector.shape_cast %swap3A_668 : vector<1x1x16xf32> to vector<16xf32>
        %swap3A_670 = vector.shape_cast %add3A_663 : vector<16xf32> to vector<1x1x16xf32>
        tpu.vector_store %arg8[%swap3A_665, %swap3A_666, %swap3A_667], %swap3A_670 {strides = array<i32>} : memref<4x200x64xf32, #tpu.memory_space<vmem>>, vector<1x1x16xf32>,
        %get3A_671 = arith.constant 1 : i32
        %get3A_672 = arith.index_cast %get3A_671 : i32 to index
        %get3A_673 = arith.index_cast %scan3A_649 : i32 to index
        %get3A_674 = arith.constant 16 : index
        %get3A_675 = tpu.vector_load %arg7[%get3A_672, %get3A_673, %get3A_674] {strides = array<i32>} : memref<4x200x64xf32, #tpu.memory_space<vmem>>, vector<1x1x16xf32>,
        %get3A_676 = vector.shape_cast %get3A_675 : vector<1x1x16xf32> to vector<16xf32>
        %mul3A_677 = arith.constant 8.000000e+00 : f32
        %mul3A_678 = vector.broadcast %mul3A_677 : f32 to vector<16xf32>
        %mul3A_679 = arith.mulf %get3A_676, %mul3A_678 : vector<16xf32>
        %get3A_680 = arith.index_cast %scan3A_649 : i32 to index
        %get3A_681 = arith.constant 16 : index
        %get3A_682 = tpu.vector_load %arg9[%get3A_680, %get3A_681] {strides = array<i32>} : memref<200x64xf32, #tpu.memory_space<vmem>>, vector<1x16xf32>,
        %get3A_683 = vector.shape_cast %get3A_682 : vector<1x16xf32> to vector<16xf32>
        %add3A_684 = arith.addf %mul3A_679, %get3A_683 : vector<16xf32>
        %swap3A_685 = arith.constant 1 : i32
        %swap3A_686 = arith.index_cast %swap3A_685 : i32 to index
        %swap3A_687 = arith.index_cast %scan3A_649 : i32 to index
        %swap3A_688 = arith.constant 16 : index
        %swap3A_689 = tpu.vector_load %arg8[%swap3A_686, %swap3A_687, %swap3A_688] {strides = array<i32>} : memref<4x200x64xf32, #tpu.memory_space<vmem>>, vector<1x1x16xf32>,
        %swap3A_690 = vector.shape_cast %swap3A_689 : vector<1x1x16xf32> to vector<16xf32>
        %swap3A_691 = vector.shape_cast %add3A_684 : vector<16xf32> to vector<1x1x16xf32>
        tpu.vector_store %arg8[%swap3A_686, %swap3A_687, %swap3A_688], %swap3A_691 {strides = array<i32>} : memref<4x200x64xf32, #tpu.memory_space<vmem>>, vector<1x1x16xf32>,
        %get3A_692 = arith.constant 1 : i32
        %get3A_693 = arith.index_cast %get3A_692 : i32 to index
        %get3A_694 = arith.index_cast %scan3A_649 : i32 to index
        %get3A_695 = arith.constant 32 : index
        %get3A_696 = tpu.vector_load %arg7[%get3A_693, %get3A_694, %get3A_695] {strides = array<i32>} : memref<4x200x64xf32, #tpu.memory_space<vmem>>, vector<1x1x16xf32>,
        %get3A_697 = vector.shape_cast %get3A_696 : vector<1x1x16xf32> to vector<16xf32>
        %mul3A_698 = arith.constant 8.000000e+00 : f32
        %mul3A_699 = vector.broadcast %mul3A_698 : f32 to vector<16xf32>
        %mul3A_700 = arith.mulf %get3A_697, %mul3A_699 : vector<16xf32>
        %get3A_701 = arith.index_cast %scan3A_649 : i32 to index
        %get3A_702 = arith.constant 32 : index
        %get3A_703 = tpu.vector_load %arg9[%get3A_701, %get3A_702] {strides = array<i32>} : memref<200x64xf32, #tpu.memory_space<vmem>>, vector<1x16xf32>,
        %get3A_704 = vector.shape_cast %get3A_703 : vector<1x16xf32> to vector<16xf32>
        %add3A_705 = arith.addf %mul3A_700, %get3A_704 : vector<16xf32>
        %swap3A_706 = arith.constant 1 : i32
        %swap3A_707 = arith.index_cast %swap3A_706 : i32 to index
        %swap3A_708 = arith.index_cast %scan3A_649 : i32 to index
        %swap3A_709 = arith.constant 32 : index
        %swap3A_710 = tpu.vector_load %arg8[%swap3A_707, %swap3A_708, %swap3A_709] {strides = array<i32>} : memref<4x200x64xf32, #tpu.memory_space<vmem>>, vector<1x1x16xf32>,
        %swap3A_711 = vector.shape_cast %swap3A_710 : vector<1x1x16xf32> to vector<16xf32>
        %swap3A_712 = vector.shape_cast %add3A_705 : vector<16xf32> to vector<1x1x16xf32>
        tpu.vector_store %arg8[%swap3A_707, %swap3A_708, %swap3A_709], %swap3A_712 {strides = array<i32>} : memref<4x200x64xf32, #tpu.memory_space<vmem>>, vector<1x1x16xf32>,
        %get3A_713 = arith.constant 1 : i32
        %get3A_714 = arith.index_cast %get3A_713 : i32 to index
        %get3A_715 = arith.index_cast %scan3A_649 : i32 to index
        %get3A_716 = arith.constant 48 : index
        %get3A_717 = tpu.vector_load %arg7[%get3A_714, %get3A_715, %get3A_716] {strides = array<i32>} : memref<4x200x64xf32, #tpu.memory_space<vmem>>, vector<1x1x16xf32>,
        %get3A_718 = vector.shape_cast %get3A_717 : vector<1x1x16xf32> to vector<16xf32>
        %mul3A_719 = arith.constant 8.000000e+00 : f32
        %mul3A_720 = vector.broadcast %mul3A_719 : f32 to vector<16xf32>
        %mul3A_721 = arith.mulf %get3A_718, %mul3A_720 : vector<16xf32>
        %get3A_722 = arith.index_cast %scan3A_649 : i32 to index
        %get3A_723 = arith.constant 48 : index
        %get3A_724 = tpu.vector_load %arg9[%get3A_722, %get3A_723] {strides = array<i32>} : memref<200x64xf32, #tpu.memory_space<vmem>>, vector<1x16xf32>,
        %get3A_725 = vector.shape_cast %get3A_724 : vector<1x16xf32> to vector<16xf32>
        %add3A_726 = arith.addf %mul3A_721, %get3A_725 : vector<16xf32>
        %swap3A_727 = arith.constant 1 : i32
        %swap3A_728 = arith.index_cast %swap3A_727 : i32 to index
        %swap3A_729 = arith.index_cast %scan3A_649 : i32 to index
        %swap3A_730 = arith.constant 48 : index
        %swap3A_731 = tpu.vector_load %arg8[%swap3A_728, %swap3A_729, %swap3A_730] {strides = array<i32>} : memref<4x200x64xf32, #tpu.memory_space<vmem>>, vector<1x1x16xf32>,
        %swap3A_732 = vector.shape_cast %swap3A_731 : vector<1x1x16xf32> to vector<16xf32>
        %swap3A_733 = vector.shape_cast %add3A_726 : vector<16xf32> to vector<1x1x16xf32>
        tpu.vector_store %arg8[%swap3A_728, %swap3A_729, %swap3A_730], %swap3A_733 {strides = array<i32>} : memref<4x200x64xf32, #tpu.memory_space<vmem>>, vector<1x1x16xf32>,
        %scan3A_734 = arith.constant 3 : i32
        %scan3A_735 = arith.addi %scan3A_479, %scan3A_734 : i32
        %get3A_736 = arith.constant 1 : i32
        %get3A_737 = arith.index_cast %get3A_736 : i32 to index
        %get3A_738 = arith.index_cast %scan3A_735 : i32 to index
        %get3A_739 = arith.constant 0 : index
        %get3A_740 = tpu.vector_load %arg7[%get3A_737, %get3A_738, %get3A_739] {strides = array<i32>} : memref<4x200x64xf32, #tpu.memory_space<vmem>>, vector<1x1x16xf32>,
        %get3A_741 = vector.shape_cast %get3A_740 : vector<1x1x16xf32> to vector<16xf32>
        %mul3A_742 = arith.constant 8.000000e+00 : f32
        %mul3A_743 = vector.broadcast %mul3A_742 : f32 to vector<16xf32>
        %mul3A_744 = arith.mulf %get3A_741, %mul3A_743 : vector<16xf32>
        %get3A_745 = arith.index_cast %scan3A_735 : i32 to index
        %get3A_746 = arith.constant 0 : index
        %get3A_747 = tpu.vector_load %arg9[%get3A_745, %get3A_746] {strides = array<i32>} : memref<200x64xf32, #tpu.memory_space<vmem>>, vector<1x16xf32>,
        %get3A_748 = vector.shape_cast %get3A_747 : vector<1x16xf32> to vector<16xf32>
        %add3A_749 = arith.addf %mul3A_744, %get3A_748 : vector<16xf32>
        %swap3A_750 = arith.constant 1 : i32
        %swap3A_751 = arith.index_cast %swap3A_750 : i32 to index
        %swap3A_752 = arith.index_cast %scan3A_735 : i32 to index
        %swap3A_753 = arith.constant 0 : index
        %swap3A_754 = tpu.vector_load %arg8[%swap3A_751, %swap3A_752, %swap3A_753] {strides = array<i32>} : memref<4x200x64xf32, #tpu.memory_space<vmem>>, vector<1x1x16xf32>,
        %swap3A_755 = vector.shape_cast %swap3A_754 : vector<1x1x16xf32> to vector<16xf32>
        %swap3A_756 = vector.shape_cast %add3A_749 : vector<16xf32> to vector<1x1x16xf32>
        tpu.vector_store %arg8[%swap3A_751, %swap3A_752, %swap3A_753], %swap3A_756 {strides = array<i32>} : memref<4x200x64xf32, #tpu.memory_space<vmem>>, vector<1x1x16xf32>,
        %get3A_757 = arith.constant 1 : i32
        %get3A_758 = arith.index_cast %get3A_757 : i32 to index
        %get3A_759 = arith.index_cast %scan3A_735 : i32 to index
        %get3A_760 = arith.constant 16 : index
        %get3A_761 = tpu.vector_load %arg7[%get3A_758, %get3A_759, %get3A_760] {strides = array<i32>} : memref<4x200x64xf32, #tpu.memory_space<vmem>>, vector<1x1x16xf32>,
        %get3A_762 = vector.shape_cast %get3A_761 : vector<1x1x16xf32> to vector<16xf32>
        %mul3A_763 = arith.constant 8.000000e+00 : f32
        %mul3A_764 = vector.broadcast %mul3A_763 : f32 to vector<16xf32>
        %mul3A_765 = arith.mulf %get3A_762, %mul3A_764 : vector<16xf32>
        %get3A_766 = arith.index_cast %scan3A_735 : i32 to index
        %get3A_767 = arith.constant 16 : index
        %get3A_768 = tpu.vector_load %arg9[%get3A_766, %get3A_767] {strides = array<i32>} : memref<200x64xf32, #tpu.memory_space<vmem>>, vector<1x16xf32>,
        %get3A_769 = vector.shape_cast %get3A_768 : vector<1x16xf32> to vector<16xf32>
        %add3A_770 = arith.addf %mul3A_765, %get3A_769 : vector<16xf32>
        %swap3A_771 = arith.constant 1 : i32
        %swap3A_772 = arith.index_cast %swap3A_771 : i32 to index
        %swap3A_773 = arith.index_cast %scan3A_735 : i32 to index
        %swap3A_774 = arith.constant 16 : index
        %swap3A_775 = tpu.vector_load %arg8[%swap3A_772, %swap3A_773, %swap3A_774] {strides = array<i32>} : memref<4x200x64xf32, #tpu.memory_space<vmem>>, vector<1x1x16xf32>,
        %swap3A_776 = vector.shape_cast %swap3A_775 : vector<1x1x16xf32> to vector<16xf32>
        %swap3A_777 = vector.shape_cast %add3A_770 : vector<16xf32> to vector<1x1x16xf32>
        tpu.vector_store %arg8[%swap3A_772, %swap3A_773, %swap3A_774], %swap3A_777 {strides = array<i32>} : memref<4x200x64xf32, #tpu.memory_space<vmem>>, vector<1x1x16xf32>,
        %get3A_778 = arith.constant 1 : i32
        %get3A_779 = arith.index_cast %get3A_778 : i32 to index
        %get3A_780 = arith.index_cast %scan3A_735 : i32 to index
        %get3A_781 = arith.constant 32 : index
        %get3A_782 = tpu.vector_load %arg7[%get3A_779, %get3A_780, %get3A_781] {strides = array<i32>} : memref<4x200x64xf32, #tpu.memory_space<vmem>>, vector<1x1x16xf32>,
        %get3A_783 = vector.shape_cast %get3A_782 : vector<1x1x16xf32> to vector<16xf32>
        %mul3A_784 = arith.constant 8.000000e+00 : f32
        %mul3A_785 = vector.broadcast %mul3A_784 : f32 to vector<16xf32>
        %mul3A_786 = arith.mulf %get3A_783, %mul3A_785 : vector<16xf32>
        %get3A_787 = arith.index_cast %scan3A_735 : i32 to index
        %get3A_788 = arith.constant 32 : index
        %get3A_789 = tpu.vector_load %arg9[%get3A_787, %get3A_788] {strides = array<i32>} : memref<200x64xf32, #tpu.memory_space<vmem>>, vector<1x16xf32>,
        %get3A_790 = vector.shape_cast %get3A_789 : vector<1x16xf32> to vector<16xf32>
        %add3A_791 = arith.addf %mul3A_786, %get3A_790 : vector<16xf32>
        %swap3A_792 = arith.constant 1 : i32
        %swap3A_793 = arith.index_cast %swap3A_792 : i32 to index
        %swap3A_794 = arith.index_cast %scan3A_735 : i32 to index
        %swap3A_795 = arith.constant 32 : index
        %swap3A_796 = tpu.vector_load %arg8[%swap3A_793, %swap3A_794, %swap3A_795] {strides = array<i32>} : memref<4x200x64xf32, #tpu.memory_space<vmem>>, vector<1x1x16xf32>,
        %swap3A_797 = vector.shape_cast %swap3A_796 : vector<1x1x16xf32> to vector<16xf32>
        %swap3A_798 = vector.shape_cast %add3A_791 : vector<16xf32> to vector<1x1x16xf32>
        tpu.vector_store %arg8[%swap3A_793, %swap3A_794, %swap3A_795], %swap3A_798 {strides = array<i32>} : memref<4x200x64xf32, #tpu.memory_space<vmem>>, vector<1x1x16xf32>,
        %get3A_799 = arith.constant 1 : i32
        %get3A_800 = arith.index_cast %get3A_799 : i32 to index
        %get3A_801 = arith.index_cast %scan3A_735 : i32 to index
        %get3A_802 = arith.constant 48 : index
        %get3A_803 = tpu.vector_load %arg7[%get3A_800, %get3A_801, %get3A_802] {strides = array<i32>} : memref<4x200x64xf32, #tpu.memory_space<vmem>>, vector<1x1x16xf32>,
        %get3A_804 = vector.shape_cast %get3A_803 : vector<1x1x16xf32> to vector<16xf32>
        %mul3A_805 = arith.constant 8.000000e+00 : f32
        %mul3A_806 = vector.broadcast %mul3A_805 : f32 to vector<16xf32>
        %mul3A_807 = arith.mulf %get3A_804, %mul3A_806 : vector<16xf32>
        %get3A_808 = arith.index_cast %scan3A_735 : i32 to index
        %get3A_809 = arith.constant 48 : index
        %get3A_810 = tpu.vector_load %arg9[%get3A_808, %get3A_809] {strides = array<i32>} : memref<200x64xf32, #tpu.memory_space<vmem>>, vector<1x16xf32>,
        %get3A_811 = vector.shape_cast %get3A_810 : vector<1x16xf32> to vector<16xf32>
        %add3A_812 = arith.addf %mul3A_807, %get3A_811 : vector<16xf32>
        %swap3A_813 = arith.constant 1 : i32
        %swap3A_814 = arith.index_cast %swap3A_813 : i32 to index
        %swap3A_815 = arith.index_cast %scan3A_735 : i32 to index
        %swap3A_816 = arith.constant 48 : index
        %swap3A_817 = tpu.vector_load %arg8[%swap3A_814, %swap3A_815, %swap3A_816] {strides = array<i32>} : memref<4x200x64xf32, #tpu.memory_space<vmem>>, vector<1x1x16xf32>,
        %swap3A_818 = vector.shape_cast %swap3A_817 : vector<1x1x16xf32> to vector<16xf32>
        %swap3A_819 = vector.shape_cast %add3A_812 : vector<16xf32> to vector<1x1x16xf32>
        tpu.vector_store %arg8[%swap3A_814, %swap3A_815, %swap3A_816], %swap3A_819 {strides = array<i32>} : memref<4x200x64xf32, #tpu.memory_space<vmem>>, vector<1x1x16xf32>,
      }
      %scan3A_310 = arith.constant 200 : i32
      %add3A_311 = arith.constant 4 : i32
      %add3A_312 = arith.addi %add3A_269, %add3A_311 : i32
      %lt3A_313 = arith.constant 32 : i32
      %lt3A_314 = arith.cmpi slt, %add3A_312, %lt3A_313 : i32
      %convert_element_type3A_315 = arith.extui %lt3A_314 : i1 to i32
      %cond3A_316 = arith.constant 0 : i32
      %cond3A_317 = arith.cmpi ne, %convert_element_type3A_315, %cond3A_316 : i32
      scf.if %cond3A_317 {
        %add3A_479 = arith.constant 4 : i32
        %add3A_480 = arith.addi %add3A_269, %add3A_479 : i32
        %mul3A_481 = arith.constant 2 : i32
        %mul3A_482 = arith.muli %mul3A_481, %add3A_480 : i32
        %dma_start3A_483 = arith.constant 1 : i32
        %dma_start3A_484 = arith.constant 1 : i32
        %dma_start3A_485 = arith.constant 0 : i32
        %dma_start3A_486 = arith.constant 0 : i32
        %dma_start3A_487 = tpu.memref_slice %arg7[%dma_start3A_483, %dma_start3A_485, %dma_start3A_486] : memref<4x200x64xf32, #tpu.memory_space<vmem>> -> memref<1x100x64xf32, #tpu.memory_space<vmem>>
        %dma_start3A_488 = tpu.memref_squeeze %dma_start3A_487 : memref<1x100x64xf32, #tpu.memory_space<vmem>> -> memref<100x64xf32, #tpu.memory_space<vmem>>
        %dma_start3A_489 = arith.constant 0 : i32
        %dma_start3A_490 = tpu.memref_slice %arg6[%mul3A_482, %dma_start3A_489] : memref<64x100xi32, #tpu.memory_space<vmem>> -> memref<1x100xi32, #tpu.memory_space<vmem>>
        %dma_start3A_491 = tpu.memref_squeeze %dma_start3A_490 : memref<1x100xi32, #tpu.memory_space<vmem>> -> memref<100xi32, #tpu.memory_space<vmem>>
        %dma_start3A_492 = arith.constant 0 : i32
        %dma_start3A_493 = arith.constant 0 : i32
        %dma_start3A_494 = tpu.memref_slice %arg3[%dma_start3A_492, %dma_start3A_493] : memref<1000000x64xf32, #tpu.memory_space<hbm>> -> memref<1000000x64xf32, #tpu.memory_space<hbm>>
        %dma_start3A_495 = tpu.memref_slice %arg10[%dma_start3A_484] : memref<4x!tpu.dma_semaphore, #tpu.memory_space<semaphore_mem>> -> memref<1x!tpu.dma_semaphore, #tpu.memory_space<semaphore_mem>>
        %dma_start3A_496 = tpu.memref_squeeze %dma_start3A_495 : memref<1x!tpu.dma_semaphore, #tpu.memory_space<semaphore_mem>> -> memref<!tpu.dma_semaphore, #tpu.memory_space<semaphore_mem>>
        tpu.enqueue_indirect_dma source(%dma_start3A_494 : memref<1000000x64xf32, #tpu.memory_space<hbm>>) target(%dma_start3A_488 : memref<100x64xf32, #tpu.memory_space<vmem>>) offsets(%dma_start3A_491 : memref<100xi32, #tpu.memory_space<vmem>>) semaphore(%dma_start3A_496 : memref<!tpu.dma_semaphore, #tpu.memory_space<semaphore_mem>>)
        %mul3A_497 = arith.constant 2 : i32
        %mul3A_498 = arith.muli %mul3A_497, %add3A_480 : i32
        %add3A_499 = arith.constant 1 : i32
        %add3A_500 = arith.addi %mul3A_498, %add3A_499 : i32
        %dma_start3A_501 = arith.constant 1 : i32
        %dma_start3A_502 = arith.constant 1 : i32
        %dma_start3A_503 = arith.constant 100 : i32
        %dma_start3A_504 = arith.constant 0 : i32
        %dma_start3A_505 = tpu.memref_slice %arg7[%dma_start3A_501, %dma_start3A_503, %dma_start3A_504] : memref<4x200x64xf32, #tpu.memory_space<vmem>> -> memref<1x100x64xf32, #tpu.memory_space<vmem>>
        %dma_start3A_506 = tpu.memref_squeeze %dma_start3A_505 : memref<1x100x64xf32, #tpu.memory_space<vmem>> -> memref<100x64xf32, #tpu.memory_space<vmem>>
        %dma_start3A_507 = arith.constant 0 : i32
        %dma_start3A_508 = tpu.memref_slice %arg6[%add3A_500, %dma_start3A_507] : memref<64x100xi32, #tpu.memory_space<vmem>> -> memref<1x100xi32, #tpu.memory_space<vmem>>
        %dma_start3A_509 = tpu.memref_squeeze %dma_start3A_508 : memref<1x100xi32, #tpu.memory_space<vmem>> -> memref<100xi32, #tpu.memory_space<vmem>>
        %dma_start3A_510 = arith.constant 0 : i32
        %dma_start3A_511 = arith.constant 0 : i32
        %dma_start3A_512 = tpu.memref_slice %arg3[%dma_start3A_510, %dma_start3A_511] : memref<1000000x64xf32, #tpu.memory_space<hbm>> -> memref<1000000x64xf32, #tpu.memory_space<hbm>>
        %dma_start3A_513 = tpu.memref_slice %arg10[%dma_start3A_502] : memref<4x!tpu.dma_semaphore, #tpu.memory_space<semaphore_mem>> -> memref<1x!tpu.dma_semaphore, #tpu.memory_space<semaphore_mem>>
        %dma_start3A_514 = tpu.memref_squeeze %dma_start3A_513 : memref<1x!tpu.dma_semaphore, #tpu.memory_space<semaphore_mem>> -> memref<!tpu.dma_semaphore, #tpu.memory_space<semaphore_mem>>
        tpu.enqueue_indirect_dma source(%dma_start3A_512 : memref<1000000x64xf32, #tpu.memory_space<hbm>>) target(%dma_start3A_506 : memref<100x64xf32, #tpu.memory_space<vmem>>) offsets(%dma_start3A_509 : memref<100xi32, #tpu.memory_space<vmem>>) semaphore(%dma_start3A_514 : memref<!tpu.dma_semaphore, #tpu.memory_space<semaphore_mem>>)
      } else {
      }
      %mul3A_318 = arith.constant 200 : i32
      %mul3A_319 = arith.muli %add3A_269, %mul3A_318 : i32
      %add3A_320 = arith.addi %mul3A_2, %mul3A_319 : i32
      %dma_start3A_321 = arith.constant 1 : i32
      %dma_start3A_322 = arith.constant 1 : i32
      %dma_start3A_323 = arith.constant 0 : i32
      %dma_start3A_324 = arith.constant 0 : i32
      %dma_start3A_325 = tpu.memref_slice %arg8[%dma_start3A_321, %dma_start3A_323, %dma_start3A_324] : memref<4x200x64xf32, #tpu.memory_space<vmem>> -> memref<1x200x64xf32, #tpu.memory_space<vmem>>
      %dma_start3A_326 = tpu.memref_squeeze %dma_start3A_325 : memref<1x200x64xf32, #tpu.memory_space<vmem>> -> memref<200x64xf32, #tpu.memory_space<vmem>>
      %dma_start3A_327 = arith.constant 0 : i32
      %dma_start3A_328 = tpu.memref_slice %arg5[%add3A_320, %dma_start3A_327] : memref<204800x64xf32, #tpu.memory_space<hbm>> -> memref<200x64xf32, #tpu.memory_space<hbm>>
      %dma_start3A_329 = tpu.memref_slice %arg11[%dma_start3A_322] : memref<4x!tpu.dma_semaphore, #tpu.memory_space<semaphore_mem>> -> memref<1x!tpu.dma_semaphore, #tpu.memory_space<semaphore_mem>>
      %dma_start3A_330 = tpu.memref_squeeze %dma_start3A_329 : memref<1x!tpu.dma_semaphore, #tpu.memory_space<semaphore_mem>> -> memref<!tpu.dma_semaphore, #tpu.memory_space<semaphore_mem>>
      %dma_start3A_331 = arith.constant 0 : i32
      %dma_start3A_332 = tpu.memref_slice %arg5[%add3A_320, %dma_start3A_331] : memref<204800x64xf32, #tpu.memory_space<hbm>> -> memref<200x64xf32, #tpu.memory_space<hbm>>
      %dma_start3A_333 = arith.constant 0 : i32
      %dma_start3A_334 = arith.constant 0 : i32
      %dma_start3A_335 = tpu.memref_slice %arg8[%dma_start3A_321, %dma_start3A_333, %dma_start3A_334] : memref<4x200x64xf32, #tpu.memory_space<vmem>> -> memref<1x200x64xf32, #tpu.memory_space<vmem>>
      %dma_start3A_336 = tpu.memref_squeeze %dma_start3A_335 : memref<1x200x64xf32, #tpu.memory_space<vmem>> -> memref<200x64xf32, #tpu.memory_space<vmem>>
      tpu.enqueue_dma source(%dma_start3A_336 : memref<200x64xf32, #tpu.memory_space<vmem>>) target(%dma_start3A_332 : memref<200x64xf32, #tpu.memory_space<hbm>>) target_semaphore(%dma_start3A_330 : memref<!tpu.dma_semaphore, #tpu.memory_space<semaphore_mem>>)
      %mul3A_337 = arith.constant 4 : i32
      %mul3A_338 = arith.muli %scan3A_198, %mul3A_337 : i32
      %add3A_339 = arith.constant 2 : i32
      %add3A_340 = arith.addi %mul3A_338, %add3A_339 : i32
      %dma_wait3A_341 = arith.constant 0 : i32
      %dma_wait3A_342 = arith.constant 2 : i32
      %dma_wait3A_343 = arith.constant 2 : i32
      %dma_wait3A_344 = arith.constant 0 : i32
      %dma_wait3A_345 = arith.constant 0 : i32
      %dma_wait3A_346 = tpu.memref_slice %arg7[%dma_wait3A_342, %dma_wait3A_344, %dma_wait3A_345] : memref<4x200x64xf32, #tpu.memory_space<vmem>> -> memref<1x100x64xf32, #tpu.memory_space<vmem>>
      %dma_wait3A_347 = tpu.memref_squeeze %dma_wait3A_346 : memref<1x100x64xf32, #tpu.memory_space<vmem>> -> memref<100x64xf32, #tpu.memory_space<vmem>>
      %dma_wait3A_348 = arith.constant 0 : i32
      %dma_wait3A_349 = tpu.memref_slice %arg6[%dma_wait3A_341, %dma_wait3A_348] : memref<64x100xi32, #tpu.memory_space<vmem>> -> memref<1x100xi32, #tpu.memory_space<vmem>>
      %dma_wait3A_350 = tpu.memref_squeeze %dma_wait3A_349 : memref<1x100xi32, #tpu.memory_space<vmem>> -> memref<100xi32, #tpu.memory_space<vmem>>
      %dma_wait3A_351 = arith.constant 0 : i32
      %dma_wait3A_352 = arith.constant 0 : i32
      %dma_wait3A_353 = tpu.memref_slice %arg3[%dma_wait3A_351, %dma_wait3A_352] : memref<1000000x64xf32, #tpu.memory_space<hbm>> -> memref<1000000x64xf32, #tpu.memory_space<hbm>>
      %dma_wait3A_354 = tpu.memref_slice %arg10[%dma_wait3A_343] : memref<4x!tpu.dma_semaphore, #tpu.memory_space<semaphore_mem>> -> memref<1x!tpu.dma_semaphore, #tpu.memory_space<semaphore_mem>>
      %dma_wait3A_355 = tpu.memref_squeeze %dma_wait3A_354 : memref<1x!tpu.dma_semaphore, #tpu.memory_space<semaphore_mem>> -> memref<!tpu.dma_semaphore, #tpu.memory_space<semaphore_mem>>
      tpu.wait_indirect_dma semaphore(%dma_wait3A_355 : memref<!tpu.dma_semaphore, #tpu.memory_space<semaphore_mem>>) src(%dma_wait3A_353 : memref<1000000x64xf32, #tpu.memory_space<hbm>>) dst(%dma_wait3A_347 : memref<100x64xf32, #tpu.memory_space<vmem>>)
      %dma_wait3A_356 = arith.constant 0 : i32
      %dma_wait3A_357 = arith.constant 2 : i32
      %dma_wait3A_358 = arith.constant 2 : i32
      %dma_wait3A_359 = arith.constant 100 : i32
      %dma_wait3A_360 = arith.constant 0 : i32
      %dma_wait3A_361 = tpu.memref_slice %arg7[%dma_wait3A_357, %dma_wait3A_359, %dma_wait3A_360] : memref<4x200x64xf32, #tpu.memory_space<vmem>> -> memref<1x100x64xf32, #tpu.memory_space<vmem>>
      %dma_wait3A_362 = tpu.memref_squeeze %dma_wait3A_361 : memref<1x100x64xf32, #tpu.memory_space<vmem>> -> memref<100x64xf32, #tpu.memory_space<vmem>>
      %dma_wait3A_363 = arith.constant 0 : i32
      %dma_wait3A_364 = tpu.memref_slice %arg6[%dma_wait3A_356, %dma_wait3A_363] : memref<64x100xi32, #tpu.memory_space<vmem>> -> memref<1x100xi32, #tpu.memory_space<vmem>>
      %dma_wait3A_365 = tpu.memref_squeeze %dma_wait3A_364 : memref<1x100xi32, #tpu.memory_space<vmem>> -> memref<100xi32, #tpu.memory_space<vmem>>
      %dma_wait3A_366 = arith.constant 0 : i32
      %dma_wait3A_367 = arith.constant 0 : i32
      %dma_wait3A_368 = tpu.memref_slice %arg3[%dma_wait3A_366, %dma_wait3A_367] : memref<1000000x64xf32, #tpu.memory_space<hbm>> -> memref<1000000x64xf32, #tpu.memory_space<hbm>>
      %dma_wait3A_369 = tpu.memref_slice %arg10[%dma_wait3A_358] : memref<4x!tpu.dma_semaphore, #tpu.memory_space<semaphore_mem>> -> memref<1x!tpu.dma_semaphore, #tpu.memory_space<semaphore_mem>>
      %dma_wait3A_370 = tpu.memref_squeeze %dma_wait3A_369 : memref<1x!tpu.dma_semaphore, #tpu.memory_space<semaphore_mem>> -> memref<!tpu.dma_semaphore, #tpu.memory_space<semaphore_mem>>
      tpu.wait_indirect_dma semaphore(%dma_wait3A_370 : memref<!tpu.dma_semaphore, #tpu.memory_space<semaphore_mem>>) src(%dma_wait3A_368 : memref<1000000x64xf32, #tpu.memory_space<hbm>>) dst(%dma_wait3A_362 : memref<100x64xf32, #tpu.memory_space<vmem>>)
      %ge3A_371 = arith.constant 4 : i32
      %ge3A_372 = arith.cmpi sge, %add3A_340, %ge3A_371 : i32
      %convert_element_type3A_373 = arith.extui %ge3A_372 : i1 to i32
      %cond3A_374 = arith.constant 0 : i32
      %cond3A_375 = arith.cmpi ne, %convert_element_type3A_373, %cond3A_374 : i32
      scf.if %cond3A_375 {
        %dma_wait3A_479 = arith.constant 2 : i32
        %dma_wait3A_480 = arith.constant 2 : i32
        %dma_wait3A_481 = arith.constant 0 : i32
        %dma_wait3A_482 = arith.constant 0 : i32
        %dma_wait3A_483 = tpu.memref_slice %arg8[%dma_wait3A_479, %dma_wait3A_481, %dma_wait3A_482] : memref<4x200x64xf32, #tpu.memory_space<vmem>> -> memref<1x200x64xf32, #tpu.memory_space<vmem>>
        %dma_wait3A_484 = tpu.memref_squeeze %dma_wait3A_483 : memref<1x200x64xf32, #tpu.memory_space<vmem>> -> memref<200x64xf32, #tpu.memory_space<vmem>>
        %dma_wait3A_485 = arith.constant 0 : i32
        %dma_wait3A_486 = arith.constant 0 : i32
        %dma_wait3A_487 = tpu.memref_slice %arg5[%dma_wait3A_485, %dma_wait3A_486] : memref<204800x64xf32, #tpu.memory_space<hbm>> -> memref<200x64xf32, #tpu.memory_space<hbm>>
        %dma_wait3A_488 = tpu.memref_slice %arg11[%dma_wait3A_480] : memref<4x!tpu.dma_semaphore, #tpu.memory_space<semaphore_mem>> -> memref<1x!tpu.dma_semaphore, #tpu.memory_space<semaphore_mem>>
        %dma_wait3A_489 = tpu.memref_squeeze %dma_wait3A_488 : memref<1x!tpu.dma_semaphore, #tpu.memory_space<semaphore_mem>> -> memref<!tpu.dma_semaphore, #tpu.memory_space<semaphore_mem>>
        %dma_wait3A_490 = arith.constant 0 : i32
        %dma_wait3A_491 = arith.constant 0 : i32
        %dma_wait3A_492 = tpu.memref_slice %arg5[%dma_wait3A_490, %dma_wait3A_491] : memref<204800x64xf32, #tpu.memory_space<hbm>> -> memref<200x64xf32, #tpu.memory_space<hbm>>
        %dma_wait3A_493 = arith.constant 0 : i32
        %dma_wait3A_494 = arith.constant 0 : i32
        %dma_wait3A_495 = tpu.memref_slice %arg8[%dma_wait3A_479, %dma_wait3A_493, %dma_wait3A_494] : memref<4x200x64xf32, #tpu.memory_space<vmem>> -> memref<1x200x64xf32, #tpu.memory_space<vmem>>
        %dma_wait3A_496 = tpu.memref_squeeze %dma_wait3A_495 : memref<1x200x64xf32, #tpu.memory_space<vmem>> -> memref<200x64xf32, #tpu.memory_space<vmem>>
        tpu.wait_dma2 semaphore(%dma_wait3A_489 : memref<!tpu.dma_semaphore, #tpu.memory_space<semaphore_mem>>) src(%dma_wait3A_496 : memref<200x64xf32, #tpu.memory_space<vmem>>) dst(%dma_wait3A_492 : memref<200x64xf32, #tpu.memory_space<hbm>>)
      } else {
      }
      %scan3A_376 = arith.constant 0 : i32
      %scan3A_377 = arith.constant 0 : i32
      %scan3A_378 = arith.constant 200 : i32
      %scan3A_379 = arith.addi %scan3A_377, %scan3A_378 : i32
      %scan3A_380 = arith.constant 4 : i32
      scf.for %scan3A_479 = %scan3A_377 to %scan3A_379 step %scan3A_380  : i32 {
        %get3A = arith.constant 2 : i32
        %get3A_480 = arith.index_cast %get3A : i32 to index
        %get3A_481 = arith.index_cast %scan3A_479 : i32 to index
        %get3A_482 = arith.constant 0 : index
        %get3A_483 = tpu.vector_load %arg7[%get3A_480, %get3A_481, %get3A_482] {strides = array<i32>} : memref<4x200x64xf32, #tpu.memory_space<vmem>>, vector<1x1x16xf32>,
        %get3A_484 = vector.shape_cast %get3A_483 : vector<1x1x16xf32> to vector<16xf32>
        %mul3A_485 = arith.constant 8.000000e+00 : f32
        %mul3A_486 = vector.broadcast %mul3A_485 : f32 to vector<16xf32>
        %mul3A_487 = arith.mulf %get3A_484, %mul3A_486 : vector<16xf32>
        %get3A_488 = arith.index_cast %scan3A_479 : i32 to index
        %get3A_489 = arith.constant 0 : index
        %get3A_490 = tpu.vector_load %arg9[%get3A_488, %get3A_489] {strides = array<i32>} : memref<200x64xf32, #tpu.memory_space<vmem>>, vector<1x16xf32>,
        %get3A_491 = vector.shape_cast %get3A_490 : vector<1x16xf32> to vector<16xf32>
        %add3A_492 = arith.addf %mul3A_487, %get3A_491 : vector<16xf32>
        %swap3A = arith.constant 2 : i32
        %swap3A_493 = arith.index_cast %swap3A : i32 to index
        %swap3A_494 = arith.index_cast %scan3A_479 : i32 to index
        %swap3A_495 = arith.constant 0 : index
        %swap3A_496 = tpu.vector_load %arg8[%swap3A_493, %swap3A_494, %swap3A_495] {strides = array<i32>} : memref<4x200x64xf32, #tpu.memory_space<vmem>>, vector<1x1x16xf32>,
        %swap3A_497 = vector.shape_cast %swap3A_496 : vector<1x1x16xf32> to vector<16xf32>
        %swap3A_498 = vector.shape_cast %add3A_492 : vector<16xf32> to vector<1x1x16xf32>
        tpu.vector_store %arg8[%swap3A_493, %swap3A_494, %swap3A_495], %swap3A_498 {strides = array<i32>} : memref<4x200x64xf32, #tpu.memory_space<vmem>>, vector<1x1x16xf32>,
        %get3A_499 = arith.constant 2 : i32
        %get3A_500 = arith.index_cast %get3A_499 : i32 to index
        %get3A_501 = arith.index_cast %scan3A_479 : i32 to index
        %get3A_502 = arith.constant 16 : index
        %get3A_503 = tpu.vector_load %arg7[%get3A_500, %get3A_501, %get3A_502] {strides = array<i32>} : memref<4x200x64xf32, #tpu.memory_space<vmem>>, vector<1x1x16xf32>,
        %get3A_504 = vector.shape_cast %get3A_503 : vector<1x1x16xf32> to vector<16xf32>
        %mul3A_505 = arith.constant 8.000000e+00 : f32
        %mul3A_506 = vector.broadcast %mul3A_505 : f32 to vector<16xf32>
        %mul3A_507 = arith.mulf %get3A_504, %mul3A_506 : vector<16xf32>
        %get3A_508 = arith.index_cast %scan3A_479 : i32 to index
        %get3A_509 = arith.constant 16 : index
        %get3A_510 = tpu.vector_load %arg9[%get3A_508, %get3A_509] {strides = array<i32>} : memref<200x64xf32, #tpu.memory_space<vmem>>, vector<1x16xf32>,
        %get3A_511 = vector.shape_cast %get3A_510 : vector<1x16xf32> to vector<16xf32>
        %add3A_512 = arith.addf %mul3A_507, %get3A_511 : vector<16xf32>
        %swap3A_513 = arith.constant 2 : i32
        %swap3A_514 = arith.index_cast %swap3A_513 : i32 to index
        %swap3A_515 = arith.index_cast %scan3A_479 : i32 to index
        %swap3A_516 = arith.constant 16 : index
        %swap3A_517 = tpu.vector_load %arg8[%swap3A_514, %swap3A_515, %swap3A_516] {strides = array<i32>} : memref<4x200x64xf32, #tpu.memory_space<vmem>>, vector<1x1x16xf32>,
        %swap3A_518 = vector.shape_cast %swap3A_517 : vector<1x1x16xf32> to vector<16xf32>
        %swap3A_519 = vector.shape_cast %add3A_512 : vector<16xf32> to vector<1x1x16xf32>
        tpu.vector_store %arg8[%swap3A_514, %swap3A_515, %swap3A_516], %swap3A_519 {strides = array<i32>} : memref<4x200x64xf32, #tpu.memory_space<vmem>>, vector<1x1x16xf32>,
        %get3A_520 = arith.constant 2 : i32
        %get3A_521 = arith.index_cast %get3A_520 : i32 to index
        %get3A_522 = arith.index_cast %scan3A_479 : i32 to index
        %get3A_523 = arith.constant 32 : index
        %get3A_524 = tpu.vector_load %arg7[%get3A_521, %get3A_522, %get3A_523] {strides = array<i32>} : memref<4x200x64xf32, #tpu.memory_space<vmem>>, vector<1x1x16xf32>,
        %get3A_525 = vector.shape_cast %get3A_524 : vector<1x1x16xf32> to vector<16xf32>
        %mul3A_526 = arith.constant 8.000000e+00 : f32
        %mul3A_527 = vector.broadcast %mul3A_526 : f32 to vector<16xf32>
        %mul3A_528 = arith.mulf %get3A_525, %mul3A_527 : vector<16xf32>
        %get3A_529 = arith.index_cast %scan3A_479 : i32 to index
        %get3A_530 = arith.constant 32 : index
        %get3A_531 = tpu.vector_load %arg9[%get3A_529, %get3A_530] {strides = array<i32>} : memref<200x64xf32, #tpu.memory_space<vmem>>, vector<1x16xf32>,
        %get3A_532 = vector.shape_cast %get3A_531 : vector<1x16xf32> to vector<16xf32>
        %add3A_533 = arith.addf %mul3A_528, %get3A_532 : vector<16xf32>
        %swap3A_534 = arith.constant 2 : i32
        %swap3A_535 = arith.index_cast %swap3A_534 : i32 to index
        %swap3A_536 = arith.index_cast %scan3A_479 : i32 to index
        %swap3A_537 = arith.constant 32 : index
        %swap3A_538 = tpu.vector_load %arg8[%swap3A_535, %swap3A_536, %swap3A_537] {strides = array<i32>} : memref<4x200x64xf32, #tpu.memory_space<vmem>>, vector<1x1x16xf32>,
        %swap3A_539 = vector.shape_cast %swap3A_538 : vector<1x1x16xf32> to vector<16xf32>
        %swap3A_540 = vector.shape_cast %add3A_533 : vector<16xf32> to vector<1x1x16xf32>
        tpu.vector_store %arg8[%swap3A_535, %swap3A_536, %swap3A_537], %swap3A_540 {strides = array<i32>} : memref<4x200x64xf32, #tpu.memory_space<vmem>>, vector<1x1x16xf32>,
        %get3A_541 = arith.constant 2 : i32
        %get3A_542 = arith.index_cast %get3A_541 : i32 to index
        %get3A_543 = arith.index_cast %scan3A_479 : i32 to index
        %get3A_544 = arith.constant 48 : index
        %get3A_545 = tpu.vector_load %arg7[%get3A_542, %get3A_543, %get3A_544] {strides = array<i32>} : memref<4x200x64xf32, #tpu.memory_space<vmem>>, vector<1x1x16xf32>,
        %get3A_546 = vector.shape_cast %get3A_545 : vector<1x1x16xf32> to vector<16xf32>
        %mul3A_547 = arith.constant 8.000000e+00 : f32
        %mul3A_548 = vector.broadcast %mul3A_547 : f32 to vector<16xf32>
        %mul3A_549 = arith.mulf %get3A_546, %mul3A_548 : vector<16xf32>
        %get3A_550 = arith.index_cast %scan3A_479 : i32 to index
        %get3A_551 = arith.constant 48 : index
        %get3A_552 = tpu.vector_load %arg9[%get3A_550, %get3A_551] {strides = array<i32>} : memref<200x64xf32, #tpu.memory_space<vmem>>, vector<1x16xf32>,
        %get3A_553 = vector.shape_cast %get3A_552 : vector<1x16xf32> to vector<16xf32>
        %add3A_554 = arith.addf %mul3A_549, %get3A_553 : vector<16xf32>
        %swap3A_555 = arith.constant 2 : i32
        %swap3A_556 = arith.index_cast %swap3A_555 : i32 to index
        %swap3A_557 = arith.index_cast %scan3A_479 : i32 to index
        %swap3A_558 = arith.constant 48 : index
        %swap3A_559 = tpu.vector_load %arg8[%swap3A_556, %swap3A_557, %swap3A_558] {strides = array<i32>} : memref<4x200x64xf32, #tpu.memory_space<vmem>>, vector<1x1x16xf32>,
        %swap3A_560 = vector.shape_cast %swap3A_559 : vector<1x1x16xf32> to vector<16xf32>
        %swap3A_561 = vector.shape_cast %add3A_554 : vector<16xf32> to vector<1x1x16xf32>
        tpu.vector_store %arg8[%swap3A_556, %swap3A_557, %swap3A_558], %swap3A_561 {strides = array<i32>} : memref<4x200x64xf32, #tpu.memory_space<vmem>>, vector<1x1x16xf32>,
        %scan3A_562 = arith.constant 1 : i32
        %scan3A_563 = arith.addi %scan3A_479, %scan3A_562 : i32
        %get3A_564 = arith.constant 2 : i32
        %get3A_565 = arith.index_cast %get3A_564 : i32 to index
        %get3A_566 = arith.index_cast %scan3A_563 : i32 to index
        %get3A_567 = arith.constant 0 : index
        %get3A_568 = tpu.vector_load %arg7[%get3A_565, %get3A_566, %get3A_567] {strides = array<i32>} : memref<4x200x64xf32, #tpu.memory_space<vmem>>, vector<1x1x16xf32>,
        %get3A_569 = vector.shape_cast %get3A_568 : vector<1x1x16xf32> to vector<16xf32>
        %mul3A_570 = arith.constant 8.000000e+00 : f32
        %mul3A_571 = vector.broadcast %mul3A_570 : f32 to vector<16xf32>
        %mul3A_572 = arith.mulf %get3A_569, %mul3A_571 : vector<16xf32>
        %get3A_573 = arith.index_cast %scan3A_563 : i32 to index
        %get3A_574 = arith.constant 0 : index
        %get3A_575 = tpu.vector_load %arg9[%get3A_573, %get3A_574] {strides = array<i32>} : memref<200x64xf32, #tpu.memory_space<vmem>>, vector<1x16xf32>,
        %get3A_576 = vector.shape_cast %get3A_575 : vector<1x16xf32> to vector<16xf32>
        %add3A_577 = arith.addf %mul3A_572, %get3A_576 : vector<16xf32>
        %swap3A_578 = arith.constant 2 : i32
        %swap3A_579 = arith.index_cast %swap3A_578 : i32 to index
        %swap3A_580 = arith.index_cast %scan3A_563 : i32 to index
        %swap3A_581 = arith.constant 0 : index
        %swap3A_582 = tpu.vector_load %arg8[%swap3A_579, %swap3A_580, %swap3A_581] {strides = array<i32>} : memref<4x200x64xf32, #tpu.memory_space<vmem>>, vector<1x1x16xf32>,
        %swap3A_583 = vector.shape_cast %swap3A_582 : vector<1x1x16xf32> to vector<16xf32>
        %swap3A_584 = vector.shape_cast %add3A_577 : vector<16xf32> to vector<1x1x16xf32>
        tpu.vector_store %arg8[%swap3A_579, %swap3A_580, %swap3A_581], %swap3A_584 {strides = array<i32>} : memref<4x200x64xf32, #tpu.memory_space<vmem>>, vector<1x1x16xf32>,
        %get3A_585 = arith.constant 2 : i32
        %get3A_586 = arith.index_cast %get3A_585 : i32 to index
        %get3A_587 = arith.index_cast %scan3A_563 : i32 to index
        %get3A_588 = arith.constant 16 : index
        %get3A_589 = tpu.vector_load %arg7[%get3A_586, %get3A_587, %get3A_588] {strides = array<i32>} : memref<4x200x64xf32, #tpu.memory_space<vmem>>, vector<1x1x16xf32>,
        %get3A_590 = vector.shape_cast %get3A_589 : vector<1x1x16xf32> to vector<16xf32>
        %mul3A_591 = arith.constant 8.000000e+00 : f32
        %mul3A_592 = vector.broadcast %mul3A_591 : f32 to vector<16xf32>
        %mul3A_593 = arith.mulf %get3A_590, %mul3A_592 : vector<16xf32>
        %get3A_594 = arith.index_cast %scan3A_563 : i32 to index
        %get3A_595 = arith.constant 16 : index
        %get3A_596 = tpu.vector_load %arg9[%get3A_594, %get3A_595] {strides = array<i32>} : memref<200x64xf32, #tpu.memory_space<vmem>>, vector<1x16xf32>,
        %get3A_597 = vector.shape_cast %get3A_596 : vector<1x16xf32> to vector<16xf32>
        %add3A_598 = arith.addf %mul3A_593, %get3A_597 : vector<16xf32>
        %swap3A_599 = arith.constant 2 : i32
        %swap3A_600 = arith.index_cast %swap3A_599 : i32 to index
        %swap3A_601 = arith.index_cast %scan3A_563 : i32 to index
        %swap3A_602 = arith.constant 16 : index
        %swap3A_603 = tpu.vector_load %arg8[%swap3A_600, %swap3A_601, %swap3A_602] {strides = array<i32>} : memref<4x200x64xf32, #tpu.memory_space<vmem>>, vector<1x1x16xf32>,
        %swap3A_604 = vector.shape_cast %swap3A_603 : vector<1x1x16xf32> to vector<16xf32>
        %swap3A_605 = vector.shape_cast %add3A_598 : vector<16xf32> to vector<1x1x16xf32>
        tpu.vector_store %arg8[%swap3A_600, %swap3A_601, %swap3A_602], %swap3A_605 {strides = array<i32>} : memref<4x200x64xf32, #tpu.memory_space<vmem>>, vector<1x1x16xf32>,
        %get3A_606 = arith.constant 2 : i32
        %get3A_607 = arith.index_cast %get3A_606 : i32 to index
        %get3A_608 = arith.index_cast %scan3A_563 : i32 to index
        %get3A_609 = arith.constant 32 : index
        %get3A_610 = tpu.vector_load %arg7[%get3A_607, %get3A_608, %get3A_609] {strides = array<i32>} : memref<4x200x64xf32, #tpu.memory_space<vmem>>, vector<1x1x16xf32>,
        %get3A_611 = vector.shape_cast %get3A_610 : vector<1x1x16xf32> to vector<16xf32>
        %mul3A_612 = arith.constant 8.000000e+00 : f32
        %mul3A_613 = vector.broadcast %mul3A_612 : f32 to vector<16xf32>
        %mul3A_614 = arith.mulf %get3A_611, %mul3A_613 : vector<16xf32>
        %get3A_615 = arith.index_cast %scan3A_563 : i32 to index
        %get3A_616 = arith.constant 32 : index
        %get3A_617 = tpu.vector_load %arg9[%get3A_615, %get3A_616] {strides = array<i32>} : memref<200x64xf32, #tpu.memory_space<vmem>>, vector<1x16xf32>,
        %get3A_618 = vector.shape_cast %get3A_617 : vector<1x16xf32> to vector<16xf32>
        %add3A_619 = arith.addf %mul3A_614, %get3A_618 : vector<16xf32>
        %swap3A_620 = arith.constant 2 : i32
        %swap3A_621 = arith.index_cast %swap3A_620 : i32 to index
        %swap3A_622 = arith.index_cast %scan3A_563 : i32 to index
        %swap3A_623 = arith.constant 32 : index
        %swap3A_624 = tpu.vector_load %arg8[%swap3A_621, %swap3A_622, %swap3A_623] {strides = array<i32>} : memref<4x200x64xf32, #tpu.memory_space<vmem>>, vector<1x1x16xf32>,
        %swap3A_625 = vector.shape_cast %swap3A_624 : vector<1x1x16xf32> to vector<16xf32>
        %swap3A_626 = vector.shape_cast %add3A_619 : vector<16xf32> to vector<1x1x16xf32>
        tpu.vector_store %arg8[%swap3A_621, %swap3A_622, %swap3A_623], %swap3A_626 {strides = array<i32>} : memref<4x200x64xf32, #tpu.memory_space<vmem>>, vector<1x1x16xf32>,
        %get3A_627 = arith.constant 2 : i32
        %get3A_628 = arith.index_cast %get3A_627 : i32 to index
        %get3A_629 = arith.index_cast %scan3A_563 : i32 to index
        %get3A_630 = arith.constant 48 : index
        %get3A_631 = tpu.vector_load %arg7[%get3A_628, %get3A_629, %get3A_630] {strides = array<i32>} : memref<4x200x64xf32, #tpu.memory_space<vmem>>, vector<1x1x16xf32>,
        %get3A_632 = vector.shape_cast %get3A_631 : vector<1x1x16xf32> to vector<16xf32>
        %mul3A_633 = arith.constant 8.000000e+00 : f32
        %mul3A_634 = vector.broadcast %mul3A_633 : f32 to vector<16xf32>
        %mul3A_635 = arith.mulf %get3A_632, %mul3A_634 : vector<16xf32>
        %get3A_636 = arith.index_cast %scan3A_563 : i32 to index
        %get3A_637 = arith.constant 48 : index
        %get3A_638 = tpu.vector_load %arg9[%get3A_636, %get3A_637] {strides = array<i32>} : memref<200x64xf32, #tpu.memory_space<vmem>>, vector<1x16xf32>,
        %get3A_639 = vector.shape_cast %get3A_638 : vector<1x16xf32> to vector<16xf32>
        %add3A_640 = arith.addf %mul3A_635, %get3A_639 : vector<16xf32>
        %swap3A_641 = arith.constant 2 : i32
        %swap3A_642 = arith.index_cast %swap3A_641 : i32 to index
        %swap3A_643 = arith.index_cast %scan3A_563 : i32 to index
        %swap3A_644 = arith.constant 48 : index
        %swap3A_645 = tpu.vector_load %arg8[%swap3A_642, %swap3A_643, %swap3A_644] {strides = array<i32>} : memref<4x200x64xf32, #tpu.memory_space<vmem>>, vector<1x1x16xf32>,
        %swap3A_646 = vector.shape_cast %swap3A_645 : vector<1x1x16xf32> to vector<16xf32>
        %swap3A_647 = vector.shape_cast %add3A_640 : vector<16xf32> to vector<1x1x16xf32>
        tpu.vector_store %arg8[%swap3A_642, %swap3A_643, %swap3A_644], %swap3A_647 {strides = array<i32>} : memref<4x200x64xf32, #tpu.memory_space<vmem>>, vector<1x1x16xf32>,
        %scan3A_648 = arith.constant 2 : i32
        %scan3A_649 = arith.addi %scan3A_479, %scan3A_648 : i32
        %get3A_650 = arith.constant 2 : i32
        %get3A_651 = arith.index_cast %get3A_650 : i32 to index
        %get3A_652 = arith.index_cast %scan3A_649 : i32 to index
        %get3A_653 = arith.constant 0 : index
        %get3A_654 = tpu.vector_load %arg7[%get3A_651, %get3A_652, %get3A_653] {strides = array<i32>} : memref<4x200x64xf32, #tpu.memory_space<vmem>>, vector<1x1x16xf32>,
        %get3A_655 = vector.shape_cast %get3A_654 : vector<1x1x16xf32> to vector<16xf32>
        %mul3A_656 = arith.constant 8.000000e+00 : f32
        %mul3A_657 = vector.broadcast %mul3A_656 : f32 to vector<16xf32>
        %mul3A_658 = arith.mulf %get3A_655, %mul3A_657 : vector<16xf32>
        %get3A_659 = arith.index_cast %scan3A_649 : i32 to index
        %get3A_660 = arith.constant 0 : index
        %get3A_661 = tpu.vector_load %arg9[%get3A_659, %get3A_660] {strides = array<i32>} : memref<200x64xf32, #tpu.memory_space<vmem>>, vector<1x16xf32>,
        %get3A_662 = vector.shape_cast %get3A_661 : vector<1x16xf32> to vector<16xf32>
        %add3A_663 = arith.addf %mul3A_658, %get3A_662 : vector<16xf32>
        %swap3A_664 = arith.constant 2 : i32
        %swap3A_665 = arith.index_cast %swap3A_664 : i32 to index
        %swap3A_666 = arith.index_cast %scan3A_649 : i32 to index
        %swap3A_667 = arith.constant 0 : index
        %swap3A_668 = tpu.vector_load %arg8[%swap3A_665, %swap3A_666, %swap3A_667] {strides = array<i32>} : memref<4x200x64xf32, #tpu.memory_space<vmem>>, vector<1x1x16xf32>,
        %swap3A_669 = vector.shape_cast %swap3A_668 : vector<1x1x16xf32> to vector<16xf32>
        %swap3A_670 = vector.shape_cast %add3A_663 : vector<16xf32> to vector<1x1x16xf32>
        tpu.vector_store %arg8[%swap3A_665, %swap3A_666, %swap3A_667], %swap3A_670 {strides = array<i32>} : memref<4x200x64xf32, #tpu.memory_space<vmem>>, vector<1x1x16xf32>,
        %get3A_671 = arith.constant 2 : i32
        %get3A_672 = arith.index_cast %get3A_671 : i32 to index
        %get3A_673 = arith.index_cast %scan3A_649 : i32 to index
        %get3A_674 = arith.constant 16 : index
        %get3A_675 = tpu.vector_load %arg7[%get3A_672, %get3A_673, %get3A_674] {strides = array<i32>} : memref<4x200x64xf32, #tpu.memory_space<vmem>>, vector<1x1x16xf32>,
        %get3A_676 = vector.shape_cast %get3A_675 : vector<1x1x16xf32> to vector<16xf32>
        %mul3A_677 = arith.constant 8.000000e+00 : f32
        %mul3A_678 = vector.broadcast %mul3A_677 : f32 to vector<16xf32>
        %mul3A_679 = arith.mulf %get3A_676, %mul3A_678 : vector<16xf32>
        %get3A_680 = arith.index_cast %scan3A_649 : i32 to index
        %get3A_681 = arith.constant 16 : index
        %get3A_682 = tpu.vector_load %arg9[%get3A_680, %get3A_681] {strides = array<i32>} : memref<200x64xf32, #tpu.memory_space<vmem>>, vector<1x16xf32>,
        %get3A_683 = vector.shape_cast %get3A_682 : vector<1x16xf32> to vector<16xf32>
        %add3A_684 = arith.addf %mul3A_679, %get3A_683 : vector<16xf32>
        %swap3A_685 = arith.constant 2 : i32
        %swap3A_686 = arith.index_cast %swap3A_685 : i32 to index
        %swap3A_687 = arith.index_cast %scan3A_649 : i32 to index
        %swap3A_688 = arith.constant 16 : index
        %swap3A_689 = tpu.vector_load %arg8[%swap3A_686, %swap3A_687, %swap3A_688] {strides = array<i32>} : memref<4x200x64xf32, #tpu.memory_space<vmem>>, vector<1x1x16xf32>,
        %swap3A_690 = vector.shape_cast %swap3A_689 : vector<1x1x16xf32> to vector<16xf32>
        %swap3A_691 = vector.shape_cast %add3A_684 : vector<16xf32> to vector<1x1x16xf32>
        tpu.vector_store %arg8[%swap3A_686, %swap3A_687, %swap3A_688], %swap3A_691 {strides = array<i32>} : memref<4x200x64xf32, #tpu.memory_space<vmem>>, vector<1x1x16xf32>,
        %get3A_692 = arith.constant 2 : i32
        %get3A_693 = arith.index_cast %get3A_692 : i32 to index
        %get3A_694 = arith.index_cast %scan3A_649 : i32 to index
        %get3A_695 = arith.constant 32 : index
        %get3A_696 = tpu.vector_load %arg7[%get3A_693, %get3A_694, %get3A_695] {strides = array<i32>} : memref<4x200x64xf32, #tpu.memory_space<vmem>>, vector<1x1x16xf32>,
        %get3A_697 = vector.shape_cast %get3A_696 : vector<1x1x16xf32> to vector<16xf32>
        %mul3A_698 = arith.constant 8.000000e+00 : f32
        %mul3A_699 = vector.broadcast %mul3A_698 : f32 to vector<16xf32>
        %mul3A_700 = arith.mulf %get3A_697, %mul3A_699 : vector<16xf32>
        %get3A_701 = arith.index_cast %scan3A_649 : i32 to index
        %get3A_702 = arith.constant 32 : index
        %get3A_703 = tpu.vector_load %arg9[%get3A_701, %get3A_702] {strides = array<i32>} : memref<200x64xf32, #tpu.memory_space<vmem>>, vector<1x16xf32>,
        %get3A_704 = vector.shape_cast %get3A_703 : vector<1x16xf32> to vector<16xf32>
        %add3A_705 = arith.addf %mul3A_700, %get3A_704 : vector<16xf32>
        %swap3A_706 = arith.constant 2 : i32
        %swap3A_707 = arith.index_cast %swap3A_706 : i32 to index
        %swap3A_708 = arith.index_cast %scan3A_649 : i32 to index
        %swap3A_709 = arith.constant 32 : index
        %swap3A_710 = tpu.vector_load %arg8[%swap3A_707, %swap3A_708, %swap3A_709] {strides = array<i32>} : memref<4x200x64xf32, #tpu.memory_space<vmem>>, vector<1x1x16xf32>,
        %swap3A_711 = vector.shape_cast %swap3A_710 : vector<1x1x16xf32> to vector<16xf32>
        %swap3A_712 = vector.shape_cast %add3A_705 : vector<16xf32> to vector<1x1x16xf32>
        tpu.vector_store %arg8[%swap3A_707, %swap3A_708, %swap3A_709], %swap3A_712 {strides = array<i32>} : memref<4x200x64xf32, #tpu.memory_space<vmem>>, vector<1x1x16xf32>,
        %get3A_713 = arith.constant 2 : i32
        %get3A_714 = arith.index_cast %get3A_713 : i32 to index
        %get3A_715 = arith.index_cast %scan3A_649 : i32 to index
        %get3A_716 = arith.constant 48 : index
        %get3A_717 = tpu.vector_load %arg7[%get3A_714, %get3A_715, %get3A_716] {strides = array<i32>} : memref<4x200x64xf32, #tpu.memory_space<vmem>>, vector<1x1x16xf32>,
        %get3A_718 = vector.shape_cast %get3A_717 : vector<1x1x16xf32> to vector<16xf32>
        %mul3A_719 = arith.constant 8.000000e+00 : f32
        %mul3A_720 = vector.broadcast %mul3A_719 : f32 to vector<16xf32>
        %mul3A_721 = arith.mulf %get3A_718, %mul3A_720 : vector<16xf32>
        %get3A_722 = arith.index_cast %scan3A_649 : i32 to index
        %get3A_723 = arith.constant 48 : index
        %get3A_724 = tpu.vector_load %arg9[%get3A_722, %get3A_723] {strides = array<i32>} : memref<200x64xf32, #tpu.memory_space<vmem>>, vector<1x16xf32>,
        %get3A_725 = vector.shape_cast %get3A_724 : vector<1x16xf32> to vector<16xf32>
        %add3A_726 = arith.addf %mul3A_721, %get3A_725 : vector<16xf32>
        %swap3A_727 = arith.constant 2 : i32
        %swap3A_728 = arith.index_cast %swap3A_727 : i32 to index
        %swap3A_729 = arith.index_cast %scan3A_649 : i32 to index
        %swap3A_730 = arith.constant 48 : index
        %swap3A_731 = tpu.vector_load %arg8[%swap3A_728, %swap3A_729, %swap3A_730] {strides = array<i32>} : memref<4x200x64xf32, #tpu.memory_space<vmem>>, vector<1x1x16xf32>,
        %swap3A_732 = vector.shape_cast %swap3A_731 : vector<1x1x16xf32> to vector<16xf32>
        %swap3A_733 = vector.shape_cast %add3A_726 : vector<16xf32> to vector<1x1x16xf32>
        tpu.vector_store %arg8[%swap3A_728, %swap3A_729, %swap3A_730], %swap3A_733 {strides = array<i32>} : memref<4x200x64xf32, #tpu.memory_space<vmem>>, vector<1x1x16xf32>,
        %scan3A_734 = arith.constant 3 : i32
        %scan3A_735 = arith.addi %scan3A_479, %scan3A_734 : i32
        %get3A_736 = arith.constant 2 : i32
        %get3A_737 = arith.index_cast %get3A_736 : i32 to index
        %get3A_738 = arith.index_cast %scan3A_735 : i32 to index
        %get3A_739 = arith.constant 0 : index
        %get3A_740 = tpu.vector_load %arg7[%get3A_737, %get3A_738, %get3A_739] {strides = array<i32>} : memref<4x200x64xf32, #tpu.memory_space<vmem>>, vector<1x1x16xf32>,
        %get3A_741 = vector.shape_cast %get3A_740 : vector<1x1x16xf32> to vector<16xf32>
        %mul3A_742 = arith.constant 8.000000e+00 : f32
        %mul3A_743 = vector.broadcast %mul3A_742 : f32 to vector<16xf32>
        %mul3A_744 = arith.mulf %get3A_741, %mul3A_743 : vector<16xf32>
        %get3A_745 = arith.index_cast %scan3A_735 : i32 to index
        %get3A_746 = arith.constant 0 : index
        %get3A_747 = tpu.vector_load %arg9[%get3A_745, %get3A_746] {strides = array<i32>} : memref<200x64xf32, #tpu.memory_space<vmem>>, vector<1x16xf32>,
        %get3A_748 = vector.shape_cast %get3A_747 : vector<1x16xf32> to vector<16xf32>
        %add3A_749 = arith.addf %mul3A_744, %get3A_748 : vector<16xf32>
        %swap3A_750 = arith.constant 2 : i32
        %swap3A_751 = arith.index_cast %swap3A_750 : i32 to index
        %swap3A_752 = arith.index_cast %scan3A_735 : i32 to index
        %swap3A_753 = arith.constant 0 : index
        %swap3A_754 = tpu.vector_load %arg8[%swap3A_751, %swap3A_752, %swap3A_753] {strides = array<i32>} : memref<4x200x64xf32, #tpu.memory_space<vmem>>, vector<1x1x16xf32>,
        %swap3A_755 = vector.shape_cast %swap3A_754 : vector<1x1x16xf32> to vector<16xf32>
        %swap3A_756 = vector.shape_cast %add3A_749 : vector<16xf32> to vector<1x1x16xf32>
        tpu.vector_store %arg8[%swap3A_751, %swap3A_752, %swap3A_753], %swap3A_756 {strides = array<i32>} : memref<4x200x64xf32, #tpu.memory_space<vmem>>, vector<1x1x16xf32>,
        %get3A_757 = arith.constant 2 : i32
        %get3A_758 = arith.index_cast %get3A_757 : i32 to index
        %get3A_759 = arith.index_cast %scan3A_735 : i32 to index
        %get3A_760 = arith.constant 16 : index
        %get3A_761 = tpu.vector_load %arg7[%get3A_758, %get3A_759, %get3A_760] {strides = array<i32>} : memref<4x200x64xf32, #tpu.memory_space<vmem>>, vector<1x1x16xf32>,
        %get3A_762 = vector.shape_cast %get3A_761 : vector<1x1x16xf32> to vector<16xf32>
        %mul3A_763 = arith.constant 8.000000e+00 : f32
        %mul3A_764 = vector.broadcast %mul3A_763 : f32 to vector<16xf32>
        %mul3A_765 = arith.mulf %get3A_762, %mul3A_764 : vector<16xf32>
        %get3A_766 = arith.index_cast %scan3A_735 : i32 to index
        %get3A_767 = arith.constant 16 : index
        %get3A_768 = tpu.vector_load %arg9[%get3A_766, %get3A_767] {strides = array<i32>} : memref<200x64xf32, #tpu.memory_space<vmem>>, vector<1x16xf32>,
        %get3A_769 = vector.shape_cast %get3A_768 : vector<1x16xf32> to vector<16xf32>
        %add3A_770 = arith.addf %mul3A_765, %get3A_769 : vector<16xf32>
        %swap3A_771 = arith.constant 2 : i32
        %swap3A_772 = arith.index_cast %swap3A_771 : i32 to index
        %swap3A_773 = arith.index_cast %scan3A_735 : i32 to index
        %swap3A_774 = arith.constant 16 : index
        %swap3A_775 = tpu.vector_load %arg8[%swap3A_772, %swap3A_773, %swap3A_774] {strides = array<i32>} : memref<4x200x64xf32, #tpu.memory_space<vmem>>, vector<1x1x16xf32>,
        %swap3A_776 = vector.shape_cast %swap3A_775 : vector<1x1x16xf32> to vector<16xf32>
        %swap3A_777 = vector.shape_cast %add3A_770 : vector<16xf32> to vector<1x1x16xf32>
        tpu.vector_store %arg8[%swap3A_772, %swap3A_773, %swap3A_774], %swap3A_777 {strides = array<i32>} : memref<4x200x64xf32, #tpu.memory_space<vmem>>, vector<1x1x16xf32>,
        %get3A_778 = arith.constant 2 : i32
        %get3A_779 = arith.index_cast %get3A_778 : i32 to index
        %get3A_780 = arith.index_cast %scan3A_735 : i32 to index
        %get3A_781 = arith.constant 32 : index
        %get3A_782 = tpu.vector_load %arg7[%get3A_779, %get3A_780, %get3A_781] {strides = array<i32>} : memref<4x200x64xf32, #tpu.memory_space<vmem>>, vector<1x1x16xf32>,
        %get3A_783 = vector.shape_cast %get3A_782 : vector<1x1x16xf32> to vector<16xf32>
        %mul3A_784 = arith.constant 8.000000e+00 : f32
        %mul3A_785 = vector.broadcast %mul3A_784 : f32 to vector<16xf32>
        %mul3A_786 = arith.mulf %get3A_783, %mul3A_785 : vector<16xf32>
        %get3A_787 = arith.index_cast %scan3A_735 : i32 to index
        %get3A_788 = arith.constant 32 : index
        %get3A_789 = tpu.vector_load %arg9[%get3A_787, %get3A_788] {strides = array<i32>} : memref<200x64xf32, #tpu.memory_space<vmem>>, vector<1x16xf32>,
        %get3A_790 = vector.shape_cast %get3A_789 : vector<1x16xf32> to vector<16xf32>
        %add3A_791 = arith.addf %mul3A_786, %get3A_790 : vector<16xf32>
        %swap3A_792 = arith.constant 2 : i32
        %swap3A_793 = arith.index_cast %swap3A_792 : i32 to index
        %swap3A_794 = arith.index_cast %scan3A_735 : i32 to index
        %swap3A_795 = arith.constant 32 : index
        %swap3A_796 = tpu.vector_load %arg8[%swap3A_793, %swap3A_794, %swap3A_795] {strides = array<i32>} : memref<4x200x64xf32, #tpu.memory_space<vmem>>, vector<1x1x16xf32>,
        %swap3A_797 = vector.shape_cast %swap3A_796 : vector<1x1x16xf32> to vector<16xf32>
        %swap3A_798 = vector.shape_cast %add3A_791 : vector<16xf32> to vector<1x1x16xf32>
        tpu.vector_store %arg8[%swap3A_793, %swap3A_794, %swap3A_795], %swap3A_798 {strides = array<i32>} : memref<4x200x64xf32, #tpu.memory_space<vmem>>, vector<1x1x16xf32>,
        %get3A_799 = arith.constant 2 : i32
        %get3A_800 = arith.index_cast %get3A_799 : i32 to index
        %get3A_801 = arith.index_cast %scan3A_735 : i32 to index
        %get3A_802 = arith.constant 48 : index
        %get3A_803 = tpu.vector_load %arg7[%get3A_800, %get3A_801, %get3A_802] {strides = array<i32>} : memref<4x200x64xf32, #tpu.memory_space<vmem>>, vector<1x1x16xf32>,
        %get3A_804 = vector.shape_cast %get3A_803 : vector<1x1x16xf32> to vector<16xf32>
        %mul3A_805 = arith.constant 8.000000e+00 : f32
        %mul3A_806 = vector.broadcast %mul3A_805 : f32 to vector<16xf32>
        %mul3A_807 = arith.mulf %get3A_804, %mul3A_806 : vector<16xf32>
        %get3A_808 = arith.index_cast %scan3A_735 : i32 to index
        %get3A_809 = arith.constant 48 : index
        %get3A_810 = tpu.vector_load %arg9[%get3A_808, %get3A_809] {strides = array<i32>} : memref<200x64xf32, #tpu.memory_space<vmem>>, vector<1x16xf32>,
        %get3A_811 = vector.shape_cast %get3A_810 : vector<1x16xf32> to vector<16xf32>
        %add3A_812 = arith.addf %mul3A_807, %get3A_811 : vector<16xf32>
        %swap3A_813 = arith.constant 2 : i32
        %swap3A_814 = arith.index_cast %swap3A_813 : i32 to index
        %swap3A_815 = arith.index_cast %scan3A_735 : i32 to index
        %swap3A_816 = arith.constant 48 : index
        %swap3A_817 = tpu.vector_load %arg8[%swap3A_814, %swap3A_815, %swap3A_816] {strides = array<i32>} : memref<4x200x64xf32, #tpu.memory_space<vmem>>, vector<1x1x16xf32>,
        %swap3A_818 = vector.shape_cast %swap3A_817 : vector<1x1x16xf32> to vector<16xf32>
        %swap3A_819 = vector.shape_cast %add3A_812 : vector<16xf32> to vector<1x1x16xf32>
        tpu.vector_store %arg8[%swap3A_814, %swap3A_815, %swap3A_816], %swap3A_819 {strides = array<i32>} : memref<4x200x64xf32, #tpu.memory_space<vmem>>, vector<1x1x16xf32>,
      }
      %scan3A_381 = arith.constant 200 : i32
      %add3A_382 = arith.constant 4 : i32
      %add3A_383 = arith.addi %add3A_340, %add3A_382 : i32
      %lt3A_384 = arith.constant 32 : i32
      %lt3A_385 = arith.cmpi slt, %add3A_383, %lt3A_384 : i32
      %convert_element_type3A_386 = arith.extui %lt3A_385 : i1 to i32
      %cond3A_387 = arith.constant 0 : i32
      %cond3A_388 = arith.cmpi ne, %convert_element_type3A_386, %cond3A_387 : i32
      scf.if %cond3A_388 {
        %add3A_479 = arith.constant 4 : i32
        %add3A_480 = arith.addi %add3A_340, %add3A_479 : i32
        %mul3A_481 = arith.constant 2 : i32
        %mul3A_482 = arith.muli %mul3A_481, %add3A_480 : i32
        %dma_start3A_483 = arith.constant 2 : i32
        %dma_start3A_484 = arith.constant 2 : i32
        %dma_start3A_485 = arith.constant 0 : i32
        %dma_start3A_486 = arith.constant 0 : i32
        %dma_start3A_487 = tpu.memref_slice %arg7[%dma_start3A_483, %dma_start3A_485, %dma_start3A_486] : memref<4x200x64xf32, #tpu.memory_space<vmem>> -> memref<1x100x64xf32, #tpu.memory_space<vmem>>
        %dma_start3A_488 = tpu.memref_squeeze %dma_start3A_487 : memref<1x100x64xf32, #tpu.memory_space<vmem>> -> memref<100x64xf32, #tpu.memory_space<vmem>>
        %dma_start3A_489 = arith.constant 0 : i32
        %dma_start3A_490 = tpu.memref_slice %arg6[%mul3A_482, %dma_start3A_489] : memref<64x100xi32, #tpu.memory_space<vmem>> -> memref<1x100xi32, #tpu.memory_space<vmem>>
        %dma_start3A_491 = tpu.memref_squeeze %dma_start3A_490 : memref<1x100xi32, #tpu.memory_space<vmem>> -> memref<100xi32, #tpu.memory_space<vmem>>
        %dma_start3A_492 = arith.constant 0 : i32
        %dma_start3A_493 = arith.constant 0 : i32
        %dma_start3A_494 = tpu.memref_slice %arg3[%dma_start3A_492, %dma_start3A_493] : memref<1000000x64xf32, #tpu.memory_space<hbm>> -> memref<1000000x64xf32, #tpu.memory_space<hbm>>
        %dma_start3A_495 = tpu.memref_slice %arg10[%dma_start3A_484] : memref<4x!tpu.dma_semaphore, #tpu.memory_space<semaphore_mem>> -> memref<1x!tpu.dma_semaphore, #tpu.memory_space<semaphore_mem>>
        %dma_start3A_496 = tpu.memref_squeeze %dma_start3A_495 : memref<1x!tpu.dma_semaphore, #tpu.memory_space<semaphore_mem>> -> memref<!tpu.dma_semaphore, #tpu.memory_space<semaphore_mem>>
        tpu.enqueue_indirect_dma source(%dma_start3A_494 : memref<1000000x64xf32, #tpu.memory_space<hbm>>) target(%dma_start3A_488 : memref<100x64xf32, #tpu.memory_space<vmem>>) offsets(%dma_start3A_491 : memref<100xi32, #tpu.memory_space<vmem>>) semaphore(%dma_start3A_496 : memref<!tpu.dma_semaphore, #tpu.memory_space<semaphore_mem>>)
        %mul3A_497 = arith.constant 2 : i32
        %mul3A_498 = arith.muli %mul3A_497, %add3A_480 : i32
        %add3A_499 = arith.constant 1 : i32
        %add3A_500 = arith.addi %mul3A_498, %add3A_499 : i32
        %dma_start3A_501 = arith.constant 2 : i32
        %dma_start3A_502 = arith.constant 2 : i32
        %dma_start3A_503 = arith.constant 100 : i32
        %dma_start3A_504 = arith.constant 0 : i32
        %dma_start3A_505 = tpu.memref_slice %arg7[%dma_start3A_501, %dma_start3A_503, %dma_start3A_504] : memref<4x200x64xf32, #tpu.memory_space<vmem>> -> memref<1x100x64xf32, #tpu.memory_space<vmem>>
        %dma_start3A_506 = tpu.memref_squeeze %dma_start3A_505 : memref<1x100x64xf32, #tpu.memory_space<vmem>> -> memref<100x64xf32, #tpu.memory_space<vmem>>
        %dma_start3A_507 = arith.constant 0 : i32
        %dma_start3A_508 = tpu.memref_slice %arg6[%add3A_500, %dma_start3A_507] : memref<64x100xi32, #tpu.memory_space<vmem>> -> memref<1x100xi32, #tpu.memory_space<vmem>>
        %dma_start3A_509 = tpu.memref_squeeze %dma_start3A_508 : memref<1x100xi32, #tpu.memory_space<vmem>> -> memref<100xi32, #tpu.memory_space<vmem>>
        %dma_start3A_510 = arith.constant 0 : i32
        %dma_start3A_511 = arith.constant 0 : i32
        %dma_start3A_512 = tpu.memref_slice %arg3[%dma_start3A_510, %dma_start3A_511] : memref<1000000x64xf32, #tpu.memory_space<hbm>> -> memref<1000000x64xf32, #tpu.memory_space<hbm>>
        %dma_start3A_513 = tpu.memref_slice %arg10[%dma_start3A_502] : memref<4x!tpu.dma_semaphore, #tpu.memory_space<semaphore_mem>> -> memref<1x!tpu.dma_semaphore, #tpu.memory_space<semaphore_mem>>
        %dma_start3A_514 = tpu.memref_squeeze %dma_start3A_513 : memref<1x!tpu.dma_semaphore, #tpu.memory_space<semaphore_mem>> -> memref<!tpu.dma_semaphore, #tpu.memory_space<semaphore_mem>>
        tpu.enqueue_indirect_dma source(%dma_start3A_512 : memref<1000000x64xf32, #tpu.memory_space<hbm>>) target(%dma_start3A_506 : memref<100x64xf32, #tpu.memory_space<vmem>>) offsets(%dma_start3A_509 : memref<100xi32, #tpu.memory_space<vmem>>) semaphore(%dma_start3A_514 : memref<!tpu.dma_semaphore, #tpu.memory_space<semaphore_mem>>)
      } else {
      }
      %mul3A_389 = arith.constant 200 : i32
      %mul3A_390 = arith.muli %add3A_340, %mul3A_389 : i32
      %add3A_391 = arith.addi %mul3A_2, %mul3A_390 : i32
      %dma_start3A_392 = arith.constant 2 : i32
      %dma_start3A_393 = arith.constant 2 : i32
      %dma_start3A_394 = arith.constant 0 : i32
      %dma_start3A_395 = arith.constant 0 : i32
      %dma_start3A_396 = tpu.memref_slice %arg8[%dma_start3A_392, %dma_start3A_394, %dma_start3A_395] : memref<4x200x64xf32, #tpu.memory_space<vmem>> -> memref<1x200x64xf32, #tpu.memory_space<vmem>>
      %dma_start3A_397 = tpu.memref_squeeze %dma_start3A_396 : memref<1x200x64xf32, #tpu.memory_space<vmem>> -> memref<200x64xf32, #tpu.memory_space<vmem>>
      %dma_start3A_398 = arith.constant 0 : i32
      %dma_start3A_399 = tpu.memref_slice %arg5[%add3A_391, %dma_start3A_398] : memref<204800x64xf32, #tpu.memory_space<hbm>> -> memref<200x64xf32, #tpu.memory_space<hbm>>
      %dma_start3A_400 = tpu.memref_slice %arg11[%dma_start3A_393] : memref<4x!tpu.dma_semaphore, #tpu.memory_space<semaphore_mem>> -> memref<1x!tpu.dma_semaphore, #tpu.memory_space<semaphore_mem>>
      %dma_start3A_401 = tpu.memref_squeeze %dma_start3A_400 : memref<1x!tpu.dma_semaphore, #tpu.memory_space<semaphore_mem>> -> memref<!tpu.dma_semaphore, #tpu.memory_space<semaphore_mem>>
      %dma_start3A_402 = arith.constant 0 : i32
      %dma_start3A_403 = tpu.memref_slice %arg5[%add3A_391, %dma_start3A_402] : memref<204800x64xf32, #tpu.memory_space<hbm>> -> memref<200x64xf32, #tpu.memory_space<hbm>>
      %dma_start3A_404 = arith.constant 0 : i32
      %dma_start3A_405 = arith.constant 0 : i32
      %dma_start3A_406 = tpu.memref_slice %arg8[%dma_start3A_392, %dma_start3A_404, %dma_start3A_405] : memref<4x200x64xf32, #tpu.memory_space<vmem>> -> memref<1x200x64xf32, #tpu.memory_space<vmem>>
      %dma_start3A_407 = tpu.memref_squeeze %dma_start3A_406 : memref<1x200x64xf32, #tpu.memory_space<vmem>> -> memref<200x64xf32, #tpu.memory_space<vmem>>
      tpu.enqueue_dma source(%dma_start3A_407 : memref<200x64xf32, #tpu.memory_space<vmem>>) target(%dma_start3A_403 : memref<200x64xf32, #tpu.memory_space<hbm>>) target_semaphore(%dma_start3A_401 : memref<!tpu.dma_semaphore, #tpu.memory_space<semaphore_mem>>)
      %mul3A_408 = arith.constant 4 : i32
      %mul3A_409 = arith.muli %scan3A_198, %mul3A_408 : i32
      %add3A_410 = arith.constant 3 : i32
      %add3A_411 = arith.addi %mul3A_409, %add3A_410 : i32
      %dma_wait3A_412 = arith.constant 0 : i32
      %dma_wait3A_413 = arith.constant 3 : i32
      %dma_wait3A_414 = arith.constant 3 : i32
      %dma_wait3A_415 = arith.constant 0 : i32
      %dma_wait3A_416 = arith.constant 0 : i32
      %dma_wait3A_417 = tpu.memref_slice %arg7[%dma_wait3A_413, %dma_wait3A_415, %dma_wait3A_416] : memref<4x200x64xf32, #tpu.memory_space<vmem>> -> memref<1x100x64xf32, #tpu.memory_space<vmem>>
      %dma_wait3A_418 = tpu.memref_squeeze %dma_wait3A_417 : memref<1x100x64xf32, #tpu.memory_space<vmem>> -> memref<100x64xf32, #tpu.memory_space<vmem>>
      %dma_wait3A_419 = arith.constant 0 : i32
      %dma_wait3A_420 = tpu.memref_slice %arg6[%dma_wait3A_412, %dma_wait3A_419] : memref<64x100xi32, #tpu.memory_space<vmem>> -> memref<1x100xi32, #tpu.memory_space<vmem>>
      %dma_wait3A_421 = tpu.memref_squeeze %dma_wait3A_420 : memref<1x100xi32, #tpu.memory_space<vmem>> -> memref<100xi32, #tpu.memory_space<vmem>>
      %dma_wait3A_422 = arith.constant 0 : i32
      %dma_wait3A_423 = arith.constant 0 : i32
      %dma_wait3A_424 = tpu.memref_slice %arg3[%dma_wait3A_422, %dma_wait3A_423] : memref<1000000x64xf32, #tpu.memory_space<hbm>> -> memref<1000000x64xf32, #tpu.memory_space<hbm>>
      %dma_wait3A_425 = tpu.memref_slice %arg10[%dma_wait3A_414] : memref<4x!tpu.dma_semaphore, #tpu.memory_space<semaphore_mem>> -> memref<1x!tpu.dma_semaphore, #tpu.memory_space<semaphore_mem>>
      %dma_wait3A_426 = tpu.memref_squeeze %dma_wait3A_425 : memref<1x!tpu.dma_semaphore, #tpu.memory_space<semaphore_mem>> -> memref<!tpu.dma_semaphore, #tpu.memory_space<semaphore_mem>>
      tpu.wait_indirect_dma semaphore(%dma_wait3A_426 : memref<!tpu.dma_semaphore, #tpu.memory_space<semaphore_mem>>) src(%dma_wait3A_424 : memref<1000000x64xf32, #tpu.memory_space<hbm>>) dst(%dma_wait3A_418 : memref<100x64xf32, #tpu.memory_space<vmem>>)
      %dma_wait3A_427 = arith.constant 0 : i32
      %dma_wait3A_428 = arith.constant 3 : i32
      %dma_wait3A_429 = arith.constant 3 : i32
      %dma_wait3A_430 = arith.constant 100 : i32
      %dma_wait3A_431 = arith.constant 0 : i32
      %dma_wait3A_432 = tpu.memref_slice %arg7[%dma_wait3A_428, %dma_wait3A_430, %dma_wait3A_431] : memref<4x200x64xf32, #tpu.memory_space<vmem>> -> memref<1x100x64xf32, #tpu.memory_space<vmem>>
      %dma_wait3A_433 = tpu.memref_squeeze %dma_wait3A_432 : memref<1x100x64xf32, #tpu.memory_space<vmem>> -> memref<100x64xf32, #tpu.memory_space<vmem>>
      %dma_wait3A_434 = arith.constant 0 : i32
      %dma_wait3A_435 = tpu.memref_slice %arg6[%dma_wait3A_427, %dma_wait3A_434] : memref<64x100xi32, #tpu.memory_space<vmem>> -> memref<1x100xi32, #tpu.memory_space<vmem>>
      %dma_wait3A_436 = tpu.memref_squeeze %dma_wait3A_435 : memref<1x100xi32, #tpu.memory_space<vmem>> -> memref<100xi32, #tpu.memory_space<vmem>>
      %dma_wait3A_437 = arith.constant 0 : i32
      %dma_wait3A_438 = arith.constant 0 : i32
      %dma_wait3A_439 = tpu.memref_slice %arg3[%dma_wait3A_437, %dma_wait3A_438] : memref<1000000x64xf32, #tpu.memory_space<hbm>> -> memref<1000000x64xf32, #tpu.memory_space<hbm>>
      %dma_wait3A_440 = tpu.memref_slice %arg10[%dma_wait3A_429] : memref<4x!tpu.dma_semaphore, #tpu.memory_space<semaphore_mem>> -> memref<1x!tpu.dma_semaphore, #tpu.memory_space<semaphore_mem>>
      %dma_wait3A_441 = tpu.memref_squeeze %dma_wait3A_440 : memref<1x!tpu.dma_semaphore, #tpu.memory_space<semaphore_mem>> -> memref<!tpu.dma_semaphore, #tpu.memory_space<semaphore_mem>>
      tpu.wait_indirect_dma semaphore(%dma_wait3A_441 : memref<!tpu.dma_semaphore, #tpu.memory_space<semaphore_mem>>) src(%dma_wait3A_439 : memref<1000000x64xf32, #tpu.memory_space<hbm>>) dst(%dma_wait3A_433 : memref<100x64xf32, #tpu.memory_space<vmem>>)
      %ge3A_442 = arith.constant 4 : i32
      %ge3A_443 = arith.cmpi sge, %add3A_411, %ge3A_442 : i32
      %convert_element_type3A_444 = arith.extui %ge3A_443 : i1 to i32
      %cond3A_445 = arith.constant 0 : i32
      %cond3A_446 = arith.cmpi ne, %convert_element_type3A_444, %cond3A_445 : i32
      scf.if %cond3A_446 {
        %dma_wait3A_479 = arith.constant 3 : i32
        %dma_wait3A_480 = arith.constant 3 : i32
        %dma_wait3A_481 = arith.constant 0 : i32
        %dma_wait3A_482 = arith.constant 0 : i32
        %dma_wait3A_483 = tpu.memref_slice %arg8[%dma_wait3A_479, %dma_wait3A_481, %dma_wait3A_482] : memref<4x200x64xf32, #tpu.memory_space<vmem>> -> memref<1x200x64xf32, #tpu.memory_space<vmem>>
        %dma_wait3A_484 = tpu.memref_squeeze %dma_wait3A_483 : memref<1x200x64xf32, #tpu.memory_space<vmem>> -> memref<200x64xf32, #tpu.memory_space<vmem>>
        %dma_wait3A_485 = arith.constant 0 : i32
        %dma_wait3A_486 = arith.constant 0 : i32
        %dma_wait3A_487 = tpu.memref_slice %arg5[%dma_wait3A_485, %dma_wait3A_486] : memref<204800x64xf32, #tpu.memory_space<hbm>> -> memref<200x64xf32, #tpu.memory_space<hbm>>
        %dma_wait3A_488 = tpu.memref_slice %arg11[%dma_wait3A_480] : memref<4x!tpu.dma_semaphore, #tpu.memory_space<semaphore_mem>> -> memref<1x!tpu.dma_semaphore, #tpu.memory_space<semaphore_mem>>
        %dma_wait3A_489 = tpu.memref_squeeze %dma_wait3A_488 : memref<1x!tpu.dma_semaphore, #tpu.memory_space<semaphore_mem>> -> memref<!tpu.dma_semaphore, #tpu.memory_space<semaphore_mem>>
        %dma_wait3A_490 = arith.constant 0 : i32
        %dma_wait3A_491 = arith.constant 0 : i32
        %dma_wait3A_492 = tpu.memref_slice %arg5[%dma_wait3A_490, %dma_wait3A_491] : memref<204800x64xf32, #tpu.memory_space<hbm>> -> memref<200x64xf32, #tpu.memory_space<hbm>>
        %dma_wait3A_493 = arith.constant 0 : i32
        %dma_wait3A_494 = arith.constant 0 : i32
        %dma_wait3A_495 = tpu.memref_slice %arg8[%dma_wait3A_479, %dma_wait3A_493, %dma_wait3A_494] : memref<4x200x64xf32, #tpu.memory_space<vmem>> -> memref<1x200x64xf32, #tpu.memory_space<vmem>>
        %dma_wait3A_496 = tpu.memref_squeeze %dma_wait3A_495 : memref<1x200x64xf32, #tpu.memory_space<vmem>> -> memref<200x64xf32, #tpu.memory_space<vmem>>
        tpu.wait_dma2 semaphore(%dma_wait3A_489 : memref<!tpu.dma_semaphore, #tpu.memory_space<semaphore_mem>>) src(%dma_wait3A_496 : memref<200x64xf32, #tpu.memory_space<vmem>>) dst(%dma_wait3A_492 : memref<200x64xf32, #tpu.memory_space<hbm>>)
      } else {
      }
      %scan3A_447 = arith.constant 0 : i32
      %scan3A_448 = arith.constant 0 : i32
      %scan3A_449 = arith.constant 200 : i32
      %scan3A_450 = arith.addi %scan3A_448, %scan3A_449 : i32
      %scan3A_451 = arith.constant 4 : i32
      scf.for %scan3A_479 = %scan3A_448 to %scan3A_450 step %scan3A_451  : i32 {
        %get3A = arith.constant 3 : i32
        %get3A_480 = arith.index_cast %get3A : i32 to index
        %get3A_481 = arith.index_cast %scan3A_479 : i32 to index
        %get3A_482 = arith.constant 0 : index
        %get3A_483 = tpu.vector_load %arg7[%get3A_480, %get3A_481, %get3A_482] {strides = array<i32>} : memref<4x200x64xf32, #tpu.memory_space<vmem>>, vector<1x1x16xf32>,
        %get3A_484 = vector.shape_cast %get3A_483 : vector<1x1x16xf32> to vector<16xf32>
        %mul3A_485 = arith.constant 8.000000e+00 : f32
        %mul3A_486 = vector.broadcast %mul3A_485 : f32 to vector<16xf32>
        %mul3A_487 = arith.mulf %get3A_484, %mul3A_486 : vector<16xf32>
        %get3A_488 = arith.index_cast %scan3A_479 : i32 to index
        %get3A_489 = arith.constant 0 : index
        %get3A_490 = tpu.vector_load %arg9[%get3A_488, %get3A_489] {strides = array<i32>} : memref<200x64xf32, #tpu.memory_space<vmem>>, vector<1x16xf32>,
        %get3A_491 = vector.shape_cast %get3A_490 : vector<1x16xf32> to vector<16xf32>
        %add3A_492 = arith.addf %mul3A_487, %get3A_491 : vector<16xf32>
        %swap3A = arith.constant 3 : i32
        %swap3A_493 = arith.index_cast %swap3A : i32 to index
        %swap3A_494 = arith.index_cast %scan3A_479 : i32 to index
        %swap3A_495 = arith.constant 0 : index
        %swap3A_496 = tpu.vector_load %arg8[%swap3A_493, %swap3A_494, %swap3A_495] {strides = array<i32>} : memref<4x200x64xf32, #tpu.memory_space<vmem>>, vector<1x1x16xf32>,
        %swap3A_497 = vector.shape_cast %swap3A_496 : vector<1x1x16xf32> to vector<16xf32>
        %swap3A_498 = vector.shape_cast %add3A_492 : vector<16xf32> to vector<1x1x16xf32>
        tpu.vector_store %arg8[%swap3A_493, %swap3A_494, %swap3A_495], %swap3A_498 {strides = array<i32>} : memref<4x200x64xf32, #tpu.memory_space<vmem>>, vector<1x1x16xf32>,
        %get3A_499 = arith.constant 3 : i32
        %get3A_500 = arith.index_cast %get3A_499 : i32 to index
        %get3A_501 = arith.index_cast %scan3A_479 : i32 to index
        %get3A_502 = arith.constant 16 : index
        %get3A_503 = tpu.vector_load %arg7[%get3A_500, %get3A_501, %get3A_502] {strides = array<i32>} : memref<4x200x64xf32, #tpu.memory_space<vmem>>, vector<1x1x16xf32>,
        %get3A_504 = vector.shape_cast %get3A_503 : vector<1x1x16xf32> to vector<16xf32>
        %mul3A_505 = arith.constant 8.000000e+00 : f32
        %mul3A_506 = vector.broadcast %mul3A_505 : f32 to vector<16xf32>
        %mul3A_507 = arith.mulf %get3A_504, %mul3A_506 : vector<16xf32>
        %get3A_508 = arith.index_cast %scan3A_479 : i32 to index
        %get3A_509 = arith.constant 16 : index
        %get3A_510 = tpu.vector_load %arg9[%get3A_508, %get3A_509] {strides = array<i32>} : memref<200x64xf32, #tpu.memory_space<vmem>>, vector<1x16xf32>,
        %get3A_511 = vector.shape_cast %get3A_510 : vector<1x16xf32> to vector<16xf32>
        %add3A_512 = arith.addf %mul3A_507, %get3A_511 : vector<16xf32>
        %swap3A_513 = arith.constant 3 : i32
        %swap3A_514 = arith.index_cast %swap3A_513 : i32 to index
        %swap3A_515 = arith.index_cast %scan3A_479 : i32 to index
        %swap3A_516 = arith.constant 16 : index
        %swap3A_517 = tpu.vector_load %arg8[%swap3A_514, %swap3A_515, %swap3A_516] {strides = array<i32>} : memref<4x200x64xf32, #tpu.memory_space<vmem>>, vector<1x1x16xf32>,
        %swap3A_518 = vector.shape_cast %swap3A_517 : vector<1x1x16xf32> to vector<16xf32>
        %swap3A_519 = vector.shape_cast %add3A_512 : vector<16xf32> to vector<1x1x16xf32>
        tpu.vector_store %arg8[%swap3A_514, %swap3A_515, %swap3A_516], %swap3A_519 {strides = array<i32>} : memref<4x200x64xf32, #tpu.memory_space<vmem>>, vector<1x1x16xf32>,
        %get3A_520 = arith.constant 3 : i32
        %get3A_521 = arith.index_cast %get3A_520 : i32 to index
        %get3A_522 = arith.index_cast %scan3A_479 : i32 to index
        %get3A_523 = arith.constant 32 : index
        %get3A_524 = tpu.vector_load %arg7[%get3A_521, %get3A_522, %get3A_523] {strides = array<i32>} : memref<4x200x64xf32, #tpu.memory_space<vmem>>, vector<1x1x16xf32>,
        %get3A_525 = vector.shape_cast %get3A_524 : vector<1x1x16xf32> to vector<16xf32>
        %mul3A_526 = arith.constant 8.000000e+00 : f32
        %mul3A_527 = vector.broadcast %mul3A_526 : f32 to vector<16xf32>
        %mul3A_528 = arith.mulf %get3A_525, %mul3A_527 : vector<16xf32>
        %get3A_529 = arith.index_cast %scan3A_479 : i32 to index
        %get3A_530 = arith.constant 32 : index
        %get3A_531 = tpu.vector_load %arg9[%get3A_529, %get3A_530] {strides = array<i32>} : memref<200x64xf32, #tpu.memory_space<vmem>>, vector<1x16xf32>,
        %get3A_532 = vector.shape_cast %get3A_531 : vector<1x16xf32> to vector<16xf32>
        %add3A_533 = arith.addf %mul3A_528, %get3A_532 : vector<16xf32>
        %swap3A_534 = arith.constant 3 : i32
        %swap3A_535 = arith.index_cast %swap3A_534 : i32 to index
        %swap3A_536 = arith.index_cast %scan3A_479 : i32 to index
        %swap3A_537 = arith.constant 32 : index
        %swap3A_538 = tpu.vector_load %arg8[%swap3A_535, %swap3A_536, %swap3A_537] {strides = array<i32>} : memref<4x200x64xf32, #tpu.memory_space<vmem>>, vector<1x1x16xf32>,
        %swap3A_539 = vector.shape_cast %swap3A_538 : vector<1x1x16xf32> to vector<16xf32>
        %swap3A_540 = vector.shape_cast %add3A_533 : vector<16xf32> to vector<1x1x16xf32>
        tpu.vector_store %arg8[%swap3A_535, %swap3A_536, %swap3A_537], %swap3A_540 {strides = array<i32>} : memref<4x200x64xf32, #tpu.memory_space<vmem>>, vector<1x1x16xf32>,
        %get3A_541 = arith.constant 3 : i32
        %get3A_542 = arith.index_cast %get3A_541 : i32 to index
        %get3A_543 = arith.index_cast %scan3A_479 : i32 to index
        %get3A_544 = arith.constant 48 : index
        %get3A_545 = tpu.vector_load %arg7[%get3A_542, %get3A_543, %get3A_544] {strides = array<i32>} : memref<4x200x64xf32, #tpu.memory_space<vmem>>, vector<1x1x16xf32>,
        %get3A_546 = vector.shape_cast %get3A_545 : vector<1x1x16xf32> to vector<16xf32>
        %mul3A_547 = arith.constant 8.000000e+00 : f32
        %mul3A_548 = vector.broadcast %mul3A_547 : f32 to vector<16xf32>
        %mul3A_549 = arith.mulf %get3A_546, %mul3A_548 : vector<16xf32>
        %get3A_550 = arith.index_cast %scan3A_479 : i32 to index
        %get3A_551 = arith.constant 48 : index
        %get3A_552 = tpu.vector_load %arg9[%get3A_550, %get3A_551] {strides = array<i32>} : memref<200x64xf32, #tpu.memory_space<vmem>>, vector<1x16xf32>,
        %get3A_553 = vector.shape_cast %get3A_552 : vector<1x16xf32> to vector<16xf32>
        %add3A_554 = arith.addf %mul3A_549, %get3A_553 : vector<16xf32>
        %swap3A_555 = arith.constant 3 : i32
        %swap3A_556 = arith.index_cast %swap3A_555 : i32 to index
        %swap3A_557 = arith.index_cast %scan3A_479 : i32 to index
        %swap3A_558 = arith.constant 48 : index
        %swap3A_559 = tpu.vector_load %arg8[%swap3A_556, %swap3A_557, %swap3A_558] {strides = array<i32>} : memref<4x200x64xf32, #tpu.memory_space<vmem>>, vector<1x1x16xf32>,
        %swap3A_560 = vector.shape_cast %swap3A_559 : vector<1x1x16xf32> to vector<16xf32>
        %swap3A_561 = vector.shape_cast %add3A_554 : vector<16xf32> to vector<1x1x16xf32>
        tpu.vector_store %arg8[%swap3A_556, %swap3A_557, %swap3A_558], %swap3A_561 {strides = array<i32>} : memref<4x200x64xf32, #tpu.memory_space<vmem>>, vector<1x1x16xf32>,
        %scan3A_562 = arith.constant 1 : i32
        %scan3A_563 = arith.addi %scan3A_479, %scan3A_562 : i32
        %get3A_564 = arith.constant 3 : i32
        %get3A_565 = arith.index_cast %get3A_564 : i32 to index
        %get3A_566 = arith.index_cast %scan3A_563 : i32 to index
        %get3A_567 = arith.constant 0 : index
        %get3A_568 = tpu.vector_load %arg7[%get3A_565, %get3A_566, %get3A_567] {strides = array<i32>} : memref<4x200x64xf32, #tpu.memory_space<vmem>>, vector<1x1x16xf32>,
        %get3A_569 = vector.shape_cast %get3A_568 : vector<1x1x16xf32> to vector<16xf32>
        %mul3A_570 = arith.constant 8.000000e+00 : f32
        %mul3A_571 = vector.broadcast %mul3A_570 : f32 to vector<16xf32>
        %mul3A_572 = arith.mulf %get3A_569, %mul3A_571 : vector<16xf32>
        %get3A_573 = arith.index_cast %scan3A_563 : i32 to index
        %get3A_574 = arith.constant 0 : index
        %get3A_575 = tpu.vector_load %arg9[%get3A_573, %get3A_574] {strides = array<i32>} : memref<200x64xf32, #tpu.memory_space<vmem>>, vector<1x16xf32>,
        %get3A_576 = vector.shape_cast %get3A_575 : vector<1x16xf32> to vector<16xf32>
        %add3A_577 = arith.addf %mul3A_572, %get3A_576 : vector<16xf32>
        %swap3A_578 = arith.constant 3 : i32
        %swap3A_579 = arith.index_cast %swap3A_578 : i32 to index
        %swap3A_580 = arith.index_cast %scan3A_563 : i32 to index
        %swap3A_581 = arith.constant 0 : index
        %swap3A_582 = tpu.vector_load %arg8[%swap3A_579, %swap3A_580, %swap3A_581] {strides = array<i32>} : memref<4x200x64xf32, #tpu.memory_space<vmem>>, vector<1x1x16xf32>,
        %swap3A_583 = vector.shape_cast %swap3A_582 : vector<1x1x16xf32> to vector<16xf32>
        %swap3A_584 = vector.shape_cast %add3A_577 : vector<16xf32> to vector<1x1x16xf32>
        tpu.vector_store %arg8[%swap3A_579, %swap3A_580, %swap3A_581], %swap3A_584 {strides = array<i32>} : memref<4x200x64xf32, #tpu.memory_space<vmem>>, vector<1x1x16xf32>,
        %get3A_585 = arith.constant 3 : i32
        %get3A_586 = arith.index_cast %get3A_585 : i32 to index
        %get3A_587 = arith.index_cast %scan3A_563 : i32 to index
        %get3A_588 = arith.constant 16 : index
        %get3A_589 = tpu.vector_load %arg7[%get3A_586, %get3A_587, %get3A_588] {strides = array<i32>} : memref<4x200x64xf32, #tpu.memory_space<vmem>>, vector<1x1x16xf32>,
        %get3A_590 = vector.shape_cast %get3A_589 : vector<1x1x16xf32> to vector<16xf32>
        %mul3A_591 = arith.constant 8.000000e+00 : f32
        %mul3A_592 = vector.broadcast %mul3A_591 : f32 to vector<16xf32>
        %mul3A_593 = arith.mulf %get3A_590, %mul3A_592 : vector<16xf32>
        %get3A_594 = arith.index_cast %scan3A_563 : i32 to index
        %get3A_595 = arith.constant 16 : index
        %get3A_596 = tpu.vector_load %arg9[%get3A_594, %get3A_595] {strides = array<i32>} : memref<200x64xf32, #tpu.memory_space<vmem>>, vector<1x16xf32>,
        %get3A_597 = vector.shape_cast %get3A_596 : vector<1x16xf32> to vector<16xf32>
        %add3A_598 = arith.addf %mul3A_593, %get3A_597 : vector<16xf32>
        %swap3A_599 = arith.constant 3 : i32
        %swap3A_600 = arith.index_cast %swap3A_599 : i32 to index
        %swap3A_601 = arith.index_cast %scan3A_563 : i32 to index
        %swap3A_602 = arith.constant 16 : index
        %swap3A_603 = tpu.vector_load %arg8[%swap3A_600, %swap3A_601, %swap3A_602] {strides = array<i32>} : memref<4x200x64xf32, #tpu.memory_space<vmem>>, vector<1x1x16xf32>,
        %swap3A_604 = vector.shape_cast %swap3A_603 : vector<1x1x16xf32> to vector<16xf32>
        %swap3A_605 = vector.shape_cast %add3A_598 : vector<16xf32> to vector<1x1x16xf32>
        tpu.vector_store %arg8[%swap3A_600, %swap3A_601, %swap3A_602], %swap3A_605 {strides = array<i32>} : memref<4x200x64xf32, #tpu.memory_space<vmem>>, vector<1x1x16xf32>,
        %get3A_606 = arith.constant 3 : i32
        %get3A_607 = arith.index_cast %get3A_606 : i32 to index
        %get3A_608 = arith.index_cast %scan3A_563 : i32 to index
        %get3A_609 = arith.constant 32 : index
        %get3A_610 = tpu.vector_load %arg7[%get3A_607, %get3A_608, %get3A_609] {strides = array<i32>} : memref<4x200x64xf32, #tpu.memory_space<vmem>>, vector<1x1x16xf32>,
        %get3A_611 = vector.shape_cast %get3A_610 : vector<1x1x16xf32> to vector<16xf32>
        %mul3A_612 = arith.constant 8.000000e+00 : f32
        %mul3A_613 = vector.broadcast %mul3A_612 : f32 to vector<16xf32>
        %mul3A_614 = arith.mulf %get3A_611, %mul3A_613 : vector<16xf32>
        %get3A_615 = arith.index_cast %scan3A_563 : i32 to index
        %get3A_616 = arith.constant 32 : index
        %get3A_617 = tpu.vector_load %arg9[%get3A_615, %get3A_616] {strides = array<i32>} : memref<200x64xf32, #tpu.memory_space<vmem>>, vector<1x16xf32>,
        %get3A_618 = vector.shape_cast %get3A_617 : vector<1x16xf32> to vector<16xf32>
        %add3A_619 = arith.addf %mul3A_614, %get3A_618 : vector<16xf32>
        %swap3A_620 = arith.constant 3 : i32
        %swap3A_621 = arith.index_cast %swap3A_620 : i32 to index
        %swap3A_622 = arith.index_cast %scan3A_563 : i32 to index
        %swap3A_623 = arith.constant 32 : index
        %swap3A_624 = tpu.vector_load %arg8[%swap3A_621, %swap3A_622, %swap3A_623] {strides = array<i32>} : memref<4x200x64xf32, #tpu.memory_space<vmem>>, vector<1x1x16xf32>,
        %swap3A_625 = vector.shape_cast %swap3A_624 : vector<1x1x16xf32> to vector<16xf32>
        %swap3A_626 = vector.shape_cast %add3A_619 : vector<16xf32> to vector<1x1x16xf32>
        tpu.vector_store %arg8[%swap3A_621, %swap3A_622, %swap3A_623], %swap3A_626 {strides = array<i32>} : memref<4x200x64xf32, #tpu.memory_space<vmem>>, vector<1x1x16xf32>,
        %get3A_627 = arith.constant 3 : i32
        %get3A_628 = arith.index_cast %get3A_627 : i32 to index
        %get3A_629 = arith.index_cast %scan3A_563 : i32 to index
        %get3A_630 = arith.constant 48 : index
        %get3A_631 = tpu.vector_load %arg7[%get3A_628, %get3A_629, %get3A_630] {strides = array<i32>} : memref<4x200x64xf32, #tpu.memory_space<vmem>>, vector<1x1x16xf32>,
        %get3A_632 = vector.shape_cast %get3A_631 : vector<1x1x16xf32> to vector<16xf32>
        %mul3A_633 = arith.constant 8.000000e+00 : f32
        %mul3A_634 = vector.broadcast %mul3A_633 : f32 to vector<16xf32>
        %mul3A_635 = arith.mulf %get3A_632, %mul3A_634 : vector<16xf32>
        %get3A_636 = arith.index_cast %scan3A_563 : i32 to index
        %get3A_637 = arith.constant 48 : index
        %get3A_638 = tpu.vector_load %arg9[%get3A_636, %get3A_637] {strides = array<i32>} : memref<200x64xf32, #tpu.memory_space<vmem>>, vector<1x16xf32>,
        %get3A_639 = vector.shape_cast %get3A_638 : vector<1x16xf32> to vector<16xf32>
        %add3A_640 = arith.addf %mul3A_635, %get3A_639 : vector<16xf32>
        %swap3A_641 = arith.constant 3 : i32
        %swap3A_642 = arith.index_cast %swap3A_641 : i32 to index
        %swap3A_643 = arith.index_cast %scan3A_563 : i32 to index
        %swap3A_644 = arith.constant 48 : index
        %swap3A_645 = tpu.vector_load %arg8[%swap3A_642, %swap3A_643, %swap3A_644] {strides = array<i32>} : memref<4x200x64xf32, #tpu.memory_space<vmem>>, vector<1x1x16xf32>,
        %swap3A_646 = vector.shape_cast %swap3A_645 : vector<1x1x16xf32> to vector<16xf32>
        %swap3A_647 = vector.shape_cast %add3A_640 : vector<16xf32> to vector<1x1x16xf32>
        tpu.vector_store %arg8[%swap3A_642, %swap3A_643, %swap3A_644], %swap3A_647 {strides = array<i32>} : memref<4x200x64xf32, #tpu.memory_space<vmem>>, vector<1x1x16xf32>,
        %scan3A_648 = arith.constant 2 : i32
        %scan3A_649 = arith.addi %scan3A_479, %scan3A_648 : i32
        %get3A_650 = arith.constant 3 : i32
        %get3A_651 = arith.index_cast %get3A_650 : i32 to index
        %get3A_652 = arith.index_cast %scan3A_649 : i32 to index
        %get3A_653 = arith.constant 0 : index
        %get3A_654 = tpu.vector_load %arg7[%get3A_651, %get3A_652, %get3A_653] {strides = array<i32>} : memref<4x200x64xf32, #tpu.memory_space<vmem>>, vector<1x1x16xf32>,
        %get3A_655 = vector.shape_cast %get3A_654 : vector<1x1x16xf32> to vector<16xf32>
        %mul3A_656 = arith.constant 8.000000e+00 : f32
        %mul3A_657 = vector.broadcast %mul3A_656 : f32 to vector<16xf32>
        %mul3A_658 = arith.mulf %get3A_655, %mul3A_657 : vector<16xf32>
        %get3A_659 = arith.index_cast %scan3A_649 : i32 to index
        %get3A_660 = arith.constant 0 : index
        %get3A_661 = tpu.vector_load %arg9[%get3A_659, %get3A_660] {strides = array<i32>} : memref<200x64xf32, #tpu.memory_space<vmem>>, vector<1x16xf32>,
        %get3A_662 = vector.shape_cast %get3A_661 : vector<1x16xf32> to vector<16xf32>
        %add3A_663 = arith.addf %mul3A_658, %get3A_662 : vector<16xf32>
        %swap3A_664 = arith.constant 3 : i32
        %swap3A_665 = arith.index_cast %swap3A_664 : i32 to index
        %swap3A_666 = arith.index_cast %scan3A_649 : i32 to index
        %swap3A_667 = arith.constant 0 : index
        %swap3A_668 = tpu.vector_load %arg8[%swap3A_665, %swap3A_666, %swap3A_667] {strides = array<i32>} : memref<4x200x64xf32, #tpu.memory_space<vmem>>, vector<1x1x16xf32>,
        %swap3A_669 = vector.shape_cast %swap3A_668 : vector<1x1x16xf32> to vector<16xf32>
        %swap3A_670 = vector.shape_cast %add3A_663 : vector<16xf32> to vector<1x1x16xf32>
        tpu.vector_store %arg8[%swap3A_665, %swap3A_666, %swap3A_667], %swap3A_670 {strides = array<i32>} : memref<4x200x64xf32, #tpu.memory_space<vmem>>, vector<1x1x16xf32>,
        %get3A_671 = arith.constant 3 : i32
        %get3A_672 = arith.index_cast %get3A_671 : i32 to index
        %get3A_673 = arith.index_cast %scan3A_649 : i32 to index
        %get3A_674 = arith.constant 16 : index
        %get3A_675 = tpu.vector_load %arg7[%get3A_672, %get3A_673, %get3A_674] {strides = array<i32>} : memref<4x200x64xf32, #tpu.memory_space<vmem>>, vector<1x1x16xf32>,
        %get3A_676 = vector.shape_cast %get3A_675 : vector<1x1x16xf32> to vector<16xf32>
        %mul3A_677 = arith.constant 8.000000e+00 : f32
        %mul3A_678 = vector.broadcast %mul3A_677 : f32 to vector<16xf32>
        %mul3A_679 = arith.mulf %get3A_676, %mul3A_678 : vector<16xf32>
        %get3A_680 = arith.index_cast %scan3A_649 : i32 to index
        %get3A_681 = arith.constant 16 : index
        %get3A_682 = tpu.vector_load %arg9[%get3A_680, %get3A_681] {strides = array<i32>} : memref<200x64xf32, #tpu.memory_space<vmem>>, vector<1x16xf32>,
        %get3A_683 = vector.shape_cast %get3A_682 : vector<1x16xf32> to vector<16xf32>
        %add3A_684 = arith.addf %mul3A_679, %get3A_683 : vector<16xf32>
        %swap3A_685 = arith.constant 3 : i32
        %swap3A_686 = arith.index_cast %swap3A_685 : i32 to index
        %swap3A_687 = arith.index_cast %scan3A_649 : i32 to index
        %swap3A_688 = arith.constant 16 : index
        %swap3A_689 = tpu.vector_load %arg8[%swap3A_686, %swap3A_687, %swap3A_688] {strides = array<i32>} : memref<4x200x64xf32, #tpu.memory_space<vmem>>, vector<1x1x16xf32>,
        %swap3A_690 = vector.shape_cast %swap3A_689 : vector<1x1x16xf32> to vector<16xf32>
        %swap3A_691 = vector.shape_cast %add3A_684 : vector<16xf32> to vector<1x1x16xf32>
        tpu.vector_store %arg8[%swap3A_686, %swap3A_687, %swap3A_688], %swap3A_691 {strides = array<i32>} : memref<4x200x64xf32, #tpu.memory_space<vmem>>, vector<1x1x16xf32>,
        %get3A_692 = arith.constant 3 : i32
        %get3A_693 = arith.index_cast %get3A_692 : i32 to index
        %get3A_694 = arith.index_cast %scan3A_649 : i32 to index
        %get3A_695 = arith.constant 32 : index
        %get3A_696 = tpu.vector_load %arg7[%get3A_693, %get3A_694, %get3A_695] {strides = array<i32>} : memref<4x200x64xf32, #tpu.memory_space<vmem>>, vector<1x1x16xf32>,
        %get3A_697 = vector.shape_cast %get3A_696 : vector<1x1x16xf32> to vector<16xf32>
        %mul3A_698 = arith.constant 8.000000e+00 : f32
        %mul3A_699 = vector.broadcast %mul3A_698 : f32 to vector<16xf32>
        %mul3A_700 = arith.mulf %get3A_697, %mul3A_699 : vector<16xf32>
        %get3A_701 = arith.index_cast %scan3A_649 : i32 to index
        %get3A_702 = arith.constant 32 : index
        %get3A_703 = tpu.vector_load %arg9[%get3A_701, %get3A_702] {strides = array<i32>} : memref<200x64xf32, #tpu.memory_space<vmem>>, vector<1x16xf32>,
        %get3A_704 = vector.shape_cast %get3A_703 : vector<1x16xf32> to vector<16xf32>
        %add3A_705 = arith.addf %mul3A_700, %get3A_704 : vector<16xf32>
        %swap3A_706 = arith.constant 3 : i32
        %swap3A_707 = arith.index_cast %swap3A_706 : i32 to index
        %swap3A_708 = arith.index_cast %scan3A_649 : i32 to index
        %swap3A_709 = arith.constant 32 : index
        %swap3A_710 = tpu.vector_load %arg8[%swap3A_707, %swap3A_708, %swap3A_709] {strides = array<i32>} : memref<4x200x64xf32, #tpu.memory_space<vmem>>, vector<1x1x16xf32>,
        %swap3A_711 = vector.shape_cast %swap3A_710 : vector<1x1x16xf32> to vector<16xf32>
        %swap3A_712 = vector.shape_cast %add3A_705 : vector<16xf32> to vector<1x1x16xf32>
        tpu.vector_store %arg8[%swap3A_707, %swap3A_708, %swap3A_709], %swap3A_712 {strides = array<i32>} : memref<4x200x64xf32, #tpu.memory_space<vmem>>, vector<1x1x16xf32>,
        %get3A_713 = arith.constant 3 : i32
        %get3A_714 = arith.index_cast %get3A_713 : i32 to index
        %get3A_715 = arith.index_cast %scan3A_649 : i32 to index
        %get3A_716 = arith.constant 48 : index
        %get3A_717 = tpu.vector_load %arg7[%get3A_714, %get3A_715, %get3A_716] {strides = array<i32>} : memref<4x200x64xf32, #tpu.memory_space<vmem>>, vector<1x1x16xf32>,
        %get3A_718 = vector.shape_cast %get3A_717 : vector<1x1x16xf32> to vector<16xf32>
        %mul3A_719 = arith.constant 8.000000e+00 : f32
        %mul3A_720 = vector.broadcast %mul3A_719 : f32 to vector<16xf32>
        %mul3A_721 = arith.mulf %get3A_718, %mul3A_720 : vector<16xf32>
        %get3A_722 = arith.index_cast %scan3A_649 : i32 to index
        %get3A_723 = arith.constant 48 : index
        %get3A_724 = tpu.vector_load %arg9[%get3A_722, %get3A_723] {strides = array<i32>} : memref<200x64xf32, #tpu.memory_space<vmem>>, vector<1x16xf32>,
        %get3A_725 = vector.shape_cast %get3A_724 : vector<1x16xf32> to vector<16xf32>
        %add3A_726 = arith.addf %mul3A_721, %get3A_725 : vector<16xf32>
        %swap3A_727 = arith.constant 3 : i32
        %swap3A_728 = arith.index_cast %swap3A_727 : i32 to index
        %swap3A_729 = arith.index_cast %scan3A_649 : i32 to index
        %swap3A_730 = arith.constant 48 : index
        %swap3A_731 = tpu.vector_load %arg8[%swap3A_728, %swap3A_729, %swap3A_730] {strides = array<i32>} : memref<4x200x64xf32, #tpu.memory_space<vmem>>, vector<1x1x16xf32>,
        %swap3A_732 = vector.shape_cast %swap3A_731 : vector<1x1x16xf32> to vector<16xf32>
        %swap3A_733 = vector.shape_cast %add3A_726 : vector<16xf32> to vector<1x1x16xf32>
        tpu.vector_store %arg8[%swap3A_728, %swap3A_729, %swap3A_730], %swap3A_733 {strides = array<i32>} : memref<4x200x64xf32, #tpu.memory_space<vmem>>, vector<1x1x16xf32>,
        %scan3A_734 = arith.constant 3 : i32
        %scan3A_735 = arith.addi %scan3A_479, %scan3A_734 : i32
        %get3A_736 = arith.constant 3 : i32
        %get3A_737 = arith.index_cast %get3A_736 : i32 to index
        %get3A_738 = arith.index_cast %scan3A_735 : i32 to index
        %get3A_739 = arith.constant 0 : index
        %get3A_740 = tpu.vector_load %arg7[%get3A_737, %get3A_738, %get3A_739] {strides = array<i32>} : memref<4x200x64xf32, #tpu.memory_space<vmem>>, vector<1x1x16xf32>,
        %get3A_741 = vector.shape_cast %get3A_740 : vector<1x1x16xf32> to vector<16xf32>
        %mul3A_742 = arith.constant 8.000000e+00 : f32
        %mul3A_743 = vector.broadcast %mul3A_742 : f32 to vector<16xf32>
        %mul3A_744 = arith.mulf %get3A_741, %mul3A_743 : vector<16xf32>
        %get3A_745 = arith.index_cast %scan3A_735 : i32 to index
        %get3A_746 = arith.constant 0 : index
        %get3A_747 = tpu.vector_load %arg9[%get3A_745, %get3A_746] {strides = array<i32>} : memref<200x64xf32, #tpu.memory_space<vmem>>, vector<1x16xf32>,
        %get3A_748 = vector.shape_cast %get3A_747 : vector<1x16xf32> to vector<16xf32>
        %add3A_749 = arith.addf %mul3A_744, %get3A_748 : vector<16xf32>
        %swap3A_750 = arith.constant 3 : i32
        %swap3A_751 = arith.index_cast %swap3A_750 : i32 to index
        %swap3A_752 = arith.index_cast %scan3A_735 : i32 to index
        %swap3A_753 = arith.constant 0 : index
        %swap3A_754 = tpu.vector_load %arg8[%swap3A_751, %swap3A_752, %swap3A_753] {strides = array<i32>} : memref<4x200x64xf32, #tpu.memory_space<vmem>>, vector<1x1x16xf32>,
        %swap3A_755 = vector.shape_cast %swap3A_754 : vector<1x1x16xf32> to vector<16xf32>
        %swap3A_756 = vector.shape_cast %add3A_749 : vector<16xf32> to vector<1x1x16xf32>
        tpu.vector_store %arg8[%swap3A_751, %swap3A_752, %swap3A_753], %swap3A_756 {strides = array<i32>} : memref<4x200x64xf32, #tpu.memory_space<vmem>>, vector<1x1x16xf32>,
        %get3A_757 = arith.constant 3 : i32
        %get3A_758 = arith.index_cast %get3A_757 : i32 to index
        %get3A_759 = arith.index_cast %scan3A_735 : i32 to index
        %get3A_760 = arith.constant 16 : index
        %get3A_761 = tpu.vector_load %arg7[%get3A_758, %get3A_759, %get3A_760] {strides = array<i32>} : memref<4x200x64xf32, #tpu.memory_space<vmem>>, vector<1x1x16xf32>,
        %get3A_762 = vector.shape_cast %get3A_761 : vector<1x1x16xf32> to vector<16xf32>
        %mul3A_763 = arith.constant 8.000000e+00 : f32
        %mul3A_764 = vector.broadcast %mul3A_763 : f32 to vector<16xf32>
        %mul3A_765 = arith.mulf %get3A_762, %mul3A_764 : vector<16xf32>
        %get3A_766 = arith.index_cast %scan3A_735 : i32 to index
        %get3A_767 = arith.constant 16 : index
        %get3A_768 = tpu.vector_load %arg9[%get3A_766, %get3A_767] {strides = array<i32>} : memref<200x64xf32, #tpu.memory_space<vmem>>, vector<1x16xf32>,
        %get3A_769 = vector.shape_cast %get3A_768 : vector<1x16xf32> to vector<16xf32>
        %add3A_770 = arith.addf %mul3A_765, %get3A_769 : vector<16xf32>
        %swap3A_771 = arith.constant 3 : i32
        %swap3A_772 = arith.index_cast %swap3A_771 : i32 to index
        %swap3A_773 = arith.index_cast %scan3A_735 : i32 to index
        %swap3A_774 = arith.constant 16 : index
        %swap3A_775 = tpu.vector_load %arg8[%swap3A_772, %swap3A_773, %swap3A_774] {strides = array<i32>} : memref<4x200x64xf32, #tpu.memory_space<vmem>>, vector<1x1x16xf32>,
        %swap3A_776 = vector.shape_cast %swap3A_775 : vector<1x1x16xf32> to vector<16xf32>
        %swap3A_777 = vector.shape_cast %add3A_770 : vector<16xf32> to vector<1x1x16xf32>
        tpu.vector_store %arg8[%swap3A_772, %swap3A_773, %swap3A_774], %swap3A_777 {strides = array<i32>} : memref<4x200x64xf32, #tpu.memory_space<vmem>>, vector<1x1x16xf32>,
        %get3A_778 = arith.constant 3 : i32
        %get3A_779 = arith.index_cast %get3A_778 : i32 to index
        %get3A_780 = arith.index_cast %scan3A_735 : i32 to index
        %get3A_781 = arith.constant 32 : index
        %get3A_782 = tpu.vector_load %arg7[%get3A_779, %get3A_780, %get3A_781] {strides = array<i32>} : memref<4x200x64xf32, #tpu.memory_space<vmem>>, vector<1x1x16xf32>,
        %get3A_783 = vector.shape_cast %get3A_782 : vector<1x1x16xf32> to vector<16xf32>
        %mul3A_784 = arith.constant 8.000000e+00 : f32
        %mul3A_785 = vector.broadcast %mul3A_784 : f32 to vector<16xf32>
        %mul3A_786 = arith.mulf %get3A_783, %mul3A_785 : vector<16xf32>
        %get3A_787 = arith.index_cast %scan3A_735 : i32 to index
        %get3A_788 = arith.constant 32 : index
        %get3A_789 = tpu.vector_load %arg9[%get3A_787, %get3A_788] {strides = array<i32>} : memref<200x64xf32, #tpu.memory_space<vmem>>, vector<1x16xf32>,
        %get3A_790 = vector.shape_cast %get3A_789 : vector<1x16xf32> to vector<16xf32>
        %add3A_791 = arith.addf %mul3A_786, %get3A_790 : vector<16xf32>
        %swap3A_792 = arith.constant 3 : i32
        %swap3A_793 = arith.index_cast %swap3A_792 : i32 to index
        %swap3A_794 = arith.index_cast %scan3A_735 : i32 to index
        %swap3A_795 = arith.constant 32 : index
        %swap3A_796 = tpu.vector_load %arg8[%swap3A_793, %swap3A_794, %swap3A_795] {strides = array<i32>} : memref<4x200x64xf32, #tpu.memory_space<vmem>>, vector<1x1x16xf32>,
        %swap3A_797 = vector.shape_cast %swap3A_796 : vector<1x1x16xf32> to vector<16xf32>
        %swap3A_798 = vector.shape_cast %add3A_791 : vector<16xf32> to vector<1x1x16xf32>
        tpu.vector_store %arg8[%swap3A_793, %swap3A_794, %swap3A_795], %swap3A_798 {strides = array<i32>} : memref<4x200x64xf32, #tpu.memory_space<vmem>>, vector<1x1x16xf32>,
        %get3A_799 = arith.constant 3 : i32
        %get3A_800 = arith.index_cast %get3A_799 : i32 to index
        %get3A_801 = arith.index_cast %scan3A_735 : i32 to index
        %get3A_802 = arith.constant 48 : index
        %get3A_803 = tpu.vector_load %arg7[%get3A_800, %get3A_801, %get3A_802] {strides = array<i32>} : memref<4x200x64xf32, #tpu.memory_space<vmem>>, vector<1x1x16xf32>,
        %get3A_804 = vector.shape_cast %get3A_803 : vector<1x1x16xf32> to vector<16xf32>
        %mul3A_805 = arith.constant 8.000000e+00 : f32
        %mul3A_806 = vector.broadcast %mul3A_805 : f32 to vector<16xf32>
        %mul3A_807 = arith.mulf %get3A_804, %mul3A_806 : vector<16xf32>
        %get3A_808 = arith.index_cast %scan3A_735 : i32 to index
        %get3A_809 = arith.constant 48 : index
        %get3A_810 = tpu.vector_load %arg9[%get3A_808, %get3A_809] {strides = array<i32>} : memref<200x64xf32, #tpu.memory_space<vmem>>, vector<1x16xf32>,
        %get3A_811 = vector.shape_cast %get3A_810 : vector<1x16xf32> to vector<16xf32>
        %add3A_812 = arith.addf %mul3A_807, %get3A_811 : vector<16xf32>
        %swap3A_813 = arith.constant 3 : i32
        %swap3A_814 = arith.index_cast %swap3A_813 : i32 to index
        %swap3A_815 = arith.index_cast %scan3A_735 : i32 to index
        %swap3A_816 = arith.constant 48 : index
        %swap3A_817 = tpu.vector_load %arg8[%swap3A_814, %swap3A_815, %swap3A_816] {strides = array<i32>} : memref<4x200x64xf32, #tpu.memory_space<vmem>>, vector<1x1x16xf32>,
        %swap3A_818 = vector.shape_cast %swap3A_817 : vector<1x1x16xf32> to vector<16xf32>
        %swap3A_819 = vector.shape_cast %add3A_812 : vector<16xf32> to vector<1x1x16xf32>
        tpu.vector_store %arg8[%swap3A_814, %swap3A_815, %swap3A_816], %swap3A_819 {strides = array<i32>} : memref<4x200x64xf32, #tpu.memory_space<vmem>>, vector<1x1x16xf32>,
      }
      %scan3A_452 = arith.constant 200 : i32
      %add3A_453 = arith.constant 4 : i32
      %add3A_454 = arith.addi %add3A_411, %add3A_453 : i32
      %lt3A_455 = arith.constant 32 : i32
      %lt3A_456 = arith.cmpi slt, %add3A_454, %lt3A_455 : i32
      %convert_element_type3A_457 = arith.extui %lt3A_456 : i1 to i32
      %cond3A_458 = arith.constant 0 : i32
      %cond3A_459 = arith.cmpi ne, %convert_element_type3A_457, %cond3A_458 : i32
      scf.if %cond3A_459 {
        %add3A_479 = arith.constant 4 : i32
        %add3A_480 = arith.addi %add3A_411, %add3A_479 : i32
        %mul3A_481 = arith.constant 2 : i32
        %mul3A_482 = arith.muli %mul3A_481, %add3A_480 : i32
        %dma_start3A_483 = arith.constant 3 : i32
        %dma_start3A_484 = arith.constant 3 : i32
        %dma_start3A_485 = arith.constant 0 : i32
        %dma_start3A_486 = arith.constant 0 : i32
        %dma_start3A_487 = tpu.memref_slice %arg7[%dma_start3A_483, %dma_start3A_485, %dma_start3A_486] : memref<4x200x64xf32, #tpu.memory_space<vmem>> -> memref<1x100x64xf32, #tpu.memory_space<vmem>>
        %dma_start3A_488 = tpu.memref_squeeze %dma_start3A_487 : memref<1x100x64xf32, #tpu.memory_space<vmem>> -> memref<100x64xf32, #tpu.memory_space<vmem>>
        %dma_start3A_489 = arith.constant 0 : i32
        %dma_start3A_490 = tpu.memref_slice %arg6[%mul3A_482, %dma_start3A_489] : memref<64x100xi32, #tpu.memory_space<vmem>> -> memref<1x100xi32, #tpu.memory_space<vmem>>
        %dma_start3A_491 = tpu.memref_squeeze %dma_start3A_490 : memref<1x100xi32, #tpu.memory_space<vmem>> -> memref<100xi32, #tpu.memory_space<vmem>>
        %dma_start3A_492 = arith.constant 0 : i32
        %dma_start3A_493 = arith.constant 0 : i32
        %dma_start3A_494 = tpu.memref_slice %arg3[%dma_start3A_492, %dma_start3A_493] : memref<1000000x64xf32, #tpu.memory_space<hbm>> -> memref<1000000x64xf32, #tpu.memory_space<hbm>>
        %dma_start3A_495 = tpu.memref_slice %arg10[%dma_start3A_484] : memref<4x!tpu.dma_semaphore, #tpu.memory_space<semaphore_mem>> -> memref<1x!tpu.dma_semaphore, #tpu.memory_space<semaphore_mem>>
        %dma_start3A_496 = tpu.memref_squeeze %dma_start3A_495 : memref<1x!tpu.dma_semaphore, #tpu.memory_space<semaphore_mem>> -> memref<!tpu.dma_semaphore, #tpu.memory_space<semaphore_mem>>
        tpu.enqueue_indirect_dma source(%dma_start3A_494 : memref<1000000x64xf32, #tpu.memory_space<hbm>>) target(%dma_start3A_488 : memref<100x64xf32, #tpu.memory_space<vmem>>) offsets(%dma_start3A_491 : memref<100xi32, #tpu.memory_space<vmem>>) semaphore(%dma_start3A_496 : memref<!tpu.dma_semaphore, #tpu.memory_space<semaphore_mem>>)
        %mul3A_497 = arith.constant 2 : i32
        %mul3A_498 = arith.muli %mul3A_497, %add3A_480 : i32
        %add3A_499 = arith.constant 1 : i32
        %add3A_500 = arith.addi %mul3A_498, %add3A_499 : i32
        %dma_start3A_501 = arith.constant 3 : i32
        %dma_start3A_502 = arith.constant 3 : i32
        %dma_start3A_503 = arith.constant 100 : i32
        %dma_start3A_504 = arith.constant 0 : i32
        %dma_start3A_505 = tpu.memref_slice %arg7[%dma_start3A_501, %dma_start3A_503, %dma_start3A_504] : memref<4x200x64xf32, #tpu.memory_space<vmem>> -> memref<1x100x64xf32, #tpu.memory_space<vmem>>
        %dma_start3A_506 = tpu.memref_squeeze %dma_start3A_505 : memref<1x100x64xf32, #tpu.memory_space<vmem>> -> memref<100x64xf32, #tpu.memory_space<vmem>>
        %dma_start3A_507 = arith.constant 0 : i32
        %dma_start3A_508 = tpu.memref_slice %arg6[%add3A_500, %dma_start3A_507] : memref<64x100xi32, #tpu.memory_space<vmem>> -> memref<1x100xi32, #tpu.memory_space<vmem>>
        %dma_start3A_509 = tpu.memref_squeeze %dma_start3A_508 : memref<1x100xi32, #tpu.memory_space<vmem>> -> memref<100xi32, #tpu.memory_space<vmem>>
        %dma_start3A_510 = arith.constant 0 : i32
        %dma_start3A_511 = arith.constant 0 : i32
        %dma_start3A_512 = tpu.memref_slice %arg3[%dma_start3A_510, %dma_start3A_511] : memref<1000000x64xf32, #tpu.memory_space<hbm>> -> memref<1000000x64xf32, #tpu.memory_space<hbm>>
        %dma_start3A_513 = tpu.memref_slice %arg10[%dma_start3A_502] : memref<4x!tpu.dma_semaphore, #tpu.memory_space<semaphore_mem>> -> memref<1x!tpu.dma_semaphore, #tpu.memory_space<semaphore_mem>>
        %dma_start3A_514 = tpu.memref_squeeze %dma_start3A_513 : memref<1x!tpu.dma_semaphore, #tpu.memory_space<semaphore_mem>> -> memref<!tpu.dma_semaphore, #tpu.memory_space<semaphore_mem>>
        tpu.enqueue_indirect_dma source(%dma_start3A_512 : memref<1000000x64xf32, #tpu.memory_space<hbm>>) target(%dma_start3A_506 : memref<100x64xf32, #tpu.memory_space<vmem>>) offsets(%dma_start3A_509 : memref<100xi32, #tpu.memory_space<vmem>>) semaphore(%dma_start3A_514 : memref<!tpu.dma_semaphore, #tpu.memory_space<semaphore_mem>>)
      } else {
      }
      %mul3A_460 = arith.constant 200 : i32
      %mul3A_461 = arith.muli %add3A_411, %mul3A_460 : i32
      %add3A_462 = arith.addi %mul3A_2, %mul3A_461 : i32
      %dma_start3A_463 = arith.constant 3 : i32
      %dma_start3A_464 = arith.constant 3 : i32
      %dma_start3A_465 = arith.constant 0 : i32
      %dma_start3A_466 = arith.constant 0 : i32
      %dma_start3A_467 = tpu.memref_slice %arg8[%dma_start3A_463, %dma_start3A_465, %dma_start3A_466] : memref<4x200x64xf32, #tpu.memory_space<vmem>> -> memref<1x200x64xf32, #tpu.memory_space<vmem>>
      %dma_start3A_468 = tpu.memref_squeeze %dma_start3A_467 : memref<1x200x64xf32, #tpu.memory_space<vmem>> -> memref<200x64xf32, #tpu.memory_space<vmem>>
      %dma_start3A_469 = arith.constant 0 : i32
      %dma_start3A_470 = tpu.memref_slice %arg5[%add3A_462, %dma_start3A_469] : memref<204800x64xf32, #tpu.memory_space<hbm>> -> memref<200x64xf32, #tpu.memory_space<hbm>>
      %dma_start3A_471 = tpu.memref_slice %arg11[%dma_start3A_464] : memref<4x!tpu.dma_semaphore, #tpu.memory_space<semaphore_mem>> -> memref<1x!tpu.dma_semaphore, #tpu.memory_space<semaphore_mem>>
      %dma_start3A_472 = tpu.memref_squeeze %dma_start3A_471 : memref<1x!tpu.dma_semaphore, #tpu.memory_space<semaphore_mem>> -> memref<!tpu.dma_semaphore, #tpu.memory_space<semaphore_mem>>
      %dma_start3A_473 = arith.constant 0 : i32
      %dma_start3A_474 = tpu.memref_slice %arg5[%add3A_462, %dma_start3A_473] : memref<204800x64xf32, #tpu.memory_space<hbm>> -> memref<200x64xf32, #tpu.memory_space<hbm>>
      %dma_start3A_475 = arith.constant 0 : i32
      %dma_start3A_476 = arith.constant 0 : i32
      %dma_start3A_477 = tpu.memref_slice %arg8[%dma_start3A_463, %dma_start3A_475, %dma_start3A_476] : memref<4x200x64xf32, #tpu.memory_space<vmem>> -> memref<1x200x64xf32, #tpu.memory_space<vmem>>
      %dma_start3A_478 = tpu.memref_squeeze %dma_start3A_477 : memref<1x200x64xf32, #tpu.memory_space<vmem>> -> memref<200x64xf32, #tpu.memory_space<vmem>>
      tpu.enqueue_dma source(%dma_start3A_478 : memref<200x64xf32, #tpu.memory_space<vmem>>) target(%dma_start3A_474 : memref<200x64xf32, #tpu.memory_space<hbm>>) target_semaphore(%dma_start3A_472 : memref<!tpu.dma_semaphore, #tpu.memory_space<semaphore_mem>>)
    }
    %scan3A_126 = arith.constant 8 : i32
    %dma_wait3A = arith.constant 0 : i32
    %dma_wait3A_127 = arith.constant 0 : i32
    %dma_wait3A_128 = arith.constant 0 : i32
    %dma_wait3A_129 = arith.constant 0 : i32
    %dma_wait3A_130 = tpu.memref_slice %arg8[%dma_wait3A, %dma_wait3A_128, %dma_wait3A_129] : memref<4x200x64xf32, #tpu.memory_space<vmem>> -> memref<1x200x64xf32, #tpu.memory_space<vmem>>
    %dma_wait3A_131 = tpu.memref_squeeze %dma_wait3A_130 : memref<1x200x64xf32, #tpu.memory_space<vmem>> -> memref<200x64xf32, #tpu.memory_space<vmem>>
    %dma_wait3A_132 = arith.constant 0 : i32
    %dma_wait3A_133 = arith.constant 0 : i32
    %dma_wait3A_134 = tpu.memref_slice %arg5[%dma_wait3A_132, %dma_wait3A_133] : memref<204800x64xf32, #tpu.memory_space<hbm>> -> memref<200x64xf32, #tpu.memory_space<hbm>>
    %dma_wait3A_135 = tpu.memref_slice %arg11[%dma_wait3A_127] : memref<4x!tpu.dma_semaphore, #tpu.memory_space<semaphore_mem>> -> memref<1x!tpu.dma_semaphore, #tpu.memory_space<semaphore_mem>>
    %dma_wait3A_136 = tpu.memref_squeeze %dma_wait3A_135 : memref<1x!tpu.dma_semaphore, #tpu.memory_space<semaphore_mem>> -> memref<!tpu.dma_semaphore, #tpu.memory_space<semaphore_mem>>
    %dma_wait3A_137 = arith.constant 0 : i32
    %dma_wait3A_138 = arith.constant 0 : i32
    %dma_wait3A_139 = tpu.memref_slice %arg5[%dma_wait3A_137, %dma_wait3A_138] : memref<204800x64xf32, #tpu.memory_space<hbm>> -> memref<200x64xf32, #tpu.memory_space<hbm>>
    %dma_wait3A_140 = arith.constant 0 : i32
    %dma_wait3A_141 = arith.constant 0 : i32
    %dma_wait3A_142 = tpu.memref_slice %arg8[%dma_wait3A, %dma_wait3A_140, %dma_wait3A_141] : memref<4x200x64xf32, #tpu.memory_space<vmem>> -> memref<1x200x64xf32, #tpu.memory_space<vmem>>
    %dma_wait3A_143 = tpu.memref_squeeze %dma_wait3A_142 : memref<1x200x64xf32, #tpu.memory_space<vmem>> -> memref<200x64xf32, #tpu.memory_space<vmem>>
    tpu.wait_dma2 semaphore(%dma_wait3A_136 : memref<!tpu.dma_semaphore, #tpu.memory_space<semaphore_mem>>) src(%dma_wait3A_143 : memref<200x64xf32, #tpu.memory_space<vmem>>) dst(%dma_wait3A_139 : memref<200x64xf32, #tpu.memory_space<hbm>>)
    %dma_wait3A_144 = arith.constant 1 : i32
    %dma_wait3A_145 = arith.constant 1 : i32
    %dma_wait3A_146 = arith.constant 0 : i32
    %dma_wait3A_147 = arith.constant 0 : i32
    %dma_wait3A_148 = tpu.memref_slice %arg8[%dma_wait3A_144, %dma_wait3A_146, %dma_wait3A_147] : memref<4x200x64xf32, #tpu.memory_space<vmem>> -> memref<1x200x64xf32, #tpu.memory_space<vmem>>
    %dma_wait3A_149 = tpu.memref_squeeze %dma_wait3A_148 : memref<1x200x64xf32, #tpu.memory_space<vmem>> -> memref<200x64xf32, #tpu.memory_space<vmem>>
    %dma_wait3A_150 = arith.constant 0 : i32
    %dma_wait3A_151 = arith.constant 0 : i32
    %dma_wait3A_152 = tpu.memref_slice %arg5[%dma_wait3A_150, %dma_wait3A_151] : memref<204800x64xf32, #tpu.memory_space<hbm>> -> memref<200x64xf32, #tpu.memory_space<hbm>>
    %dma_wait3A_153 = tpu.memref_slice %arg11[%dma_wait3A_145] : memref<4x!tpu.dma_semaphore, #tpu.memory_space<semaphore_mem>> -> memref<1x!tpu.dma_semaphore, #tpu.memory_space<semaphore_mem>>
    %dma_wait3A_154 = tpu.memref_squeeze %dma_wait3A_153 : memref<1x!tpu.dma_semaphore, #tpu.memory_space<semaphore_mem>> -> memref<!tpu.dma_semaphore, #tpu.memory_space<semaphore_mem>>
    %dma_wait3A_155 = arith.constant 0 : i32
    %dma_wait3A_156 = arith.constant 0 : i32
    %dma_wait3A_157 = tpu.memref_slice %arg5[%dma_wait3A_155, %dma_wait3A_156] : memref<204800x64xf32, #tpu.memory_space<hbm>> -> memref<200x64xf32, #tpu.memory_space<hbm>>
    %dma_wait3A_158 = arith.constant 0 : i32
    %dma_wait3A_159 = arith.constant 0 : i32
    %dma_wait3A_160 = tpu.memref_slice %arg8[%dma_wait3A_144, %dma_wait3A_158, %dma_wait3A_159] : memref<4x200x64xf32, #tpu.memory_space<vmem>> -> memref<1x200x64xf32, #tpu.memory_space<vmem>>
    %dma_wait3A_161 = tpu.memref_squeeze %dma_wait3A_160 : memref<1x200x64xf32, #tpu.memory_space<vmem>> -> memref<200x64xf32, #tpu.memory_space<vmem>>
    tpu.wait_dma2 semaphore(%dma_wait3A_154 : memref<!tpu.dma_semaphore, #tpu.memory_space<semaphore_mem>>) src(%dma_wait3A_161 : memref<200x64xf32, #tpu.memory_space<vmem>>) dst(%dma_wait3A_157 : memref<200x64xf32, #tpu.memory_space<hbm>>)
    %dma_wait3A_162 = arith.constant 2 : i32
    %dma_wait3A_163 = arith.constant 2 : i32
    %dma_wait3A_164 = arith.constant 0 : i32
    %dma_wait3A_165 = arith.constant 0 : i32
    %dma_wait3A_166 = tpu.memref_slice %arg8[%dma_wait3A_162, %dma_wait3A_164, %dma_wait3A_165] : memref<4x200x64xf32, #tpu.memory_space<vmem>> -> memref<1x200x64xf32, #tpu.memory_space<vmem>>
    %dma_wait3A_167 = tpu.memref_squeeze %dma_wait3A_166 : memref<1x200x64xf32, #tpu.memory_space<vmem>> -> memref<200x64xf32, #tpu.memory_space<vmem>>
    %dma_wait3A_168 = arith.constant 0 : i32
    %dma_wait3A_169 = arith.constant 0 : i32
    %dma_wait3A_170 = tpu.memref_slice %arg5[%dma_wait3A_168, %dma_wait3A_169] : memref<204800x64xf32, #tpu.memory_space<hbm>> -> memref<200x64xf32, #tpu.memory_space<hbm>>
    %dma_wait3A_171 = tpu.memref_slice %arg11[%dma_wait3A_163] : memref<4x!tpu.dma_semaphore, #tpu.memory_space<semaphore_mem>> -> memref<1x!tpu.dma_semaphore, #tpu.memory_space<semaphore_mem>>
    %dma_wait3A_172 = tpu.memref_squeeze %dma_wait3A_171 : memref<1x!tpu.dma_semaphore, #tpu.memory_space<semaphore_mem>> -> memref<!tpu.dma_semaphore, #tpu.memory_space<semaphore_mem>>
    %dma_wait3A_173 = arith.constant 0 : i32
    %dma_wait3A_174 = arith.constant 0 : i32
    %dma_wait3A_175 = tpu.memref_slice %arg5[%dma_wait3A_173, %dma_wait3A_174] : memref<204800x64xf32, #tpu.memory_space<hbm>> -> memref<200x64xf32, #tpu.memory_space<hbm>>
    %dma_wait3A_176 = arith.constant 0 : i32
    %dma_wait3A_177 = arith.constant 0 : i32
    %dma_wait3A_178 = tpu.memref_slice %arg8[%dma_wait3A_162, %dma_wait3A_176, %dma_wait3A_177] : memref<4x200x64xf32, #tpu.memory_space<vmem>> -> memref<1x200x64xf32, #tpu.memory_space<vmem>>
    %dma_wait3A_179 = tpu.memref_squeeze %dma_wait3A_178 : memref<1x200x64xf32, #tpu.memory_space<vmem>> -> memref<200x64xf32, #tpu.memory_space<vmem>>
    tpu.wait_dma2 semaphore(%dma_wait3A_172 : memref<!tpu.dma_semaphore, #tpu.memory_space<semaphore_mem>>) src(%dma_wait3A_179 : memref<200x64xf32, #tpu.memory_space<vmem>>) dst(%dma_wait3A_175 : memref<200x64xf32, #tpu.memory_space<hbm>>)
    %dma_wait3A_180 = arith.constant 3 : i32
    %dma_wait3A_181 = arith.constant 3 : i32
    %dma_wait3A_182 = arith.constant 0 : i32
    %dma_wait3A_183 = arith.constant 0 : i32
    %dma_wait3A_184 = tpu.memref_slice %arg8[%dma_wait3A_180, %dma_wait3A_182, %dma_wait3A_183] : memref<4x200x64xf32, #tpu.memory_space<vmem>> -> memref<1x200x64xf32, #tpu.memory_space<vmem>>
    %dma_wait3A_185 = tpu.memref_squeeze %dma_wait3A_184 : memref<1x200x64xf32, #tpu.memory_space<vmem>> -> memref<200x64xf32, #tpu.memory_space<vmem>>
    %dma_wait3A_186 = arith.constant 0 : i32
    %dma_wait3A_187 = arith.constant 0 : i32
    %dma_wait3A_188 = tpu.memref_slice %arg5[%dma_wait3A_186, %dma_wait3A_187] : memref<204800x64xf32, #tpu.memory_space<hbm>> -> memref<200x64xf32, #tpu.memory_space<hbm>>
    %dma_wait3A_189 = tpu.memref_slice %arg11[%dma_wait3A_181] : memref<4x!tpu.dma_semaphore, #tpu.memory_space<semaphore_mem>> -> memref<1x!tpu.dma_semaphore, #tpu.memory_space<semaphore_mem>>
    %dma_wait3A_190 = tpu.memref_squeeze %dma_wait3A_189 : memref<1x!tpu.dma_semaphore, #tpu.memory_space<semaphore_mem>> -> memref<!tpu.dma_semaphore, #tpu.memory_space<semaphore_mem>>
    %dma_wait3A_191 = arith.constant 0 : i32
    %dma_wait3A_192 = arith.constant 0 : i32
    %dma_wait3A_193 = tpu.memref_slice %arg5[%dma_wait3A_191, %dma_wait3A_192] : memref<204800x64xf32, #tpu.memory_space<hbm>> -> memref<200x64xf32, #tpu.memory_space<hbm>>
    %dma_wait3A_194 = arith.constant 0 : i32
    %dma_wait3A_195 = arith.constant 0 : i32
    %dma_wait3A_196 = tpu.memref_slice %arg8[%dma_wait3A_180, %dma_wait3A_194, %dma_wait3A_195] : memref<4x200x64xf32, #tpu.memory_space<vmem>> -> memref<1x200x64xf32, #tpu.memory_space<vmem>>
    %dma_wait3A_197 = tpu.memref_squeeze %dma_wait3A_196 : memref<1x200x64xf32, #tpu.memory_space<vmem>> -> memref<200x64xf32, #tpu.memory_space<vmem>>
    tpu.wait_dma2 semaphore(%dma_wait3A_190 : memref<!tpu.dma_semaphore, #tpu.memory_space<semaphore_mem>>) src(%dma_wait3A_197 : memref<200x64xf32, #tpu.memory_space<vmem>>) dst(%dma_wait3A_193 : memref<200x64xf32, #tpu.memory_space<hbm>>)
    return
  }
}

</mosaic_0001>

<sc_bundles>
// kernel: kernel.3.cloned.1.call-start
scs
__scs_entry_jumppad:
0x0: {  	(pc) =	sbr.rel $0x88, $3  }
0x1: {  	(tag) =	ssettag $0x0;
	lr =	simm.s32 $0x1  }
0x2: {  	[smem:$0x3F9F] =	sst lr;
	_ =	strace $0xD0000000  }
0x3: {  	_ = 	snop  }
0x4: {  	_ = 	snop  }
0x5: {  	_ = 	snop  }
0x6: {  	_ = 	snop  }
0x7: {  	_ = 	snop  }
__scs_overlays_trampoline_lowered:
0x8: {  	[smem:$0x3FAE] =	sst s0  }
0x9: {  	[smem:$0x3FAF] =	sst s1  }
0xa: {  	[smem:$0x3FB0] =	sst s2  }
0xb: {  	[smem:$0x3FB1] =	sst s3  }
0xc: {  	[smem:$0x3FB2] =	sst s4  }
0xd: {  	[smem:$0x3FB3] =	sst s5  }
0xe: {  	[smem:$0x3FB4] =	sst s6  }
0xf: {  	[smem:$0x3FB5] =	sst s7  }
0x10: {  	[smem:$0x3FB6] =	sst s8  }
0x11: {  	[smem:$0x3FB7] =	sst s9;
	s0 =	simm.s32 @!p0 $0x0  }
0x12: {  	s1 =	sld [smem:$0x3F9D];
	s0 =	simm.s32 @p0 $0x1  }
0x13: {  	[smem:$0x3FB8] =	sst s0;
	s0 =	simm.s32 @!p1 $0x0  }
0x14: {  	s2 =	sld [smem:$0x3F9C];
	s0 =	simm.s32 @p1 $0x1  }
0x15: {  	[smem:$0x3FB9] =	sst s0;
	s0 =	simm.s32 @!p2 $0x0  }
0x16: {  	s3 =	sld [smem:$0x3FDB];
	s0 =	simm.s32 @p2 $0x1  }
0x17: {  	s4 =	simm.s32 $0x1BF5;
	[smem:$0x3FBB] =	sst s0  }
0x18: {  	s0 =	sld [smem:$0x3F9E];
	_ =	swait.ge [sflag:s4], $0x0  }
0x19: {  	s7 =	sld [smem:$0x3F9F]  }
0x1a: {  	s8 =	sadd.s32 $0xFFFFE003, lr  }
0x1b: {  	s9 =	sadd.s32 $0xFFFFFEF7, lr;
	s5 =	simm.s32 $0xFFFFFFFF;
	p2 =	slt.u32 s8, $0xFFFFF086  }
0x1c: {  	p1 =	slt.u32 s9, $0xF7A;
	s5 =	simm.s32 @!p2 $0x0  }
0x1d: {  	s5 =	simm.s32 @p1 $0x1;
	p0 =	seq.s32 s7, s2  }
0x1e: {  	s7 =	smul.u32 @!p0 $0xF7A, s2;
	p2 =	seq.s32 @!p0 s5, $0x0  }
0x1f: {  	s9 =	smul.u32 $0xF7A, s1;
	s8 =	simm.s32 @!p0 $0x1BF5;
	p2 =	por !p2, p0  }
0x20: {  	[sflag:s8] =	ssyncset.s32 @!p0 $0xFFFFF086;
	s6 =	sadd.s32 @!p0 s3, s7;
	s7 =	simm.s32 @!p0 $0x108  }
0x21: {  	s3 =	sadd.s32 s3, s9;
	s6 =	sadd.s32 @!p0 $0x88, s6;
	s7 =	simm.s32 @p2 $0x1082  }
0x22: {  	[simem:s7], [sflag:s8] =	dma.local @!p0 [hbm:s6], $0xF7A  }
0x23: {  	s9 =	sor.u32 $0xD0000000, s2;
	s6 =	simm.s32 $0x108;
	_ =	swait.ge @!p0 [sflag:s8], $0x0  }
0x24: {  	s3 =	sadd.s32 $0x88, s3;
	s6 =	simm.s32 @!p1 $0x1082;
	[sflag:s4] =	ssyncset.s32 $0xFFFFF086  }
0x25: {  	[simem:s6], [sflag:s4] =	dma.local [hbm:s3], $0xF7A  }
0x26: {  	[smem:$0x3F9F] =	sst s1;
	(tag) =	ssettag s2;
	_ =	strace s9  }
0x27: {  	s1 =	sld [smem:$0x3FAF]  }
0x28: {  	s2 =	sld [smem:$0x3FB0]  }
0x29: {  	s4 =	sld [smem:$0x3FB2]  }
0x2a: {  	p0 =	seq.s32 s5, $0x0;
	s5 =	sld [smem:$0x3FB3]  }
0x2b: {  	s6 =	sld [smem:$0x3FB4]  }
0x2c: {  	s7 =	sld [smem:$0x3FB5]  }
0x2d: {  	s3 =	simm.s32 $0x108;
	s8 =	sld [smem:$0x3FB6]  }
0x2e: {  	s3 =	simm.s32 @!p0 $0x1082;
	s9 =	sld [smem:$0x3FB7]  }
0x2f: {  	lr =	sadd.s32 s0, s3;
	s0 =	sld [smem:$0x3FAE]  }
0x30: {  	s3 =	sld [smem:$0x3FB1]  }
0x31: {  	[smem:$0x3FBA] =	sst s10  }
0x32: {  	s10 =	sld [smem:$0x3FB8];
	_ =	sdelay $0x3  }
0x33: {  	p0 =	seq.s32 s10, $0x1;
	s10 =	sld [smem:$0x3FBA];
	_ =	sdelay $0x3  }
0x34: {  	[smem:$0x3FBA] =	sst s10  }
0x35: {  	s10 =	sld [smem:$0x3FB9];
	_ =	sdelay $0x3  }
0x36: {  	p1 =	seq.s32 s10, $0x1;
	s10 =	sld [smem:$0x3FBA];
	_ =	sdelay $0x3  }
0x37: {  	[smem:$0x3FBA] =	sst s10  }
0x38: {  	s10 =	sld [smem:$0x3FBB]  }
0x39: {  	_ = 	snop;
	(pc) =	sbr.ind lr, $3  }
0x3a: {  	_ = 	snop  }
0x3b: {  	_ = 	snop  }
0x3c: {  	p2 =	seq.s32 s10, $0x1;
	s10 =	sld [smem:$0x3FBA]  }
0x3d: {  	_ =	shalt  }
0x3e: {  	_ =	shalt  }
0x3f: {  	_ =	shalt  }
0x40: {  	_ =	shalt  }
0x41: {  	_ =	shalt  }
0x42: {  	_ =	shalt  }
0x43: {  	_ =	shalt  }
0x44: {  	_ =	shalt  }
0x45: {  	_ =	shalt  }
0x46: {  	_ =	shalt  }
0x47: {  	_ =	shalt  }
0x48: {  	_ =	shalt  }
0x49: {  	_ =	shalt  }
0x4a: {  	_ =	shalt  }
0x4b: {  	_ =	shalt  }
0x4c: {  	_ =	shalt  }
0x4d: {  	_ =	shalt  }
0x4e: {  	_ =	shalt  }
0x4f: {  	_ =	shalt  }
0x50: {  	_ =	shalt  }
0x51: {  	_ =	shalt  }
0x52: {  	_ =	shalt  }
0x53: {  	_ =	shalt  }
0x54: {  	_ =	shalt  }
0x55: {  	_ =	shalt  }
0x56: {  	_ =	shalt  }
0x57: {  	_ =	shalt  }
0x58: {  	_ =	shalt  }
0x59: {  	_ =	shalt  }
0x5a: {  	_ =	shalt  }
0x5b: {  	_ =	shalt  }
0x5c: {  	_ =	shalt  }
0x5d: {  	_ =	shalt  }
0x5e: {  	_ =	shalt  }
0x5f: {  	_ =	shalt  }
0x60: {  	_ =	shalt  }
0x61: {  	_ =	shalt  }
0x62: {  	_ =	shalt  }
0x63: {  	_ =	shalt  }
0x64: {  	_ =	shalt  }
0x65: {  	_ =	shalt  }
0x66: {  	_ =	shalt  }
0x67: {  	_ =	shalt  }
0x68: {  	_ =	shalt  }
0x69: {  	_ =	shalt  }
0x6a: {  	_ =	shalt  }
0x6b: {  	_ =	shalt  }
0x6c: {  	_ =	shalt  }
0x6d: {  	_ =	shalt  }
0x6e: {  	_ =	shalt  }
0x6f: {  	_ =	shalt  }
0x70: {  	_ =	shalt  }
0x71: {  	_ =	shalt  }
0x72: {  	_ =	shalt  }
0x73: {  	_ =	shalt  }
0x74: {  	_ =	shalt  }
0x75: {  	_ =	shalt  }
0x76: {  	_ =	shalt  }
0x77: {  	_ =	shalt  }
0x78: {  	_ =	shalt  }
0x79: {  	_ =	shalt  }
0x7a: {  	_ =	shalt  }
0x7b: {  	_ =	shalt  }
0x7c: {  	_ =	shalt  }
0x7d: {  	_ =	shalt  }
0x7e: {  	_ =	shalt  }
0x7f: {  	_ =	shalt  }
0x80: {  	_ =	shalt  }
0x81: {  	_ =	shalt  }
0x82: {  	_ =	shalt  }
0x83: {  	_ =	shalt  }
0x84: {  	_ =	shalt  }
0x85: {  	_ =	shalt  }
0x86: {  	_ =	shalt  }
0x87: {  	_ =	shalt  }
.Lfunc_end0:
.L_simem_size_0:
called_computation.1_lowered:
.L_overlay_start_0:
0x88: {  	s2 =	sld [smem:$0x3FD9]  }
0x89: {  	s3 =	sld [smem:$0x3FFE];
	_ =	sdelay $0x1  }
0x8a: {  	s1 =	srdreg.scid  }
0x8b: {  	s0 =	sand.u32 $0x1, s1  }
0x8c: {  	s17 =	sshll.u32 s0, $0xA;
	s2 =	sadd.s32 s3, s2  }
0x8d: {  	s2 =	sadd.s32 s2, s17  }
0x8e: {  	[smem:$0x3FC6] =	sst s2  }
0x8f: {  	_ = 	snop  }
0x90: {  	s2 =	sld [smem:$0x3FD0];
	(tm) =	ssettm $0x1  }
0x91: {  	s18 =	sld [smem:$0x3FFB];
	_ =	sdelay $0x3  }
0x92: {  	_ =	strace s18  }
0x93: {  	s3 =	sld [smem:$0x3FFC];
	_ =	sdelay $0x3  }
0x94: {  	_ =	strace s3  }
0x95: {  	s3 =	sld [smem:$0x3FFD];
	_ =	sdelay $0x3  }
0x96: {  	_ =	strace s3  }
0x97: {  	_ =	strace $0x8FFFFFFF  }
0x98: {  	s19 =	sld [smem:$0x3FDB];
	_ =	sdelay $0x1  }
0x99: {  	s4 =	simm.s32 $_scs_section_size  }
0x9a: {  	s5 =	simm.s32 $_size__tile_overlayer_lowered;
	s6 =	simm.s32 $_tile_overlayer_lowered  }
0x9b: {  	s22 =	simm.s32 $0x1BFF;
	s21 =	sshll.u32 s6, $0x1;
	s3 =	sadd.s32 s4, s19  }
0x9c: {  	s7 =	simm.s32 $0x0;
	s20 =	sshll.u32 s5, $0x1;
	s5 =	sadd.s32 s21, s3  }
0x9d: {  	[timem:s7], [sflag:s22] =	dma.local [hbm:s5], s20  }
0x9e: {  	_ =	swait.ge [sflag:s22], s20  }
0x9f: {  	s4 =	ssub.s32 $0x0, s20;
	[sflag:s22] =	ssyncset.done $0x0  }
0xa0: {  	[sflag:s22] =	ssyncadd.s32 s4;
	_ =	sdelay $0x1  }
0xa1: {  	s23 =	simm.s32 $0x1B8B  }
0xa2: {  	_ =	swait.ge [sflag:s23], $0x1  }
0xa3: {  	[sflag:s23] =	ssyncset.done $0x0  }
0xa4: {  	s25 =	simm.s32 $0x1B8E;
	s24 =	sld [smem:$0x3FFE];
	[sflag:s23] =	ssyncadd.s32 $0xFFFFFFFF  }
0xa5: {  	s26 =	simm.s32 $execute0_lowered;
	[smem:$0x3FD2] =	sst s25  }
0xa6: {  	s5 =	sshll.u32 s26, $0x1;
	_ =	strace $0x80000046;
	[dreg:$0x1] =	wrdreg $0xFFFFFFFF  }
0xa7: {  	s28 =	simm.s32 $_size_execute0_lowered;
	s3 =	sadd.s32 s3, s5;
	[dreg:$0x0] =	wrdreg $0x0  }
0xa8: {  	s5 =	sshll.u32 s28, $0x1;
	[dreg:$0x2] =	wrdreg s3  }
0xa9: {  	[dreg:$0x3] =	wrdreg s5  }
0xaa: {  	[dreg:$0x4] =	wrdreg $0xC0  }
0xab: {  	_ =	task [dreg:s7], $0x5FFFF  }
0xac: {  	[dreg:$0x1] =	wrdreg $0xFFFFFFFF  }
0xad: {  	[dreg:$0x0] =	wrdreg $0x60  }
0xae: {  	[dreg:$0x2] =	wrdreg s24  }
0xaf: {  	[dreg:$0x3] =	wrdreg s2  }
0xb0: {  	[dreg:$0x4] =	wrdreg $0x9  }
0xb1: {  	_ =	task.clear_ibuf [dreg:s7], $0x5FFFF;
	_ =	strace $0x90000046  }
0xb2: {  	s29 =	simm.s32 $0x9;
	_ =	strace $0x80000048  }
0xb3: {  	_ =	swait.ge [sflag:s29], $0x1  }
0xb4: {  	[sflag:s29] =	ssyncadd.s32 $0xFFFFFFFF  }
0xb5: {  	_ =	strace $0x90000048  }
0xb6: {  	_ =	sfence  }
0xb7: {  	s30 =	sld [smem:$0x0];
	_ =	sdelay $0x2  }
0xb8: {  	s31 =	sshll.u32 s1, $0xD;
	s1 =	sshrl.u32 s1, $0x2  }
0xb9: {  	s3 =	sand.u32 $0x4000, s31;
	s1 =	sadd.s32 s1, s30  }
0xba: {  	s0 =	sor.u32 s3, s0;
	s1 =	sshll.u32 s1, $0x11  }
0xbb: {  	s0 =	sor.u32 s1, s0  }
0xbc: {  	s0 =	sadd.s32 $0x8F2B, s0  }
0xbd: {  	[sflag:s0] =	ssyncadd.remote.s32 $0x1  }
0xbe: {  	_ =	sfence.sel $0xFFFF  }
0xbf: {  	[dreg:$0x0] =	wrdreg $0xFFFFFFFF;
	(pc) =	sbr.abs _section_cstart, $3  }
0xc0: {  	[dreg:$0x1] =	wrdreg $0xFFFFFFFF  }
0xc1: {  	_ =	task.clear_ibuf [dreg:s7], $0x2FFFF;
	_ =	strace $0x9FFFFFFF  }
0xc2: {  	(tm) =	ssettm $0x7FFFFFFF  }
0xc3: {  	_ =	shalt  }
tec
execute0_lowered:
.L_overlay_start_1:
0x0: {  	(tag) =	ssettag $0x1  }
0x1: {  	s0 =	rddreg [dreg:$0x0];
	s1 =	srdreg.scid  }
0x2: {  	s3 =	stileid.u32;
	s2 =	rddreg [dreg:$0x1]  }
0x3: {  	s13 =	simm.s32 $0x9;
	s14 =	simm.s32 $0x64;
	s31 =	simm.s32 $0x1  }
0x4: {  	s12 =	simm.s32 $0x11400;
	s15 =	simm.s32 $0x3;
	s16 =	simm.s32 $0x14600  }
0x5: {  	s17 =	simm.s32 $0x4;
	s18 =	simm.s32 $0x17800;
	s19 =	simm.s32 $0x5  }
0x6: {  	s20 =	simm.s32 $0x6;
	s21 =	simm.s32 $0x7;
	s22 =	simm.s32 $0x8  }
0x7: {  	s23 =	simm.s32 $0x0;
	s1 =	sand.u32 $0x1, s1;
	s4 =	sshll.u32 s3, $0x1  }
0x8: {  	s3 =	simm.s32 $0x0;
	s4 =	sor.u32 s1, s4;
	s1 =	ssub.s32 $0x2, s1  }
0x9: {  	[smem:$0x7FF] =	sst s3;
	s5 =	smul.u32 $0x340, s4;
	s7 =	sshrl.u32 s1, $0x1  }
0xa: {  	_ =	strace $0x80000047;
	s4 =	smul.u32 $0x1900, s4;
	s29 =	ssub.s32 s1, s7  }
0xb: {  	s1 =	simm.s32 $0xE200;
	s6 =	sadd.s32 s5, s0;
	s5 =	sadd.s32 $0xF43000, s0  }
0xc: {  	s0 =	sadd.s32 $0x7400, s0;
	s8 =	sor.u32 $0xC8, s4;
	s9 =	sadd.s32 $0x190, s4  }
0xd: {  	s10 =	sadd.s32 $0x258, s4;
	[dreg:$0x3] =	wrdreg s0;
	s30 =	sadd.s32 $0xC00, s6  }
0xe: {  	s11 =	smax.u32 s29, $0x1;
	s0 =	simm.s32 $0x2;
	[dreg:$0x4] =	wrdreg s30  }
.LBB2_1:
0xf: {  	s6 =	rddreg [dreg:$0x3];
	s7 =	simm.s32 $0x1AA00  }
0x10: {  	[tilespmem:s7], [sflag:$0x9] =	stream.linear.gather [hbm4b:s6+s3], $0x3200, $0x38;
	[tilespmem:$0x1DC00] =	vst v63  }
0x11: {  	_ =	swait.ge [sflag:s13], $0x3200  }
0x12: {  	[sflag:s13] =	ssyncset.done $0x0  }
0x13: {  	s26 =	rddreg [dreg:$0x4];
	[sflag:s13] =	ssyncadd.s32 $0xFFFFCE00  }
0x14: {  	[tilespmem:s3], [sflag:$0x9] =	stream.linear.gather [hbm4b:s26+s3], $0x1A00, $0x38;
	[tilespmem:$0x1DC00] =	vst v63  }
0x15: {  	_ =	swait.ge [sflag:s13], $0x1A00  }
0x16: {  	[sflag:s13] =	ssyncset.done $0x0  }
0x17: {  	s28 =	simm.s32 $0x1A00;
	[sflag:s13] =	ssyncadd.s32 $0xFFFFE600  }
0x18: {  	[tilespmem:s28], [sflag:$0x1] =	stream.indirect.gather [hbm4b:s5+s14], $0x40, s3, s14, $0xb8;
	[tilespmem:$0x1DC00] =	vst v63  }
0x19: {  	s29 =	simm.s32 $0x68;
	s30 =	simm.s32 $0x3300  }
0x1a: {  	[tilespmem:s30], [sflag:$0x1] =	stream.indirect.gather [hbm4b:s5+s14], $0x40, s29, s14, $0xb8;
	[tilespmem:$0x1DC00] =	vst v63  }
0x1b: {  	s24 =	simm.s32 $0xD0;
	s25 =	simm.s32 $0x4C00  }
0x1c: {  	[tilespmem:s25], [sflag:$0x2] =	stream.indirect.gather [hbm4b:s5+s14], $0x40, s24, s14, $0xb8;
	[tilespmem:$0x1DC00] =	vst v63  }
0x1d: {  	s26 =	simm.s32 $0x138;
	s28 =	simm.s32 $0x6500  }
0x1e: {  	[tilespmem:s28], [sflag:$0x2] =	stream.indirect.gather [hbm4b:s5+s14], $0x40, s26, s14, $0xb8;
	[tilespmem:$0x1DC00] =	vst v63  }
0x1f: {  	s29 =	simm.s32 $0x1A0;
	s30 =	simm.s32 $0x7E00  }
0x20: {  	[tilespmem:s30], [sflag:$0x3] =	stream.indirect.gather [hbm4b:s5+s14], $0x40, s29, s14, $0xb8;
	[tilespmem:$0x1DC00] =	vst v63  }
0x21: {  	s24 =	simm.s32 $0x208;
	s25 =	simm.s32 $0x9700  }
0x22: {  	[tilespmem:s25], [sflag:$0x3] =	stream.indirect.gather [hbm4b:s5+s14], $0x40, s24, s14, $0xb8;
	[tilespmem:$0x1DC00] =	vst v63  }
0x23: {  	s26 =	simm.s32 $0x270;
	s28 =	simm.s32 $0xB000  }
0x24: {  	[tilespmem:s28], [sflag:$0x4] =	stream.indirect.gather [hbm4b:s5+s14], $0x40, s26, s14, $0xb8;
	[tilespmem:$0x1DC00] =	vst v63  }
0x25: {  	s29 =	simm.s32 $0x2D8;
	s30 =	simm.s32 $0xC900;
	s24 =	simm.s32 $0x0  }
0x26: {  	[tilespmem:s30], [sflag:$0x4] =	stream.indirect.gather [hbm4b:s5+s14], $0x40, s29, s14, $0xb8;
	[tilespmem:$0x1DC00] =	vst v63  }
.LBB2_2:
0x27: {  	_ =	swait.ge [sflag:s31], $0x1900  }
0x28: {  	[sflag:s31] =	ssyncset.done $0x0  }
0x29: {  	[sflag:s31] =	ssyncadd.s32 $0xFFFFE700  }
0x2a: {  	_ =	swait.ge [sflag:s31], $0x1900  }
0x2b: {  	p0 =	seq.s32 s24, $0x0;
	[sflag:s31] =	ssyncset.done $0x0  }
0x2c: {  	s6 =	simm.s32 @!p0 $0x5;
	[sflag:s31] =	ssyncadd.s32 $0xFFFFE700  }
0x2d: {  	_ =	swait.ge @!p0 [sflag:s6], $0x3200  }
0x2e: {  	[sflag:s6] =	ssyncset.done @!p0 $0x0  }
0x2f: {  	s25 =	simm.s32 $0x1A80;
	[sflag:s6] =	ssyncadd.s32 @!p0 $0xFFFFCE00  }
0x30: {  	v0 =	vld [tilespmem:s25+$0xFFFFFF80]  }
0x31: {  	s26 =	simm.s32 $0x1AA80  }
0x32: {  	v1 =	vld [tilespmem:s26+$0xFFFFFF80];
	_ =	sdelay $0x2  }
0x33: {  	v0 =	vmul.f32 $8.000000000e+00, v0;
	_ =	sdelay $0x1  }
0x34: {  	v0 =	vadd.f32 v1, v0  }
0x35: {  	s28 =	simm.s32 $0xE280  }
0x36: {  	[tilespmem:s28+$0xFFFFFF80] =	vst v0  }
0x37: {  	v0 =	vld [tilespmem:s25+$0xFFFFFF90];
	_ =	sdelay $0x1  }
0x38: {  	v1 =	vld [tilespmem:s26+$0xFFFFFF90];
	_ =	sdelay $0x2  }
0x39: {  	v0 =	vmul.f32 $8.000000000e+00, v0;
	_ =	sdelay $0x1  }
0x3a: {  	v0 =	vadd.f32 v1, v0;
	_ =	sdelay $0x1  }
0x3b: {  	[tilespmem:s28+$0xFFFFFF90] =	vst v0  }
0x3c: {  	v0 =	vld [tilespmem:s25+$0xFFFFFFA0];
	_ =	sdelay $0x1  }
0x3d: {  	v1 =	vld [tilespmem:s26+$0xFFFFFFA0];
	_ =	sdelay $0x2  }
0x3e: {  	v0 =	vmul.f32 $8.000000000e+00, v0;
	_ =	sdelay $0x1  }
0x3f: {  	v0 =	vadd.f32 v1, v0;
	_ =	sdelay $0x1  }
0x40: {  	[tilespmem:s28+$0xFFFFFFA0] =	vst v0  }
0x41: {  	v0 =	vld [tilespmem:s25+$0xFFFFFFB0];
	_ =	sdelay $0x1  }
0x42: {  	v1 =	vld [tilespmem:s26+$0xFFFFFFB0];
	_ =	sdelay $0x2  }
0x43: {  	v0 =	vmul.f32 $8.000000000e+00, v0;
	_ =	sdelay $0x1  }
0x44: {  	v0 =	vadd.f32 v1, v0;
	_ =	sdelay $0x1  }
0x45: {  	[tilespmem:s28+$0xFFFFFFB0] =	vst v0  }
0x46: {  	v0 =	vld [tilespmem:s25+$0xFFFFFFC0];
	_ =	sdelay $0x1  }
0x47: {  	v1 =	vld [tilespmem:s26+$0xFFFFFFC0];
	_ =	sdelay $0x2  }
0x48: {  	v0 =	vmul.f32 $8.000000000e+00, v0;
	_ =	sdelay $0x1  }
0x49: {  	v0 =	vadd.f32 v1, v0;
	_ =	sdelay $0x1  }
0x4a: {  	[tilespmem:s28+$0xFFFFFFC0] =	vst v0  }
0x4b: {  	v0 =	vld [tilespmem:s25+$0xFFFFFFD0];
	_ =	sdelay $0x1  }
0x4c: {  	v1 =	vld [tilespmem:s26+$0xFFFFFFD0];
	_ =	sdelay $0x2  }
0x4d: {  	v0 =	vmul.f32 $8.000000000e+00, v0;
	_ =	sdelay $0x1  }
0x4e: {  	v0 =	vadd.f32 v1, v0;
	_ =	sdelay $0x1  }
0x4f: {  	[tilespmem:s28+$0xFFFFFFD0] =	vst v0  }
0x50: {  	v0 =	vld [tilespmem:s25+$0xFFFFFFE0];
	_ =	sdelay $0x1  }
0x51: {  	v1 =	vld [tilespmem:s26+$0xFFFFFFE0];
	_ =	sdelay $0x2  }
0x52: {  	v0 =	vmul.f32 $8.000000000e+00, v0;
	_ =	sdelay $0x1  }
0x53: {  	v0 =	vadd.f32 v1, v0;
	_ =	sdelay $0x1  }
0x54: {  	[tilespmem:s28+$0xFFFFFFE0] =	vst v0  }
0x55: {  	v0 =	vld [tilespmem:s25+$0xFFFFFFF0];
	_ =	sdelay $0x1  }
0x56: {  	v1 =	vld [tilespmem:s26+$0xFFFFFFF0];
	_ =	sdelay $0x2  }
0x57: {  	v0 =	vmul.f32 $8.000000000e+00, v0;
	_ =	sdelay $0x1  }
0x58: {  	v0 =	vadd.f32 v1, v0;
	_ =	sdelay $0x1  }
0x59: {  	[tilespmem:s28+$0xFFFFFFF0] =	vst v0  }
0x5a: {  	v0 =	vld [tilespmem:s25+$0x0];
	_ =	sdelay $0x1  }
0x5b: {  	v1 =	vld [tilespmem:s26+$0x0];
	_ =	sdelay $0x2  }
0x5c: {  	v0 =	vmul.f32 $8.000000000e+00, v0;
	_ =	sdelay $0x1  }
0x5d: {  	v0 =	vadd.f32 v1, v0;
	_ =	sdelay $0x1  }
0x5e: {  	[tilespmem:s28+$0x0] =	vst v0  }
0x5f: {  	v0 =	vld [tilespmem:s25+$0x10];
	_ =	sdelay $0x1  }
0x60: {  	v1 =	vld [tilespmem:s26+$0x10];
	_ =	sdelay $0x2  }
0x61: {  	v0 =	vmul.f32 $8.000000000e+00, v0;
	_ =	sdelay $0x1  }
0x62: {  	v0 =	vadd.f32 v1, v0;
	_ =	sdelay $0x1  }
0x63: {  	[tilespmem:s28+$0x10] =	vst v0  }
0x64: {  	v0 =	vld [tilespmem:s25+$0x20];
	_ =	sdelay $0x1  }
0x65: {  	v1 =	vld [tilespmem:s26+$0x20];
	_ =	sdelay $0x2  }
0x66: {  	v0 =	vmul.f32 $8.000000000e+00, v0;
	_ =	sdelay $0x1  }
0x67: {  	v0 =	vadd.f32 v1, v0;
	_ =	sdelay $0x1  }
0x68: {  	[tilespmem:s28+$0x20] =	vst v0  }
0x69: {  	v0 =	vld [tilespmem:s25+$0x30];
	_ =	sdelay $0x1  }
0x6a: {  	v1 =	vld [tilespmem:s26+$0x30];
	_ =	sdelay $0x2  }
0x6b: {  	v0 =	vmul.f32 $8.000000000e+00, v0;
	_ =	sdelay $0x1  }
0x6c: {  	v0 =	vadd.f32 v1, v0;
	_ =	sdelay $0x1  }
0x6d: {  	[tilespmem:s28+$0x30] =	vst v0  }
0x6e: {  	v0 =	vld [tilespmem:s25+$0x40];
	_ =	sdelay $0x1  }
0x6f: {  	v1 =	vld [tilespmem:s26+$0x40];
	_ =	sdelay $0x2  }
0x70: {  	v0 =	vmul.f32 $8.000000000e+00, v0;
	_ =	sdelay $0x1  }
0x71: {  	v0 =	vadd.f32 v1, v0;
	_ =	sdelay $0x1  }
0x72: {  	[tilespmem:s28+$0x40] =	vst v0  }
0x73: {  	v0 =	vld [tilespmem:s25+$0x50];
	_ =	sdelay $0x1  }
0x74: {  	v1 =	vld [tilespmem:s26+$0x50];
	_ =	sdelay $0x2  }
0x75: {  	v0 =	vmul.f32 $8.000000000e+00, v0;
	_ =	sdelay $0x1  }
0x76: {  	v0 =	vadd.f32 v1, v0;
	_ =	sdelay $0x1  }
0x77: {  	[tilespmem:s28+$0x50] =	vst v0  }
0x78: {  	v0 =	vld [tilespmem:s25+$0x60];
	_ =	sdelay $0x1  }
0x79: {  	v1 =	vld [tilespmem:s26+$0x60];
	_ =	sdelay $0x2  }
0x7a: {  	v0 =	vmul.f32 $8.000000000e+00, v0;
	_ =	sdelay $0x1  }
0x7b: {  	v0 =	vadd.f32 v1, v0;
	_ =	sdelay $0x1  }
0x7c: {  	[tilespmem:s28+$0x60] =	vst v0  }
0x7d: {  	v0 =	vld [tilespmem:s25+$0x70];
	_ =	sdelay $0x1  }
0x7e: {  	v1 =	vld [tilespmem:s26+$0x70];
	_ =	sdelay $0x2  }
0x7f: {  	v0 =	vmul.f32 $8.000000000e+00, v0;
	_ =	sdelay $0x1  }
0x80: {  	v0 =	vadd.f32 v1, v0  }
0x81: {  	s29 =	simm.s32 $0x0;
	s6 =	simm.s32 $0xE380  }
.LBB2_3:
0x82: {  	s29 =	sadd.s32 $0x4, s29;
	[tilespmem:s28+$0x70] =	vst v0;
	s25 =	sadd.s32 $0x100, s25;
	s26 =	sadd.s32 $0x100, s26  }
0x83: {  	s28 =	smov.u32 s6;
	v0 =	vld [tilespmem:s25+$0xFFFFFF80];
	p1 =	slt.u32 s29, $0xC4;
	_ =	sdelay $0x1  }
0x84: {  	v1 =	vld [tilespmem:s26+$0xFFFFFF80];
	_ =	sdelay $0x2  }
0x85: {  	v0 =	vmul.f32 $8.000000000e+00, v0;
	_ =	sdelay $0x1  }
0x86: {  	v0 =	vadd.f32 v1, v0;
	_ =	sdelay $0x1  }
0x87: {  	[tilespmem:s6+$0xFFFFFF80] =	vst v0  }
0x88: {  	v0 =	vld [tilespmem:s25+$0xFFFFFF90];
	_ =	sdelay $0x1  }
0x89: {  	v1 =	vld [tilespmem:s26+$0xFFFFFF90];
	_ =	sdelay $0x2  }
0x8a: {  	v0 =	vmul.f32 $8.000000000e+00, v0;
	_ =	sdelay $0x1  }
0x8b: {  	v0 =	vadd.f32 v1, v0;
	_ =	sdelay $0x1  }
0x8c: {  	[tilespmem:s6+$0xFFFFFF90] =	vst v0  }
0x8d: {  	v0 =	vld [tilespmem:s25+$0xFFFFFFA0];
	_ =	sdelay $0x1  }
0x8e: {  	v1 =	vld [tilespmem:s26+$0xFFFFFFA0];
	_ =	sdelay $0x2  }
0x8f: {  	v0 =	vmul.f32 $8.000000000e+00, v0;
	_ =	sdelay $0x1  }
0x90: {  	v0 =	vadd.f32 v1, v0;
	_ =	sdelay $0x1  }
0x91: {  	[tilespmem:s6+$0xFFFFFFA0] =	vst v0  }
0x92: {  	v0 =	vld [tilespmem:s25+$0xFFFFFFB0];
	_ =	sdelay $0x1  }
0x93: {  	v1 =	vld [tilespmem:s26+$0xFFFFFFB0];
	_ =	sdelay $0x2  }
0x94: {  	v0 =	vmul.f32 $8.000000000e+00, v0;
	_ =	sdelay $0x1  }
0x95: {  	v0 =	vadd.f32 v1, v0;
	_ =	sdelay $0x1  }
0x96: {  	[tilespmem:s6+$0xFFFFFFB0] =	vst v0  }
0x97: {  	v0 =	vld [tilespmem:s25+$0xFFFFFFC0];
	_ =	sdelay $0x1  }
0x98: {  	v1 =	vld [tilespmem:s26+$0xFFFFFFC0];
	_ =	sdelay $0x2  }
0x99: {  	v0 =	vmul.f32 $8.000000000e+00, v0;
	_ =	sdelay $0x1  }
0x9a: {  	v0 =	vadd.f32 v1, v0;
	_ =	sdelay $0x1  }
0x9b: {  	[tilespmem:s6+$0xFFFFFFC0] =	vst v0  }
0x9c: {  	v0 =	vld [tilespmem:s25+$0xFFFFFFD0];
	_ =	sdelay $0x1  }
0x9d: {  	v1 =	vld [tilespmem:s26+$0xFFFFFFD0];
	_ =	sdelay $0x2  }
0x9e: {  	v0 =	vmul.f32 $8.000000000e+00, v0;
	_ =	sdelay $0x1  }
0x9f: {  	v0 =	vadd.f32 v1, v0;
	_ =	sdelay $0x1  }
0xa0: {  	[tilespmem:s6+$0xFFFFFFD0] =	vst v0  }
0xa1: {  	v0 =	vld [tilespmem:s25+$0xFFFFFFE0];
	_ =	sdelay $0x1  }
0xa2: {  	v1 =	vld [tilespmem:s26+$0xFFFFFFE0];
	_ =	sdelay $0x2  }
0xa3: {  	v0 =	vmul.f32 $8.000000000e+00, v0;
	_ =	sdelay $0x1  }
0xa4: {  	v0 =	vadd.f32 v1, v0;
	_ =	sdelay $0x1  }
0xa5: {  	[tilespmem:s6+$0xFFFFFFE0] =	vst v0  }
0xa6: {  	v0 =	vld [tilespmem:s25+$0xFFFFFFF0];
	_ =	sdelay $0x1  }
0xa7: {  	v1 =	vld [tilespmem:s26+$0xFFFFFFF0];
	_ =	sdelay $0x2  }
0xa8: {  	v0 =	vmul.f32 $8.000000000e+00, v0;
	_ =	sdelay $0x1  }
0xa9: {  	v0 =	vadd.f32 v1, v0;
	_ =	sdelay $0x1  }
0xaa: {  	[tilespmem:s6+$0xFFFFFFF0] =	vst v0  }
0xab: {  	v0 =	vld [tilespmem:s25+$0x0];
	_ =	sdelay $0x1  }
0xac: {  	v1 =	vld [tilespmem:s26+$0x0];
	_ =	sdelay $0x2  }
0xad: {  	v0 =	vmul.f32 $8.000000000e+00, v0;
	_ =	sdelay $0x1  }
0xae: {  	v0 =	vadd.f32 v1, v0;
	_ =	sdelay $0x1  }
0xaf: {  	[tilespmem:s6+$0x0] =	vst v0  }
0xb0: {  	v0 =	vld [tilespmem:s25+$0x10]  }
0xb1: {  	v1 =	vld [tilespmem:s26+$0x10];
	_ =	sdelay $0x3  }
0xb2: {  	v0 =	vmul.f32 $8.000000000e+00, v0;
	_ =	sdelay $0x1  }
0xb3: {  	v0 =	vadd.f32 v1, v0;
	_ =	sdelay $0x1  }
0xb4: {  	[tilespmem:s6+$0x10] =	vst v0  }
0xb5: {  	v0 =	vld [tilespmem:s25+$0x20]  }
0xb6: {  	v1 =	vld [tilespmem:s26+$0x20];
	_ =	sdelay $0x3  }
0xb7: {  	v0 =	vmul.f32 $8.000000000e+00, v0;
	_ =	sdelay $0x1  }
0xb8: {  	v0 =	vadd.f32 v1, v0;
	_ =	sdelay $0x1  }
0xb9: {  	[tilespmem:s6+$0x20] =	vst v0  }
0xba: {  	v0 =	vld [tilespmem:s25+$0x30]  }
0xbb: {  	v1 =	vld [tilespmem:s26+$0x30];
	_ =	sdelay $0x3  }
0xbc: {  	v0 =	vmul.f32 $8.000000000e+00, v0;
	_ =	sdelay $0x1  }
0xbd: {  	v0 =	vadd.f32 v1, v0;
	_ =	sdelay $0x1  }
0xbe: {  	[tilespmem:s6+$0x30] =	vst v0  }
0xbf: {  	v0 =	vld [tilespmem:s25+$0x40]  }
0xc0: {  	v1 =	vld [tilespmem:s26+$0x40];
	_ =	sdelay $0x3  }
0xc1: {  	v0 =	vmul.f32 $8.000000000e+00, v0;
	_ =	sdelay $0x1  }
0xc2: {  	v0 =	vadd.f32 v1, v0;
	_ =	sdelay $0x1  }
0xc3: {  	[tilespmem:s6+$0x40] =	vst v0  }
0xc4: {  	v0 =	vld [tilespmem:s25+$0x50]  }
0xc5: {  	v1 =	vld [tilespmem:s26+$0x50];
	_ =	sdelay $0x3  }
0xc6: {  	v0 =	vmul.f32 $8.000000000e+00, v0;
	_ =	sdelay $0x1  }
0xc7: {  	v0 =	vadd.f32 v1, v0;
	_ =	sdelay $0x1  }
0xc8: {  	[tilespmem:s6+$0x50] =	vst v0  }
0xc9: {  	v0 =	vld [tilespmem:s25+$0x60]  }
0xca: {  	v1 =	vld [tilespmem:s26+$0x60];
	_ =	sdelay $0x3  }
0xcb: {  	v0 =	vmul.f32 $8.000000000e+00, v0;
	_ =	sdelay $0x1  }
0xcc: {  	v0 =	vadd.f32 v1, v0;
	_ =	sdelay $0x1  }
0xcd: {  	[tilespmem:s6+$0x60] =	vst v0  }
0xce: {  	v0 =	vld [tilespmem:s25+$0x70]  }
0xcf: {  	v1 =	vld [tilespmem:s26+$0x70];
	_ =	sdelay $0x2  }
.Ltmp0:
0xd0: {  	(pc) =	sbr.rel @p1 .LBB2_3-.Ltmp0, $3  }
0xd1: {  	v0 =	vmul.f32 $8.000000000e+00, v0;
	_ =	sdelay $0x1  }
0xd2: {  	v0 =	vadd.f32 v1, v0  }
0xd3: {  	s6 =	sadd.s32 $0x100, s6  }
0xd4: {  	p1 =	seq.s32 s24, $0x7  }
0xd5: {  	s6 =	smul.u32 @!p1 $0xD00, s24;
	_ =	sdelay $0x1  }
0xd6: {  	s25 =	sshra.s32 @!p1 s6, $0x2  }
0xd7: {  	[tilespmem:s28+$0x70] =	vst v0;
	s7 =	simm.s32 @!p1 $0x64;
	s26 =	simm.s32 @!p1 $0x1A00;
	s6 =	sadd.s32 @!p1 $0x340, s25  }
0xd8: {  	[tilespmem:s26], [sflag:$0x1] =	stream.indirect.gather @!p1 [hbm4b:s5+s7], $0x40, s6, s7, $0xb8;
	[tilespmem:$0x1DC00] =	vst v63  }
0xd9: {  	s28 =	simm.s32 @!p1 $0x3300;
	s6 =	sadd.s32 @!p1 $0x3A8, s25;
	s26 =	smul.u32 $0x320, s24  }
0xda: {  	[tilespmem:s28], [sflag:$0x1] =	stream.indirect.gather @!p1 [hbm4b:s5+s7], $0x40, s6, s7, $0xb8;
	[tilespmem:$0x1DC00] =	vst v63  }
0xdb: {  	s7 =	sadd.s32 s4, s26  }
0xdc: {  	s6 =	sshll.u32 s7, $0x3  }
0xdd: {  	s6 =	sadd.s32 s2, s6  }
0xde: {  	[hbm4b:s6+s3] =	stream.linear.scatter [tilespmem:s1], [sflag:$0x5], $0x3200, $0x38;
	[tilespmem:$0x1DC00] =	vst v63  }
0xdf: {  	_ =	swait.ge [sflag:s0], $0x1900  }
0xe0: {  	[sflag:s0] =	ssyncset.done $0x0  }
0xe1: {  	[sflag:s0] =	ssyncadd.s32 $0xFFFFE700  }
0xe2: {  	_ =	swait.ge [sflag:s0], $0x1900  }
0xe3: {  	[sflag:s0] =	ssyncset.done $0x0  }
0xe4: {  	s6 =	simm.s32 @!p0 $0x6;
	[sflag:s0] =	ssyncadd.s32 $0xFFFFE700  }
0xe5: {  	_ =	swait.ge @!p0 [sflag:s6], $0x3200  }
0xe6: {  	[sflag:s6] =	ssyncset.done @!p0 $0x0  }
0xe7: {  	s28 =	simm.s32 $0x4CF0;
	[sflag:s6] =	ssyncadd.s32 @!p0 $0xFFFFCE00  }
0xe8: {  	v0 =	vld [tilespmem:s28+$0xFFFFFF10]  }
0xe9: {  	s29 =	simm.s32 $0x1AA80  }
0xea: {  	v1 =	vld [tilespmem:s29+$0xFFFFFF80];
	_ =	sdelay $0x2  }
0xeb: {  	v0 =	vmul.f32 $8.000000000e+00, v0;
	_ =	sdelay $0x1  }
0xec: {  	v0 =	vadd.f32 v1, v0  }
0xed: {  	s30 =	simm.s32 $0x114F0  }
0xee: {  	[tilespmem:s30+$0xFFFFFF10] =	vst v0  }
0xef: {  	v0 =	vld [tilespmem:s28+$0xFFFFFF20];
	_ =	sdelay $0x1  }
0xf0: {  	v1 =	vld [tilespmem:s29+$0xFFFFFF90];
	_ =	sdelay $0x2  }
0xf1: {  	v0 =	vmul.f32 $8.000000000e+00, v0;
	_ =	sdelay $0x1  }
0xf2: {  	v0 =	vadd.f32 v1, v0;
	_ =	sdelay $0x1  }
0xf3: {  	[tilespmem:s30+$0xFFFFFF20] =	vst v0  }
0xf4: {  	v0 =	vld [tilespmem:s28+$0xFFFFFF30];
	_ =	sdelay $0x1  }
0xf5: {  	v1 =	vld [tilespmem:s29+$0xFFFFFFA0];
	_ =	sdelay $0x2  }
0xf6: {  	v0 =	vmul.f32 $8.000000000e+00, v0;
	_ =	sdelay $0x1  }
0xf7: {  	v0 =	vadd.f32 v1, v0;
	_ =	sdelay $0x1  }
0xf8: {  	[tilespmem:s30+$0xFFFFFF30] =	vst v0  }
0xf9: {  	v0 =	vld [tilespmem:s28+$0xFFFFFF40];
	_ =	sdelay $0x1  }
0xfa: {  	v1 =	vld [tilespmem:s29+$0xFFFFFFB0];
	_ =	sdelay $0x2  }
0xfb: {  	v0 =	vmul.f32 $8.000000000e+00, v0;
	_ =	sdelay $0x1  }
0xfc: {  	v0 =	vadd.f32 v1, v0;
	_ =	sdelay $0x1  }
0xfd: {  	[tilespmem:s30+$0xFFFFFF40] =	vst v0  }
0xfe: {  	v0 =	vld [tilespmem:s28+$0xFFFFFF50];
	_ =	sdelay $0x1  }
0xff: {  	v1 =	vld [tilespmem:s29+$0xFFFFFFC0];
	_ =	sdelay $0x2  }
0x100: {  	v0 =	vmul.f32 $8.000000000e+00, v0;
	_ =	sdelay $0x1  }
0x101: {  	v0 =	vadd.f32 v1, v0;
	_ =	sdelay $0x1  }
0x102: {  	[tilespmem:s30+$0xFFFFFF50] =	vst v0  }
0x103: {  	v0 =	vld [tilespmem:s28+$0xFFFFFF60];
	_ =	sdelay $0x1  }
0x104: {  	v1 =	vld [tilespmem:s29+$0xFFFFFFD0];
	_ =	sdelay $0x2  }
0x105: {  	v0 =	vmul.f32 $8.000000000e+00, v0;
	_ =	sdelay $0x1  }
0x106: {  	v0 =	vadd.f32 v1, v0;
	_ =	sdelay $0x1  }
0x107: {  	[tilespmem:s30+$0xFFFFFF60] =	vst v0  }
0x108: {  	v0 =	vld [tilespmem:s28+$0xFFFFFF70];
	_ =	sdelay $0x1  }
0x109: {  	v1 =	vld [tilespmem:s29+$0xFFFFFFE0];
	_ =	sdelay $0x2  }
0x10a: {  	v0 =	vmul.f32 $8.000000000e+00, v0;
	_ =	sdelay $0x1  }
0x10b: {  	v0 =	vadd.f32 v1, v0;
	_ =	sdelay $0x1  }
0x10c: {  	[tilespmem:s30+$0xFFFFFF70] =	vst v0  }
0x10d: {  	v0 =	vld [tilespmem:s28+$0xFFFFFF80];
	_ =	sdelay $0x1  }
0x10e: {  	v1 =	vld [tilespmem:s29+$0xFFFFFFF0];
	_ =	sdelay $0x2  }
0x10f: {  	v0 =	vmul.f32 $8.000000000e+00, v0;
	_ =	sdelay $0x1  }
0x110: {  	v0 =	vadd.f32 v1, v0;
	_ =	sdelay $0x1  }
0x111: {  	[tilespmem:s30+$0xFFFFFF80] =	vst v0  }
0x112: {  	v0 =	vld [tilespmem:s28+$0xFFFFFF90];
	_ =	sdelay $0x1  }
0x113: {  	v1 =	vld [tilespmem:s29+$0x0];
	_ =	sdelay $0x2  }
0x114: {  	v0 =	vmul.f32 $8.000000000e+00, v0;
	_ =	sdelay $0x1  }
0x115: {  	v0 =	vadd.f32 v1, v0;
	_ =	sdelay $0x1  }
0x116: {  	[tilespmem:s30+$0xFFFFFF90] =	vst v0  }
0x117: {  	v0 =	vld [tilespmem:s28+$0xFFFFFFA0];
	_ =	sdelay $0x1  }
0x118: {  	v1 =	vld [tilespmem:s29+$0x10];
	_ =	sdelay $0x2  }
0x119: {  	v0 =	vmul.f32 $8.000000000e+00, v0;
	_ =	sdelay $0x1  }
0x11a: {  	v0 =	vadd.f32 v1, v0;
	_ =	sdelay $0x1  }
0x11b: {  	[tilespmem:s30+$0xFFFFFFA0] =	vst v0  }
0x11c: {  	v0 =	vld [tilespmem:s28+$0xFFFFFFB0];
	_ =	sdelay $0x1  }
0x11d: {  	v1 =	vld [tilespmem:s29+$0x20];
	_ =	sdelay $0x2  }
0x11e: {  	v0 =	vmul.f32 $8.000000000e+00, v0;
	_ =	sdelay $0x1  }
0x11f: {  	v0 =	vadd.f32 v1, v0;
	_ =	sdelay $0x1  }
0x120: {  	[tilespmem:s30+$0xFFFFFFB0] =	vst v0  }
0x121: {  	v0 =	vld [tilespmem:s28+$0xFFFFFFC0];
	_ =	sdelay $0x1  }
0x122: {  	v1 =	vld [tilespmem:s29+$0x30];
	_ =	sdelay $0x2  }
0x123: {  	v0 =	vmul.f32 $8.000000000e+00, v0;
	_ =	sdelay $0x1  }
0x124: {  	v0 =	vadd.f32 v1, v0;
	_ =	sdelay $0x1  }
0x125: {  	[tilespmem:s30+$0xFFFFFFC0] =	vst v0  }
0x126: {  	v0 =	vld [tilespmem:s28+$0xFFFFFFD0];
	_ =	sdelay $0x1  }
0x127: {  	v1 =	vld [tilespmem:s29+$0x40];
	_ =	sdelay $0x2  }
0x128: {  	v0 =	vmul.f32 $8.000000000e+00, v0;
	_ =	sdelay $0x1  }
0x129: {  	v0 =	vadd.f32 v1, v0;
	_ =	sdelay $0x1  }
0x12a: {  	[tilespmem:s30+$0xFFFFFFD0] =	vst v0  }
0x12b: {  	v0 =	vld [tilespmem:s28+$0xFFFFFFE0];
	_ =	sdelay $0x1  }
0x12c: {  	v1 =	vld [tilespmem:s29+$0x50];
	_ =	sdelay $0x2  }
0x12d: {  	v0 =	vmul.f32 $8.000000000e+00, v0;
	_ =	sdelay $0x1  }
0x12e: {  	v0 =	vadd.f32 v1, v0;
	_ =	sdelay $0x1  }
0x12f: {  	[tilespmem:s30+$0xFFFFFFE0] =	vst v0  }
0x130: {  	v0 =	vld [tilespmem:s28+$0xFFFFFFF0];
	_ =	sdelay $0x1  }
0x131: {  	v1 =	vld [tilespmem:s29+$0x60];
	_ =	sdelay $0x2  }
0x132: {  	v0 =	vmul.f32 $8.000000000e+00, v0;
	_ =	sdelay $0x1  }
0x133: {  	v0 =	vadd.f32 v1, v0;
	_ =	sdelay $0x1  }
0x134: {  	[tilespmem:s30+$0xFFFFFFF0] =	vst v0  }
0x135: {  	v0 =	vld [tilespmem:s28+$0x0];
	_ =	sdelay $0x1  }
0x136: {  	v1 =	vld [tilespmem:s29+$0x70];
	_ =	sdelay $0x2  }
0x137: {  	v0 =	vmul.f32 $8.000000000e+00, v0;
	_ =	sdelay $0x1  }
0x138: {  	v0 =	vadd.f32 v1, v0  }
0x139: {  	s7 =	simm.s32 $0x115F0;
	s6 =	simm.s32 $0x0  }
.LBB2_5:
0x13a: {  	s6 =	sadd.s32 $0x4, s6;
	[tilespmem:s30+$0x0] =	vst v0;
	s29 =	sadd.s32 $0x100, s29;
	s28 =	sadd.s32 $0x100, s28  }
0x13b: {  	s30 =	smov.u32 s7;
	v0 =	vld [tilespmem:s28+$0xFFFFFF10];
	p2 =	slt.u32 s6, $0xC4;
	_ =	sdelay $0x1  }
0x13c: {  	v1 =	vld [tilespmem:s29+$0xFFFFFF80];
	_ =	sdelay $0x2  }
0x13d: {  	v0 =	vmul.f32 $8.000000000e+00, v0;
	_ =	sdelay $0x1  }
0x13e: {  	v0 =	vadd.f32 v1, v0;
	_ =	sdelay $0x1  }
0x13f: {  	[tilespmem:s7+$0xFFFFFF10] =	vst v0  }
0x140: {  	v0 =	vld [tilespmem:s28+$0xFFFFFF20];
	_ =	sdelay $0x1  }
0x141: {  	v1 =	vld [tilespmem:s29+$0xFFFFFF90];
	_ =	sdelay $0x2  }
0x142: {  	v0 =	vmul.f32 $8.000000000e+00, v0;
	_ =	sdelay $0x1  }
0x143: {  	v0 =	vadd.f32 v1, v0;
	_ =	sdelay $0x1  }
0x144: {  	[tilespmem:s7+$0xFFFFFF20] =	vst v0  }
0x145: {  	v0 =	vld [tilespmem:s28+$0xFFFFFF30];
	_ =	sdelay $0x1  }
0x146: {  	v1 =	vld [tilespmem:s29+$0xFFFFFFA0];
	_ =	sdelay $0x2  }
0x147: {  	v0 =	vmul.f32 $8.000000000e+00, v0;
	_ =	sdelay $0x1  }
0x148: {  	v0 =	vadd.f32 v1, v0;
	_ =	sdelay $0x1  }
0x149: {  	[tilespmem:s7+$0xFFFFFF30] =	vst v0  }
0x14a: {  	v0 =	vld [tilespmem:s28+$0xFFFFFF40];
	_ =	sdelay $0x1  }
0x14b: {  	v1 =	vld [tilespmem:s29+$0xFFFFFFB0];
	_ =	sdelay $0x2  }
0x14c: {  	v0 =	vmul.f32 $8.000000000e+00, v0;
	_ =	sdelay $0x1  }
0x14d: {  	v0 =	vadd.f32 v1, v0;
	_ =	sdelay $0x1  }
0x14e: {  	[tilespmem:s7+$0xFFFFFF40] =	vst v0  }
0x14f: {  	v0 =	vld [tilespmem:s28+$0xFFFFFF50];
	_ =	sdelay $0x1  }
0x150: {  	v1 =	vld [tilespmem:s29+$0xFFFFFFC0];
	_ =	sdelay $0x2  }
0x151: {  	v0 =	vmul.f32 $8.000000000e+00, v0;
	_ =	sdelay $0x1  }
0x152: {  	v0 =	vadd.f32 v1, v0;
	_ =	sdelay $0x1  }
0x153: {  	[tilespmem:s7+$0xFFFFFF50] =	vst v0  }
0x154: {  	v0 =	vld [tilespmem:s28+$0xFFFFFF60];
	_ =	sdelay $0x1  }
0x155: {  	v1 =	vld [tilespmem:s29+$0xFFFFFFD0];
	_ =	sdelay $0x2  }
0x156: {  	v0 =	vmul.f32 $8.000000000e+00, v0;
	_ =	sdelay $0x1  }
0x157: {  	v0 =	vadd.f32 v1, v0;
	_ =	sdelay $0x1  }
0x158: {  	[tilespmem:s7+$0xFFFFFF60] =	vst v0  }
0x159: {  	v0 =	vld [tilespmem:s28+$0xFFFFFF70];
	_ =	sdelay $0x1  }
0x15a: {  	v1 =	vld [tilespmem:s29+$0xFFFFFFE0];
	_ =	sdelay $0x2  }
0x15b: {  	v0 =	vmul.f32 $8.000000000e+00, v0;
	_ =	sdelay $0x1  }
0x15c: {  	v0 =	vadd.f32 v1, v0;
	_ =	sdelay $0x1  }
0x15d: {  	[tilespmem:s7+$0xFFFFFF70] =	vst v0  }
0x15e: {  	v0 =	vld [tilespmem:s28+$0xFFFFFF80];
	_ =	sdelay $0x1  }
0x15f: {  	v1 =	vld [tilespmem:s29+$0xFFFFFFF0];
	_ =	sdelay $0x2  }
0x160: {  	v0 =	vmul.f32 $8.000000000e+00, v0;
	_ =	sdelay $0x1  }
0x161: {  	v0 =	vadd.f32 v1, v0;
	_ =	sdelay $0x1  }
0x162: {  	[tilespmem:s7+$0xFFFFFF80] =	vst v0  }
0x163: {  	v0 =	vld [tilespmem:s28+$0xFFFFFF90];
	_ =	sdelay $0x1  }
0x164: {  	v1 =	vld [tilespmem:s29+$0x0];
	_ =	sdelay $0x2  }
0x165: {  	v0 =	vmul.f32 $8.000000000e+00, v0;
	_ =	sdelay $0x1  }
0x166: {  	v0 =	vadd.f32 v1, v0;
	_ =	sdelay $0x1  }
0x167: {  	[tilespmem:s7+$0xFFFFFF90] =	vst v0  }
0x168: {  	v0 =	vld [tilespmem:s28+$0xFFFFFFA0]  }
0x169: {  	v1 =	vld [tilespmem:s29+$0x10];
	_ =	sdelay $0x3  }
0x16a: {  	v0 =	vmul.f32 $8.000000000e+00, v0;
	_ =	sdelay $0x1  }
0x16b: {  	v0 =	vadd.f32 v1, v0;
	_ =	sdelay $0x1  }
0x16c: {  	[tilespmem:s7+$0xFFFFFFA0] =	vst v0  }
0x16d: {  	v0 =	vld [tilespmem:s28+$0xFFFFFFB0]  }
0x16e: {  	v1 =	vld [tilespmem:s29+$0x20];
	_ =	sdelay $0x3  }
0x16f: {  	v0 =	vmul.f32 $8.000000000e+00, v0;
	_ =	sdelay $0x1  }
0x170: {  	v0 =	vadd.f32 v1, v0;
	_ =	sdelay $0x1  }
0x171: {  	[tilespmem:s7+$0xFFFFFFB0] =	vst v0  }
0x172: {  	v0 =	vld [tilespmem:s28+$0xFFFFFFC0]  }
0x173: {  	v1 =	vld [tilespmem:s29+$0x30];
	_ =	sdelay $0x3  }
0x174: {  	v0 =	vmul.f32 $8.000000000e+00, v0;
	_ =	sdelay $0x1  }
0x175: {  	v0 =	vadd.f32 v1, v0;
	_ =	sdelay $0x1  }
0x176: {  	[tilespmem:s7+$0xFFFFFFC0] =	vst v0  }
0x177: {  	v0 =	vld [tilespmem:s28+$0xFFFFFFD0]  }
0x178: {  	v1 =	vld [tilespmem:s29+$0x40];
	_ =	sdelay $0x3  }
0x179: {  	v0 =	vmul.f32 $8.000000000e+00, v0;
	_ =	sdelay $0x1  }
0x17a: {  	v0 =	vadd.f32 v1, v0;
	_ =	sdelay $0x1  }
0x17b: {  	[tilespmem:s7+$0xFFFFFFD0] =	vst v0  }
0x17c: {  	v0 =	vld [tilespmem:s28+$0xFFFFFFE0]  }
0x17d: {  	v1 =	vld [tilespmem:s29+$0x50];
	_ =	sdelay $0x3  }
0x17e: {  	v0 =	vmul.f32 $8.000000000e+00, v0;
	_ =	sdelay $0x1  }
0x17f: {  	v0 =	vadd.f32 v1, v0;
	_ =	sdelay $0x1  }
0x180: {  	[tilespmem:s7+$0xFFFFFFE0] =	vst v0  }
0x181: {  	v0 =	vld [tilespmem:s28+$0xFFFFFFF0]  }
0x182: {  	v1 =	vld [tilespmem:s29+$0x60];
	_ =	sdelay $0x3  }
0x183: {  	v0 =	vmul.f32 $8.000000000e+00, v0;
	_ =	sdelay $0x1  }
0x184: {  	v0 =	vadd.f32 v1, v0;
	_ =	sdelay $0x1  }
0x185: {  	[tilespmem:s7+$0xFFFFFFF0] =	vst v0  }
0x186: {  	v0 =	vld [tilespmem:s28+$0x0]  }
0x187: {  	v1 =	vld [tilespmem:s29+$0x70];
	_ =	sdelay $0x2  }
.Ltmp1:
0x188: {  	(pc) =	sbr.rel @p2 .LBB2_5-.Ltmp1, $3  }
0x189: {  	v0 =	vmul.f32 $8.000000000e+00, v0;
	_ =	sdelay $0x1  }
0x18a: {  	v0 =	vadd.f32 v1, v0  }
0x18b: {  	s7 =	sadd.s32 $0x100, s7  }
0x18c: {  	[tilespmem:s30+$0x0] =	vst v0;
	s6 =	sadd.s32 @!p1 $0x410, s25;
	s7 =	simm.s32 @!p1 $0x64;
	s28 =	simm.s32 @!p1 $0x4C00  }
0x18d: {  	[tilespmem:s28], [sflag:$0x2] =	stream.indirect.gather @!p1 [hbm4b:s5+s7], $0x40, s6, s7, $0xb8;
	[tilespmem:$0x1DC00] =	vst v63  }
0x18e: {  	s30 =	sadd.s32 s26, s8;
	s6 =	sadd.s32 @!p1 $0x478, s25;
	s28 =	simm.s32 @!p1 $0x6500  }
0x18f: {  	[tilespmem:s28], [sflag:$0x2] =	stream.indirect.gather @!p1 [hbm4b:s5+s7], $0x40, s6, s7, $0xb8;
	[tilespmem:$0x1DC00] =	vst v63  }
0x190: {  	s6 =	sshll.u32 s30, $0x3  }
0x191: {  	s6 =	sand.u32 $0x1FFFFF40, s6  }
0x192: {  	s6 =	sadd.s32 s2, s6  }
0x193: {  	[hbm4b:s6+s3] =	stream.linear.scatter [tilespmem:s12], [sflag:$0x6], $0x3200, $0x38;
	[tilespmem:$0x1DC00] =	vst v63  }
0x194: {  	_ =	swait.ge [sflag:s15], $0x1900  }
0x195: {  	[sflag:s15] =	ssyncset.done $0x0  }
0x196: {  	[sflag:s15] =	ssyncadd.s32 $0xFFFFE700  }
0x197: {  	_ =	swait.ge [sflag:s15], $0x1900  }
0x198: {  	[sflag:s15] =	ssyncset.done $0x0  }
0x199: {  	s6 =	simm.s32 @!p0 $0x7;
	[sflag:s15] =	ssyncadd.s32 $0xFFFFE700  }
0x19a: {  	_ =	swait.ge @!p0 [sflag:s6], $0x3200  }
0x19b: {  	[sflag:s6] =	ssyncset.done @!p0 $0x0  }
0x19c: {  	[sflag:s6] =	ssyncadd.s32 @!p0 $0xFFFFCE00;
	s6 =	simm.s32 $0x0  }
0x19d: {  	v0 =	vld [tilespmem:s6+$0x7EF0]  }
0x19e: {  	v1 =	vld [tilespmem:s6+$0x7E00]  }
0x19f: {  	v2 =	vld [tilespmem:s6+$0x1AAF0]  }
0x1a0: {  	v3 =	vld [tilespmem:s6+$0x7E10]  }
0x1a1: {  	v4 =	vld [tilespmem:s6+$0x7E20]  }
0x1a2: {  	v5 =	vld [tilespmem:s6+$0x7E30]  }
0x1a3: {  	v6 =	vld [tilespmem:s6+$0x7E40]  }
0x1a4: {  	v8 =	vld [tilespmem:s6+$0x7E50]  }
0x1a5: {  	v9 =	vld [tilespmem:s6+$0x7E70]  }
0x1a6: {  	v10 =	vld [tilespmem:s6+$0x7E90]  }
0x1a7: {  	v11 =	vld [tilespmem:s6+$0x7EA0]  }
0x1a8: {  	v12 =	vld [tilespmem:s6+$0x7EB0]  }
0x1a9: {  	v13 =	vld [tilespmem:s6+$0x7EC0]  }
0x1aa: {  	v14 =	vld [tilespmem:s6+$0x7ED0]  }
0x1ab: {  	v15 =	vld [tilespmem:s6+$0x7EE0]  }
0x1ac: {  	v7 =	vld [tilespmem:s6+$0x1AA00]  }
0x1ad: {  	v16 =	vld [tilespmem:s6+$0x1AA10]  }
0x1ae: {  	v17 =	vld [tilespmem:s6+$0x1AA20]  }
0x1af: {  	v18 =	vld [tilespmem:s6+$0x1AA30];
	v1 =	vmul.f32 $8.000000000e+00, v1  }
0x1b0: {  	v19 =	vld [tilespmem:s6+$0x1AA40];
	v0 =	vmul.f32 $8.000000000e+00, v0  }
0x1b1: {  	v20 =	vld [tilespmem:s6+$0x1AA50];
	v3 =	vmul.f32 $8.000000000e+00, v3;
	v1 =	vadd.f32 v7, v1  }
0x1b2: {  	v4 =	vmul.f32 $8.000000000e+00, v4;
	v0 =	vadd.f32 v2, v0;
	v2 =	vld [tilespmem:s6+$0x7E60]  }
0x1b3: {  	v21 =	vld [tilespmem:s6+$0x1AA60];
	v3 =	vadd.f32 v16, v3;
	[tilespmem:s6+$0x14600] =	vst v1;
	v1 =	vmul.f32 $8.000000000e+00, v5  }
0x1b4: {  	v4 =	vadd.f32 v17, v4;
	[tilespmem:s6+$0x146F0] =	vst v0;
	v0 =	vld [tilespmem:s6+$0x7E80]  }
0x1b5: {  	v60 =	vld [tilespmem:s6+$0x1AA70];
	[tilespmem:s6+$0x14610] =	vst v3;
	v3 =	vmul.f32 $8.000000000e+00, v6;
	v1 =	vadd.f32 v18, v1  }
0x1b6: {  	v61 =	vld [tilespmem:s6+$0x1AA80];
	[tilespmem:s6+$0x14620] =	vst v4;
	v4 =	vmul.f32 $8.000000000e+00, v8  }
0x1b7: {  	v7 =	vld [tilespmem:s6+$0x1AA90];
	v3 =	vadd.f32 v19, v3;
	[tilespmem:s6+$0x14630] =	vst v1;
	v1 =	vmul.f32 $8.000000000e+00, v2  }
0x1b8: {  	v62 =	vmul.f32 $8.000000000e+00, v9;
	v6 =	vld [tilespmem:s6+$0x1AAA0];
	v5 =	vmul.f32 $8.000000000e+00, v10;
	v2 =	vadd.f32 v20, v4  }
0x1b9: {  	v8 =	vld [tilespmem:s6+$0x1AAB0];
	[tilespmem:s6+$0x14640] =	vst v3;
	v4 =	vmul.f32 $8.000000000e+00, v11;
	v63 =	vmul.f32 $8.000000000e+00, v0;
	v1 =	vadd.f32 v21, v1  }
0x1ba: {  	v9 =	vld [tilespmem:s6+$0x1AAC0];
	v3 =	vmul.f32 $8.000000000e+00, v12;
	v12 =	vadd.f32 v60, v62;
	v0 =	vmul.f32 $8.000000000e+00, v14;
	[tilespmem:s6+$0x14650] =	vst v2  }
0x1bb: {  	s7 =	simm.s32 $0x0;
	s28 =	simm.s32 $0x400;
	v10 =	vld [tilespmem:s6+$0x1AAD0];
	v2 =	vmul.f32 $8.000000000e+00, v13;
	v11 =	vadd.f32 v61, v63;
	[tilespmem:s6+$0x14660] =	vst v1;
	v1 =	vmul.f32 $8.000000000e+00, v15  }
.LBB2_7:
0x1bc: {  	s29 =	sshra.s32 s28, $0x2;
	s7 =	sadd.s32 $0x4, s7;
	[tilespmem:s6+$0x14670] =	vst v12;
	v5 =	vadd.f32 v7, v5;
	v7 =	vld [tilespmem:s6+$0x1AAE0]  }
0x1bd: {  	v12 =	vld [tilespmem:s29+$0x7EF0];
	p2 =	slt.u32 s7, $0xC4;
	[tilespmem:s6+$0x14680] =	vst v11;
	v4 =	vadd.f32 v6, v4  }
0x1be: {  	v6 =	vld [tilespmem:s29+$0x7E00];
	[tilespmem:s6+$0x14690] =	vst v5;
	v3 =	vadd.f32 v8, v3  }
0x1bf: {  	v5 =	vld [tilespmem:s29+$0x1AAF0];
	[tilespmem:s6+$0x146A0] =	vst v4;
	v2 =	vadd.f32 v9, v2  }
0x1c0: {  	v4 =	vld [tilespmem:s29+$0x7E10];
	[tilespmem:s6+$0x146B0] =	vst v3;
	v0 =	vadd.f32 v10, v0  }
0x1c1: {  	v3 =	vld [tilespmem:s29+$0x7E20];
	[tilespmem:s6+$0x146C0] =	vst v2;
	v1 =	vadd.f32 v7, v1  }
0x1c2: {  	v2 =	vld [tilespmem:s29+$0x7E30];
	v7 =	vmul.f32 $8.000000000e+00, v12;
	[tilespmem:s6+$0x146D0] =	vst v0  }
0x1c3: {  	v6 =	vmul.f32 $8.000000000e+00, v6;
	v0 =	vld [tilespmem:s29+$0x7E40];
	[tilespmem:s6+$0x146E0] =	vst v1;
	s6 =	smov.u32 s29  }
0x1c4: {  	v1 =	vld [tilespmem:s6+$0x7E50];
	v5 =	vadd.f32 v5, v7  }
0x1c5: {  	v7 =	vmul.f32 $8.000000000e+00, v4;
	v4 =	vld [tilespmem:s6+$0x7E60]  }
0x1c6: {  	v8 =	vmul.f32 $8.000000000e+00, v3;
	v3 =	vld [tilespmem:s6+$0x7E70];
	[tilespmem:s6+$0x146F0] =	vst v5  }
0x1c7: {  	v9 =	vmul.f32 $8.000000000e+00, v2;
	v2 =	vld [tilespmem:s6+$0x7E80]  }
0x1c8: {  	v10 =	vmul.f32 $8.000000000e+00, v0;
	v0 =	vld [tilespmem:s6+$0x7E90]  }
0x1c9: {  	v11 =	vmul.f32 $8.000000000e+00, v1;
	v1 =	vld [tilespmem:s6+$0x7EA0]  }
0x1ca: {  	v12 =	vmul.f32 $8.000000000e+00, v4;
	v13 =	vld [tilespmem:s6+$0x7EB0]  }
0x1cb: {  	v14 =	vmul.f32 $8.000000000e+00, v3;
	v15 =	vld [tilespmem:s6+$0x7EC0]  }
0x1cc: {  	v16 =	vmul.f32 $8.000000000e+00, v2;
	v17 =	vld [tilespmem:s6+$0x7ED0]  }
0x1cd: {  	v5 =	vmul.f32 $8.000000000e+00, v0;
	v18 =	vld [tilespmem:s6+$0x7EE0]  }
0x1ce: {  	v19 =	vld [tilespmem:s6+$0x1AA00];
	v4 =	vmul.f32 $8.000000000e+00, v1  }
0x1cf: {  	v20 =	vld [tilespmem:s6+$0x1AA10];
	v3 =	vmul.f32 $8.000000000e+00, v13  }
0x1d0: {  	v13 =	vld [tilespmem:s6+$0x1AA20];
	v2 =	vmul.f32 $8.000000000e+00, v15  }
0x1d1: {  	v15 =	vld [tilespmem:s6+$0x1AA30];
	v0 =	vmul.f32 $8.000000000e+00, v17  }
0x1d2: {  	v17 =	vld [tilespmem:s6+$0x1AA40];
	v1 =	vmul.f32 $8.000000000e+00, v18  }
0x1d3: {  	v6 =	vadd.f32 v19, v6;
	v18 =	vld [tilespmem:s6+$0x1AA50]  }
0x1d4: {  	v7 =	vadd.f32 v20, v7;
	v19 =	vld [tilespmem:s6+$0x1AA60]  }
0x1d5: {  	[tilespmem:s6+$0x14600] =	vst v6;
	v6 =	vadd.f32 v13, v8;
	v13 =	vld [tilespmem:s6+$0x1AA70]  }
0x1d6: {  	[tilespmem:s6+$0x14610] =	vst v7;
	v8 =	vadd.f32 v15, v9;
	v15 =	vld [tilespmem:s6+$0x1AA80]  }
.Ltmp2:
0x1d7: {  	[tilespmem:s6+$0x14620] =	vst v6;
	v9 =	vadd.f32 v17, v10;
	v7 =	vld [tilespmem:s6+$0x1AA90];
	(pc) =	sbr.rel @p2 .LBB2_7-.Ltmp2, $4  }
0x1d8: {  	[tilespmem:s6+$0x14630] =	vst v8;
	v10 =	vadd.f32 v18, v11;
	v6 =	vld [tilespmem:s6+$0x1AAA0]  }
0x1d9: {  	[tilespmem:s6+$0x14640] =	vst v9;
	v11 =	vadd.f32 v19, v12;
	v8 =	vld [tilespmem:s6+$0x1AAB0]  }
0x1da: {  	[tilespmem:s6+$0x14650] =	vst v10;
	v12 =	vadd.f32 v13, v14;
	v9 =	vld [tilespmem:s6+$0x1AAC0]  }
0x1db: {  	s28 =	sadd.s32 $0x400, s28;
	[tilespmem:s6+$0x14660] =	vst v11;
	v11 =	vadd.f32 v15, v16;
	v10 =	vld [tilespmem:s6+$0x1AAD0]  }
0x1dc: {  	[tilespmem:s6+$0x14670] =	vst v12;
	v5 =	vadd.f32 v7, v5;
	v7 =	vld [tilespmem:s6+$0x1AAE0]  }
0x1dd: {  	[tilespmem:s6+$0x14680] =	vst v11;
	v4 =	vadd.f32 v6, v4  }
0x1de: {  	[tilespmem:s6+$0x14690] =	vst v5;
	v3 =	vadd.f32 v8, v3  }
0x1df: {  	[tilespmem:s6+$0x146A0] =	vst v4;
	v2 =	vadd.f32 v9, v2  }
0x1e0: {  	[tilespmem:s6+$0x146B0] =	vst v3;
	v0 =	vadd.f32 v10, v0  }
0x1e1: {  	[tilespmem:s6+$0x146C0] =	vst v2;
	v1 =	vadd.f32 v7, v1  }
0x1e2: {  	[tilespmem:s6+$0x146D0] =	vst v0  }
0x1e3: {  	s7 =	simm.s32 @!p1 $0x64;
	s28 =	simm.s32 @!p1 $0x7E00;
	[tilespmem:s6+$0x146E0] =	vst v1;
	s6 =	sadd.s32 @!p1 $0x4E0, s25  }
0x1e4: {  	[tilespmem:s28], [sflag:$0x3] =	stream.indirect.gather @!p1 [hbm4b:s5+s7], $0x40, s6, s7, $0xb8;
	[tilespmem:$0x1DC00] =	vst v63  }
0x1e5: {  	s30 =	sadd.s32 s26, s9;
	s6 =	sadd.s32 @!p1 $0x548, s25;
	s28 =	simm.s32 @!p1 $0x9700  }
0x1e6: {  	[tilespmem:s28], [sflag:$0x3] =	stream.indirect.gather @!p1 [hbm4b:s5+s7], $0x40, s6, s7, $0xb8;
	[tilespmem:$0x1DC00] =	vst v63  }
0x1e7: {  	s6 =	sshll.u32 s30, $0x3  }
0x1e8: {  	s6 =	sand.u32 $0x1FFFFF80, s6  }
0x1e9: {  	s6 =	sadd.s32 s2, s6  }
0x1ea: {  	[hbm4b:s6+s3] =	stream.linear.scatter [tilespmem:s16], [sflag:$0x7], $0x3200, $0x38;
	[tilespmem:$0x1DC00] =	vst v63  }
0x1eb: {  	_ =	swait.ge [sflag:s17], $0x1900  }
0x1ec: {  	[sflag:s17] =	ssyncset.done $0x0  }
0x1ed: {  	[sflag:s17] =	ssyncadd.s32 $0xFFFFE700  }
0x1ee: {  	_ =	swait.ge [sflag:s17], $0x1900  }
0x1ef: {  	[sflag:s17] =	ssyncset.done $0x0  }
0x1f0: {  	s6 =	simm.s32 @!p0 $0x8;
	[sflag:s17] =	ssyncadd.s32 $0xFFFFE700  }
0x1f1: {  	_ =	swait.ge @!p0 [sflag:s6], $0x3200  }
0x1f2: {  	[sflag:s6] =	ssyncset.done @!p0 $0x0  }
0x1f3: {  	[sflag:s6] =	ssyncadd.s32 @!p0 $0xFFFFCE00;
	s6 =	simm.s32 $0x0  }
0x1f4: {  	v0 =	vld [tilespmem:s6+$0xB0F0]  }
0x1f5: {  	v1 =	vld [tilespmem:s6+$0xB000]  }
0x1f6: {  	v2 =	vld [tilespmem:s6+$0x1AAF0]  }
0x1f7: {  	v3 =	vld [tilespmem:s6+$0xB010]  }
0x1f8: {  	v4 =	vld [tilespmem:s6+$0xB020]  }
0x1f9: {  	v5 =	vld [tilespmem:s6+$0xB030]  }
0x1fa: {  	v6 =	vld [tilespmem:s6+$0xB040]  }
0x1fb: {  	v8 =	vld [tilespmem:s6+$0xB050]  }
0x1fc: {  	v9 =	vld [tilespmem:s6+$0xB070]  }
0x1fd: {  	v10 =	vld [tilespmem:s6+$0xB090]  }
0x1fe: {  	v11 =	vld [tilespmem:s6+$0xB0A0]  }
0x1ff: {  	v12 =	vld [tilespmem:s6+$0xB0B0]  }
0x200: {  	v13 =	vld [tilespmem:s6+$0xB0C0]  }
0x201: {  	v14 =	vld [tilespmem:s6+$0xB0D0]  }
0x202: {  	v15 =	vld [tilespmem:s6+$0xB0E0]  }
0x203: {  	v7 =	vld [tilespmem:s6+$0x1AA00]  }
0x204: {  	v16 =	vld [tilespmem:s6+$0x1AA10]  }
0x205: {  	v17 =	vld [tilespmem:s6+$0x1AA20]  }
0x206: {  	v18 =	vld [tilespmem:s6+$0x1AA30];
	v1 =	vmul.f32 $8.000000000e+00, v1  }
0x207: {  	v19 =	vld [tilespmem:s6+$0x1AA40];
	v0 =	vmul.f32 $8.000000000e+00, v0  }
0x208: {  	v20 =	vld [tilespmem:s6+$0x1AA50];
	v3 =	vmul.f32 $8.000000000e+00, v3;
	v1 =	vadd.f32 v7, v1  }
0x209: {  	v4 =	vmul.f32 $8.000000000e+00, v4;
	v0 =	vadd.f32 v2, v0;
	v2 =	vld [tilespmem:s6+$0xB060]  }
0x20a: {  	v21 =	vld [tilespmem:s6+$0x1AA60];
	v3 =	vadd.f32 v16, v3;
	[tilespmem:s6+$0x17800] =	vst v1;
	v1 =	vmul.f32 $8.000000000e+00, v5  }
0x20b: {  	v4 =	vadd.f32 v17, v4;
	[tilespmem:s6+$0x178F0] =	vst v0;
	v0 =	vld [tilespmem:s6+$0xB080]  }
0x20c: {  	v60 =	vld [tilespmem:s6+$0x1AA70];
	[tilespmem:s6+$0x17810] =	vst v3;
	v3 =	vmul.f32 $8.000000000e+00, v6;
	v1 =	vadd.f32 v18, v1  }
0x20d: {  	v61 =	vld [tilespmem:s6+$0x1AA80];
	[tilespmem:s6+$0x17820] =	vst v4;
	v4 =	vmul.f32 $8.000000000e+00, v8  }
0x20e: {  	v7 =	vld [tilespmem:s6+$0x1AA90];
	v3 =	vadd.f32 v19, v3;
	[tilespmem:s6+$0x17830] =	vst v1;
	v1 =	vmul.f32 $8.000000000e+00, v2  }
0x20f: {  	v62 =	vmul.f32 $8.000000000e+00, v9;
	v6 =	vld [tilespmem:s6+$0x1AAA0];
	v5 =	vmul.f32 $8.000000000e+00, v10;
	v2 =	vadd.f32 v20, v4  }
0x210: {  	v8 =	vld [tilespmem:s6+$0x1AAB0];
	[tilespmem:s6+$0x17840] =	vst v3;
	v4 =	vmul.f32 $8.000000000e+00, v11;
	v63 =	vmul.f32 $8.000000000e+00, v0;
	v1 =	vadd.f32 v21, v1  }
0x211: {  	v9 =	vld [tilespmem:s6+$0x1AAC0];
	v3 =	vmul.f32 $8.000000000e+00, v12;
	v12 =	vadd.f32 v60, v62;
	v0 =	vmul.f32 $8.000000000e+00, v14;
	[tilespmem:s6+$0x17850] =	vst v2  }
0x212: {  	s7 =	simm.s32 $0x0;
	s28 =	simm.s32 $0x400;
	v10 =	vld [tilespmem:s6+$0x1AAD0];
	v2 =	vmul.f32 $8.000000000e+00, v13;
	v11 =	vadd.f32 v61, v63;
	[tilespmem:s6+$0x17860] =	vst v1;
	v1 =	vmul.f32 $8.000000000e+00, v15  }
.LBB2_9:
0x213: {  	s29 =	sshra.s32 s28, $0x2;
	s7 =	sadd.s32 $0x4, s7;
	[tilespmem:s6+$0x17870] =	vst v12;
	v5 =	vadd.f32 v7, v5;
	v7 =	vld [tilespmem:s6+$0x1AAE0]  }
0x214: {  	v12 =	vld [tilespmem:s29+$0xB0F0];
	p0 =	slt.u32 s7, $0xC4;
	[tilespmem:s6+$0x17880] =	vst v11;
	v4 =	vadd.f32 v6, v4  }
0x215: {  	v6 =	vld [tilespmem:s29+$0xB000];
	[tilespmem:s6+$0x17890] =	vst v5;
	v3 =	vadd.f32 v8, v3  }
0x216: {  	v5 =	vld [tilespmem:s29+$0x1AAF0];
	[tilespmem:s6+$0x178A0] =	vst v4;
	v2 =	vadd.f32 v9, v2  }
0x217: {  	v4 =	vld [tilespmem:s29+$0xB010];
	[tilespmem:s6+$0x178B0] =	vst v3;
	v0 =	vadd.f32 v10, v0  }
0x218: {  	v3 =	vld [tilespmem:s29+$0xB020];
	[tilespmem:s6+$0x178C0] =	vst v2;
	v1 =	vadd.f32 v7, v1  }
0x219: {  	v2 =	vld [tilespmem:s29+$0xB030];
	v7 =	vmul.f32 $8.000000000e+00, v12;
	[tilespmem:s6+$0x178D0] =	vst v0  }
0x21a: {  	v6 =	vmul.f32 $8.000000000e+00, v6;
	v0 =	vld [tilespmem:s29+$0xB040];
	[tilespmem:s6+$0x178E0] =	vst v1;
	s6 =	smov.u32 s29  }
0x21b: {  	v1 =	vld [tilespmem:s6+$0xB050];
	v5 =	vadd.f32 v5, v7  }
0x21c: {  	v7 =	vmul.f32 $8.000000000e+00, v4;
	v4 =	vld [tilespmem:s6+$0xB060]  }
0x21d: {  	v8 =	vmul.f32 $8.000000000e+00, v3;
	v3 =	vld [tilespmem:s6+$0xB070];
	[tilespmem:s6+$0x178F0] =	vst v5  }
0x21e: {  	v9 =	vmul.f32 $8.000000000e+00, v2;
	v2 =	vld [tilespmem:s6+$0xB080]  }
0x21f: {  	v10 =	vmul.f32 $8.000000000e+00, v0;
	v0 =	vld [tilespmem:s6+$0xB090]  }
0x220: {  	v11 =	vmul.f32 $8.000000000e+00, v1;
	v1 =	vld [tilespmem:s6+$0xB0A0]  }
0x221: {  	v12 =	vmul.f32 $8.000000000e+00, v4;
	v13 =	vld [tilespmem:s6+$0xB0B0]  }
0x222: {  	v14 =	vmul.f32 $8.000000000e+00, v3;
	v15 =	vld [tilespmem:s6+$0xB0C0]  }
0x223: {  	v16 =	vmul.f32 $8.000000000e+00, v2;
	v17 =	vld [tilespmem:s6+$0xB0D0]  }
0x224: {  	v5 =	vmul.f32 $8.000000000e+00, v0;
	v18 =	vld [tilespmem:s6+$0xB0E0]  }
0x225: {  	v19 =	vld [tilespmem:s6+$0x1AA00];
	v4 =	vmul.f32 $8.000000000e+00, v1  }
0x226: {  	v20 =	vld [tilespmem:s6+$0x1AA10];
	v3 =	vmul.f32 $8.000000000e+00, v13  }
0x227: {  	v13 =	vld [tilespmem:s6+$0x1AA20];
	v2 =	vmul.f32 $8.000000000e+00, v15  }
0x228: {  	v15 =	vld [tilespmem:s6+$0x1AA30];
	v0 =	vmul.f32 $8.000000000e+00, v17  }
0x229: {  	v17 =	vld [tilespmem:s6+$0x1AA40];
	v1 =	vmul.f32 $8.000000000e+00, v18  }
0x22a: {  	v6 =	vadd.f32 v19, v6;
	v18 =	vld [tilespmem:s6+$0x1AA50]  }
0x22b: {  	v7 =	vadd.f32 v20, v7;
	v19 =	vld [tilespmem:s6+$0x1AA60]  }
0x22c: {  	[tilespmem:s6+$0x17800] =	vst v6;
	v6 =	vadd.f32 v13, v8;
	v13 =	vld [tilespmem:s6+$0x1AA70]  }
0x22d: {  	[tilespmem:s6+$0x17810] =	vst v7;
	v8 =	vadd.f32 v15, v9;
	v15 =	vld [tilespmem:s6+$0x1AA80]  }
.Ltmp3:
0x22e: {  	[tilespmem:s6+$0x17820] =	vst v6;
	v9 =	vadd.f32 v17, v10;
	v7 =	vld [tilespmem:s6+$0x1AA90];
	(pc) =	sbr.rel @p0 .LBB2_9-.Ltmp3, $4  }
0x22f: {  	[tilespmem:s6+$0x17830] =	vst v8;
	v10 =	vadd.f32 v18, v11;
	v6 =	vld [tilespmem:s6+$0x1AAA0]  }
0x230: {  	[tilespmem:s6+$0x17840] =	vst v9;
	v11 =	vadd.f32 v19, v12;
	v8 =	vld [tilespmem:s6+$0x1AAB0]  }
0x231: {  	[tilespmem:s6+$0x17850] =	vst v10;
	v12 =	vadd.f32 v13, v14;
	v9 =	vld [tilespmem:s6+$0x1AAC0]  }
0x232: {  	s28 =	sadd.s32 $0x400, s28;
	[tilespmem:s6+$0x17860] =	vst v11;
	v11 =	vadd.f32 v15, v16;
	v10 =	vld [tilespmem:s6+$0x1AAD0]  }
0x233: {  	[tilespmem:s6+$0x17870] =	vst v12;
	v5 =	vadd.f32 v7, v5;
	v63 =	vld [tilespmem:s6+$0x1AAE0]  }
0x234: {  	[tilespmem:s6+$0x17880] =	vst v11;
	v4 =	vadd.f32 v6, v4  }
0x235: {  	[tilespmem:s6+$0x17890] =	vst v5;
	v3 =	vadd.f32 v8, v3  }
0x236: {  	[tilespmem:s6+$0x178A0] =	vst v4;
	v2 =	vadd.f32 v9, v2  }
0x237: {  	[tilespmem:s6+$0x178B0] =	vst v3;
	v0 =	vadd.f32 v10, v0  }
0x238: {  	[tilespmem:s6+$0x178C0] =	vst v2;
	v1 =	vadd.f32 v63, v1  }
0x239: {  	s7 =	simm.s32 @!p1 $0x64;
	[tilespmem:s6+$0x178D0] =	vst v0  }
0x23a: {  	s28 =	simm.s32 @!p1 $0xB000;
	s24 =	sadd.s32 $0x1, s24;
	[tilespmem:s6+$0x178E0] =	vst v1;
	s6 =	sadd.s32 @!p1 $0x5B0, s25  }
0x23b: {  	[tilespmem:s28], [sflag:$0x4] =	stream.indirect.gather @!p1 [hbm4b:s5+s7], $0x40, s6, s7, $0xb8;
	[tilespmem:$0x1DC00] =	vst v63  }
0x23c: {  	p0 =	sne.s32 s24, $0x8;
	s6 =	sadd.s32 @!p1 $0x618, s25;
	s25 =	simm.s32 @!p1 $0xC900  }
0x23d: {  	[tilespmem:s25], [sflag:$0x4] =	stream.indirect.gather @!p1 [hbm4b:s5+s7], $0x40, s6, s7, $0xb8;
	[tilespmem:$0x1DC00] =	vst v63  }
.Ltmp4:
0x23e: {  	s30 =	sadd.s32 s26, s10;
	(pc) =	sbr.rel @p0 .LBB2_2-.Ltmp4, $4  }
0x23f: {  	s6 =	sshll.u32 s30, $0x3  }
0x240: {  	s6 =	sand.u32 $0x1FFFFFC0, s6  }
0x241: {  	s6 =	sadd.s32 s2, s6  }
0x242: {  	[hbm4b:s6+s3] =	stream.linear.scatter [tilespmem:s18], [sflag:$0x8], $0x3200, $0x38;
	[tilespmem:$0x1DC00] =	vst v63  }
0x243: {  	_ =	swait.ge [sflag:s19], $0x3200  }
0x244: {  	[sflag:s19] =	ssyncset.done $0x0  }
0x245: {  	[sflag:s19] =	ssyncadd.s32 $0xFFFFCE00  }
0x246: {  	_ =	swait.ge [sflag:s20], $0x3200  }
0x247: {  	[sflag:s20] =	ssyncset.done $0x0  }
0x248: {  	s23 =	sadd.s32 $0x1, s23;
	[sflag:s20] =	ssyncadd.s32 $0xFFFFCE00  }
0x249: {  	p0 =	sne.s32 s23, s11;
	_ =	swait.ge [sflag:s21], $0x3200  }
.Ltmp5:
0x24a: {  	[sflag:s21] =	ssyncset.done $0x0;
	(pc) =	sbr.rel @p0 .LBB2_1-.Ltmp5, $4  }
0x24b: {  	[sflag:s21] =	ssyncadd.s32 $0xFFFFCE00  }
0x24c: {  	_ =	swait.ge [sflag:s22], $0x3200  }
0x24d: {  	[sflag:s22] =	ssyncset.done $0x0  }
0x24e: {  	[sflag:s22] =	ssyncadd.s32 $0xFFFFCE00  }
0x24f: {  	_ =	sfence.sel $0x180000  }
0x250: {  	[bflag:$0x0] =	sbarrier.arrive $0xFFFF  }
0x251: {  	_ =	strace $0x90000047  }
0x252: {  	s0 =	stileid.u32;
	[bflag:$0x2] =	sbarrier.arrive $0xFFFF  }
0x253: {  	p0 =	sne.s32 s0, $0x0;
	s0 =	rddreg [dreg:$0x2]  }
0x254: {  	s0 =	sadd.s32 @!p0 $0x100000, s0  }
0x255: {  	[sflag:s0] =	ssyncadd.tile.s32 @!p0 $0x1;
	_ =	shalt  }
.Lfunc_end2:
_tile_overlayer_lowered:
.L_overlay_start_2:
0x256: {  	(tag) =	ssettag $0x2  }
0x257: {  	s0 =	rddreg [dreg:$0x0];
	s2 =	stileid.u32  }
0x258: {  	s1 =	rddreg [dreg:$0x1];
	p0 =	sne.s32 s2, $0x0  }
0x259: {  	s3 =	rddreg [dreg:$0x2];
	[bflag:$0x3] =	sbarrier.arrive $0xFFFF;
	s2 =	simm.s32 @!p0 $0x1C09  }
0x25a: {  	[timem:s3], [sflag:s2] =	dma.local @!p0 [hbm:s0], s1  }
0x25b: {  	s0 =	simm.s32 @!p0 $0x9  }
0x25c: {  	_ =	swait.ge @!p0 [sflag:s0], s1  }
0x25d: {  	s1 =	ssub.s32 @!p0 $0x0, s1;
	[sflag:s0] =	ssyncset.done @!p0 $0x0  }
0x25e: {  	[sflag:s0] =	ssyncadd.s32 @!p0 s1  }
0x25f: {  	[bflag:$0x3] =	sbarrier.arrive $0xFFFF  }
0x260: {  	_ =	shalt  }

// kernel: sparse-core-data-format-call.cloned.1.call-start
scs
called_computation_lowered:
.L_overlay_start_0:
0x0: {  	s2 =	sld [smem:$0x3FD9]  }
0x1: {  	s3 =	sld [smem:$0x3FFE];
	_ =	sdelay $0x1  }
0x2: {  	s1 =	srdreg.scid  }
0x3: {  	s0 =	sand.u32 $0x1, s1  }
0x4: {  	s18 =	sshll.u32 s0, $0xA;
	s2 =	sadd.s32 s3, s2  }
0x5: {  	s2 =	sadd.s32 s2, s18  }
0x6: {  	[smem:$0x3FC6] =	sst s2  }
0x7: {  	_ = 	snop  }
0x8: {  	s2 =	sld [smem:$0x3FD0];
	(tm) =	ssettm $0x1  }
0x9: {  	s19 =	sld [smem:$0x3FFB];
	_ =	sdelay $0x3  }
0xa: {  	_ =	strace s19  }
0xb: {  	s3 =	sld [smem:$0x3FFC];
	_ =	sdelay $0x3  }
0xc: {  	_ =	strace s3  }
0xd: {  	s3 =	sld [smem:$0x3FFD];
	_ =	sdelay $0x3  }
0xe: {  	_ =	strace s3  }
0xf: {  	_ =	strace $0x8FFFFFFF  }
0x10: {  	s20 =	sld [smem:$0x3FDB];
	_ =	sdelay $0x1  }
0x11: {  	s4 =	simm.s32 $_scs_section_size  }
0x12: {  	s5 =	simm.s32 $_size__tile_overlayer_lowered;
	s6 =	simm.s32 $_tile_overlayer_lowered  }
0x13: {  	s23 =	simm.s32 $0x1BFF;
	s22 =	sshll.u32 s6, $0x1;
	s3 =	sadd.s32 s4, s20  }
0x14: {  	s7 =	simm.s32 $0x0;
	s21 =	sshll.u32 s5, $0x1;
	s5 =	sadd.s32 s22, s3  }
0x15: {  	[timem:s7], [sflag:s23] =	dma.local [hbm:s5], s21  }
0x16: {  	_ =	swait.ge [sflag:s23], s21  }
0x17: {  	s4 =	ssub.s32 $0x0, s21;
	[sflag:s23] =	ssyncset.done $0x0  }
0x18: {  	[sflag:s23] =	ssyncadd.s32 s4;
	_ =	sdelay $0x1  }
0x19: {  	s24 =	simm.s32 $0x1B8B  }
0x1a: {  	_ =	swait.ge [sflag:s24], $0x1  }
0x1b: {  	[sflag:s24] =	ssyncset.done $0x0  }
0x1c: {  	s26 =	simm.s32 $0x1B8E;
	s25 =	sld [smem:$0x3FFE];
	[sflag:s24] =	ssyncadd.s32 $0xFFFFFFFF  }
0x1d: {  	s27 =	simm.s32 $execute0_lowered;
	[smem:$0x3FD2] =	sst s26  }
0x1e: {  	s5 =	sshll.u32 s27, $0x1;
	_ =	strace $0x80000049;
	[dreg:$0x1] =	wrdreg $0xFFFFFFFF  }
0x1f: {  	s28 =	simm.s32 $_size_execute0_lowered;
	s3 =	sadd.s32 s3, s5;
	[dreg:$0x0] =	wrdreg $0x0  }
0x20: {  	s5 =	sshll.u32 s28, $0x1;
	[dreg:$0x2] =	wrdreg s3  }
0x21: {  	[dreg:$0x3] =	wrdreg s5  }
0x22: {  	[dreg:$0x4] =	wrdreg $0xC0  }
0x23: {  	_ =	task [dreg:s7], $0x5FFFF  }
0x24: {  	[dreg:$0x1] =	wrdreg $0xFFFFFFFF  }
0x25: {  	[dreg:$0x0] =	wrdreg $0x60  }
0x26: {  	[dreg:$0x2] =	wrdreg s25  }
0x27: {  	[dreg:$0x3] =	wrdreg s2  }
0x28: {  	[dreg:$0x4] =	wrdreg $0x9  }
0x29: {  	_ =	task.clear_ibuf [dreg:s7], $0x5FFFF;
	_ =	strace $0x90000049  }
0x2a: {  	s29 =	simm.s32 $0x9;
	_ =	strace $0x8000004B  }
0x2b: {  	_ =	swait.ge [sflag:s29], $0x1  }
0x2c: {  	[sflag:s29] =	ssyncadd.s32 $0xFFFFFFFF  }
0x2d: {  	_ =	strace $0x9000004B  }
0x2e: {  	_ =	sfence  }
0x2f: {  	s30 =	sld [smem:$0x0];
	_ =	sdelay $0x2  }
0x30: {  	s31 =	sshll.u32 s1, $0xD;
	s1 =	sshrl.u32 s1, $0x2  }
0x31: {  	s3 =	sand.u32 $0x4000, s31;
	s1 =	sadd.s32 s1, s30  }
0x32: {  	s0 =	sor.u32 s3, s0;
	s1 =	sshll.u32 s1, $0x11  }
0x33: {  	s0 =	sor.u32 s1, s0  }
0x34: {  	s0 =	sadd.s32 $0x8F2B, s0  }
0x35: {  	[sflag:s0] =	ssyncadd.remote.s32 $0x1  }
0x36: {  	_ =	sfence.sel $0xFFFF  }
0x37: {  	[dreg:$0x0] =	wrdreg $0xFFFFFFFF;
	(pc) =	sbr.abs _section_cstart, $3  }
0x38: {  	[dreg:$0x1] =	wrdreg $0xFFFFFFFF  }
0x39: {  	_ =	task.clear_ibuf [dreg:s7], $0x2FFFF;
	_ =	strace $0x9FFFFFFF  }
0x3a: {  	(tm) =	ssettm $0x7FFFFFFF  }
0x3b: {  	_ =	shalt  }
tec
execute0_lowered:
.L_overlay_start_1:
0x0: {  	(tag) =	ssettag $0x1  }
0x1: {  	s0 =	stileid.u32;
	s6 =	rddreg [dreg:$0x0]  }
0x2: {  	s2 =	rddreg [dreg:$0x1];
	s5 =	srdreg.scid  }
0x3: {  	s31 =	simm.s32 $0x2;
	s13 =	simm.s32 $0x0;
	s1 =	sshll.u32 s0, $0x7  }
0x4: {  	s14 =	simm.s32 $0x0;
	s12 =	simm.s32 $0x0;
	s3 =	sand.u32 $0x380, s1  }
0x5: {  	s5 =	sshll.u32 s5, $0x4;
	s6 =	sadd.s32 $0xC00, s6;
	s4 =	ssub.s32 $0x400, s3  }
0x6: {  	s1 =	rddreg [dreg:$0x2];
	_ =	strace $0x8000004A;
	s7 =	sand.u32 $0x380, s4  }
0x7: {  	s5 =	sand.u32 $0x10, s5;
	p0 =	sne.s32 s7, $0x0;
	s7 =	simm.s32 $0x1  }
.Ltmp0:
0x8: {  	s8 =	sshrl.u32 s4, $0xA;
	s7 =	simm.s32 @!p0 $0x0;
	(pc) =	sbr.rel .LBB1_1-.Ltmp0, $4  }
0x9: {  	s9 =	sor.u32 s0, s5;
	s4 =	simm.s32 $0x1;
	s30 =	sadd.s32 s7, s8  }
0xa: {  	s11 =	smov.u32 s3;
	[sflag:s4] =	ssyncpa.u1 $0x0;
	s5 =	smul.u32 $0x32, s30  }
0xb: {  	[sflag:s31] =	ssyncpa.u1 $0x0;
	p0 =	por $0x0, $0x0;
	s7 =	sshrl.u32 s9, $0x3  }
0xc: {  	s9 =	simm.s32 $0x2000;
	s10 =	smov.u32 s7;
	s8 =	sor.u32 $0x1, s5  }
.LBB1_4:
0xd: {  	s17 =	sand.u32 $0x1F80, s14;
	s13 =	sshll.u32 s13, $0xD  }
0xe: {  	[tilespmem:s16+$0x810 ss:$0x81] =	vst.msk $0xffff, v2;
	s18 =	sshrl.u32 s14, $0x3;
	s31 =	sand.u32 $0x7, s14;
	s17 =	sadd.s32 s2, s17  }
0xf: {  	[tilespmem:s16+$0x1020 ss:$0x81] =	vst.msk $0xffff, v0;
	s18 =	sand.u32 $0xF, s18;
	s14 =	sshll.u32 s31, $0x12;
	s13 =	sadd.s32 s13, s17  }
0x10: {  	[tilespmem:s16+$0x0 ss:$0x81] =	vst.msk $0xffff, v1;
	s14 =	sor.u32 $0x400, s14;
	s13 =	sadd.s32 s18, s13  }
0x11: {  	[hbm4b:s13+s14] =	stream.strided.scatter [tilespmem:s15], [sflag:$0x2], $0x2000, s9, s14, $0x20;
	[tilespmem:$0x8080] =	vst v63  }
.LBB1_5:
0x12: {  	s15 =	sadd.s32 $0x4, s10  }
0x13: {  	s13 =	sadd.s32 $0x400, s11;
	s17 =	smov.u32 s11;
	p2 =	sgt.s32 s15, $0xC7  }
0x14: {  	s17 =	smov.u32 @p2 s13  }
0x15: {  	s15 =	smov.u32 @p2 s7;
	p2 =	sgt.s32 s17, $0x3FF  }
0x16: {  	s17 =	smov.u32 @p2 s3;
	p2 =	sne.s32 s12, s8  }
.Ltmp1:
0x17: {  	p1 =	slt.u32 s12, $0x2;
	(pc) =	sbr.rel @!p2 .LBB1_6-.Ltmp1, $4  }
0x18: {  	s16 =	simm.s32 @!p1 $0x2  }
0x19: {  	s14 =	smov.u32 s11;
	p0 =	por !p0, !p0;
	_ =	swait.ge @!p1 [sflag:s16], $0x2000  }
0x1a: {  	s13 =	smov.u32 s10;
	[sflag:s16] =	ssyncset.done @!p1 $0x0;
	s10 =	smov.u32 s15  }
0x1b: {  	s12 =	sadd.s32 $0x1, s12;
	[sflag:s16] =	ssyncadd.s32 @!p1 $0xFFFFE000;
	s11 =	smov.u32 s17  }
.LBB1_1:
0x1c: {  	p1 =	sge.u32 s12, s5  }
0x1d: {  	s15 =	sand.u32 @!p1 $0x1FFFFFF, s10  }
0x1e: {  	s16 =	smulhi.u32 @!p1 $0x147AE15, s15;
	_ =	sdelay $0x1  }
0x1f: {  	s16 =	smul.u32 @!p1 $0xC8, s16  }
0x20: {  	s17 =	sxor.u32 @!p1 $0xFFFFFFFF, s12;
	s18 =	smul.u32 @!p1 $0xC80, s11  }
0x21: {  	s31 =	sadd.s32 $0xFFFFFFFF, s12;
	s17 =	sshll.u32 @!p1 s17, $0xD;
	s15 =	ssub.s32 @!p1 s15, s16  }
0x22: {  	s16 =	sand.u32 @!p1 $0x2000, s17;
	s17 =	sadd.s32 @!p1 s6, s18;
	s15 =	sshll.u32 @!p1 s15, $0x4  }
0x23: {  	s18 =	simm.s32 @!p1 $0x6400;
	s15 =	sadd.s32 @!p1 s15, s17;
	s17 =	simm.s32 @!p1 $0x40  }
0x24: {  	[tilespmem:s16], [sflag:$0x1] =	stream.strided.gather @!p1 [hbm4b:s15+s17], $0x2000, s18, s17, $0x38;
	[tilespmem:$0x8080] =	vst v63  }
0x25: {  	p1 =	sge.u32 s31, s5  }
.Ltmp2:
0x26: {  	_ = 	snop;
	(pc) =	sbr.rel @p1 .LBB1_5-.Ltmp2, $1  }
0x27: {  	_ =	sdelay $0x3  }
0x28: {  	s15 =	simm.s32 $0x1  }
0x29: {  	_ =	swait.ge [sflag:s4], $0x2000;
	s15 =	simm.s32 @!p0 $0x0  }
0x2a: {  	[sflag:s4] =	ssyncset.done $0x0;
	s16 =	sshll.u32 s15, $0xD  }
0x2b: {  	[sflag:s4] =	ssyncadd.s32 $0xFFFFE000;
	s19 =	sor.u32 $0x20, s16  }
0x2c: {  	s15 =	smul.u32 $0x8100, s15;
	v3 =	vld [tilespmem:s19+$0x10]  }
0x2d: {  	s30 =	sand.u32 $0x1, s12;
	v2 =	vld [tilespmem:s19+$0xFFFFFFF0]  }
0x2e: {  	s16 =	smul.u32 $0x8100, s30;
	s15 =	sshrl.u32 s15, $0x2;
	v0 =	vld [tilespmem:s19+$0x0]  }
0x2f: {  	v1 =	vld [tilespmem:s19+$0xFFFFFFE0];
	s17 =	sor.u32 $0x4000, s15  }
0x30: {  	s31 =	sshrl.u32 s16, $0x2;
	s16 =	sadd.s32 $0x0, s17  }
0x31: {  	s18 =	simm.s32 $0x4;
	s19 =	sadd.s32 $0x40, s19;
	s15 =	sor.u32 $0x4000, s31;
	[tilespmem:s16+$0x1830 ss:$0x81] =	vst.msk $0xffff, v3  }
.LBB1_3:
0x32: {  	v3 =	vld [tilespmem:s19+$0x10];
	p1 =	sne.s32 s18, $0x1FC;
	[tilespmem:s16+$0x810 ss:$0x81] =	vst.msk $0xffff, v2;
	s20 =	smov.u32 s18;
	s18 =	sadd.s32 $0x4, s18  }
.Ltmp3:
0x33: {  	v2 =	vld [tilespmem:s19+$0xFFFFFFF0];
	[tilespmem:s16+$0x1020 ss:$0x81] =	vst.msk $0xffff, v0;
	(pc) =	sbr.rel @p1 .LBB1_3-.Ltmp3, $4  }
0x34: {  	v0 =	vld [tilespmem:s19+$0x0];
	[tilespmem:s16+$0x0 ss:$0x81] =	vst.msk $0xffff, v1  }
0x35: {  	s16 =	sshra.s32 s20, $0x2;
	v1 =	vld [tilespmem:s19+$0xFFFFFFE0]  }
0x36: {  	s16 =	sadd.s32 s16, s17  }
0x37: {  	s19 =	sadd.s32 $0x40, s19;
	[tilespmem:s16+$0x1830 ss:$0x81] =	vst.msk $0xffff, v3  }
.Ltmp4:
0x38: {  	_ = 	snop;
	(pc) =	sbr.rel .LBB1_4-.Ltmp4, $1  }
0x39: {  	_ =	sdelay $0x3  }
.LBB1_6:
0x3a: {  	_ =	sfence.sel $0x180000  }
0x3b: {  	s2 =	simm.s32 $0x1;
	[bflag:$0x0] =	sbarrier.arrive $0xFFFF  }
0x3c: {  	s31 =	simm.s32 $0x2;
	[sflag:s2] =	ssyncpa.u1 $0x1  }
0x3d: {  	[sflag:s31] =	ssyncpa.u1 $0x1  }
0x3e: {  	p0 =	sne.s32 s0, $0x0;
	_ =	strace $0x9000004A  }
0x3f: {  	s0 =	sadd.s32 @!p0 $0x100000, s1;
	[bflag:$0x2] =	sbarrier.arrive $0xFFFF  }
0x40: {  	[sflag:s0] =	ssyncadd.tile.s32 @!p0 $0x1;
	_ =	shalt  }
.Lfunc_end1:
_tile_overlayer_lowered:
.L_overlay_start_2:
0x41: {  	(tag) =	ssettag $0x2  }
0x42: {  	s0 =	rddreg [dreg:$0x0];
	s2 =	stileid.u32  }
0x43: {  	s1 =	rddreg [dreg:$0x1];
	p0 =	sne.s32 s2, $0x0  }
0x44: {  	s3 =	rddreg [dreg:$0x2];
	[bflag:$0x3] =	sbarrier.arrive $0xFFFF;
	s2 =	simm.s32 @!p0 $0x1C01  }
0x45: {  	[timem:s3], [sflag:s2] =	dma.local @!p0 [hbm:s0], s1  }
0x46: {  	s0 =	simm.s32 @!p0 $0x1  }
0x47: {  	_ =	swait.ge @!p0 [sflag:s0], s1  }
0x48: {  	s1 =	ssub.s32 @!p0 $0x0, s1;
	[sflag:s0] =	ssyncset.done @!p0 $0x0  }
0x49: {  	[sflag:s0] =	ssyncadd.s32 @!p0 s1  }
0x4a: {  	[bflag:$0x3] =	sbarrier.arrive $0xFFFF  }
0x4b: {  	_ =	shalt  }

</sc_bundles>
